<compile_context>
chip_gen: v7x
topology: tpu7x:2x2x1
jax: 0.10.2.dev20260603
libtpu: 0.0.44.dev20260713+nightly
codegen_flags: <defaults>
</compile_context>

<pallas_src>
import functools

import jax
import jax.numpy as jnp
from jax import lax
from jax.experimental import pallas as pl
from jax.experimental.pallas import tpu as pltpu
from jax.experimental.pallas import tpu_sc as plsc

N = 10000
E = 160000
D = 256
H = 8
F = 32
HF = H * F
NEG = 0.2

NC = 2
NS = 16
LANES = 16

ROWS = 200
K = 8000
UB = 16
EQ = E // 4
FS = 4

ACC0 = 0
HB0 = FS * N
DN0 = HB0 + 3 * N
ERB0 = N
DNA0 = 2 * N
BIGN = 2 * FS * N


def _tc_body(x_ref, w_ref, al_ref, ar_ref, h_ref, el_ref, er_ref):
    h = jnp.dot(x_ref[...], w_ref[...], preferred_element_type=jnp.float32)
    h_ref[...] = h
    el_ref[...] = jnp.dot(h, al_ref[...], preferred_element_type=jnp.float32,
                          precision=jax.lax.Precision.HIGHEST)
    er_ref[...] = jnp.dot(h, ar_ref[...], preferred_element_type=jnp.float32,
                          precision=jax.lax.Precision.HIGHEST)


def _project(x, W, AL, AR, interpret=False):
    return pl.pallas_call(
        _tc_body,
        grid=(N // ROWS,),
        in_specs=[
            pl.BlockSpec((ROWS, D), lambda i: (i, 0)),
            pl.BlockSpec((D, HF), lambda i: (0, 0)),
            pl.BlockSpec((D, H), lambda i: (0, 0)),
            pl.BlockSpec((D, H), lambda i: (0, 0)),
        ],
        out_specs=[
            pl.BlockSpec((ROWS, HF), lambda i: (i, 0)),
            pl.BlockSpec((ROWS, H), lambda i: (i, 0)),
            pl.BlockSpec((ROWS, H), lambda i: (i, 0)),
        ],
        out_shape=[
            jax.ShapeDtypeStruct((N, HF), jnp.float32),
            jax.ShapeDtypeStruct((N, H), jnp.float32),
            jax.ShapeDtypeStruct((N, H), jnp.float32),
        ],
        interpret=interpret,
    )(x, W, AL, AR)


@functools.cache
def _make_sc_kernel():
  return functools.partial(
    pl.kernel,
    out_type=(jax.ShapeDtypeStruct((HF * N,), jnp.float32),
              jax.ShapeDtypeStruct((H * E,), jnp.float32),
              jax.ShapeDtypeStruct((H * 4 * N,), jnp.float32)),
    mesh=plsc.VectorSubcoreMesh(
        core_axis_name="c", subcore_axis_name="s", num_cores=NC,
        num_subcores=NS),
    compiler_params=pltpu.CompilerParams(needs_layout_passes=False),
    scratch_types=[
        pltpu.VMEM((BIGN,), jnp.float32),
        pltpu.VMEM((K,), jnp.int32),
        pltpu.VMEM((K,), jnp.float32),
        pltpu.VMEM((LANES,), jnp.float32),
    ],
  )(_sc_edge_body)


def _sc_edge_body(hT, elT, erT, sd, b16, out, w_hbm, dpart,
                  big, srcv, wv, bb):
    c = lax.axis_index("c")
    s = lax.axis_index("s")
    hl = s // 4
    hg = c * 4 + hl
    q = s % 4
    lane = lax.iota(jnp.int32, LANES)
    quad = lane >> 2
    lm4 = lane & 3
    zeros16 = jnp.zeros((LANES,), jnp.float32)

    pltpu.sync_copy(elT.at[pl.ds(hg * N, N)], big.at[pl.ds(0, N)])
    pltpu.sync_copy(erT.at[pl.ds(hg * N, N)], big.at[pl.ds(ERB0, N)])

    @plsc.parallel_loop(0, N // LANES, unroll=8)
    def zero_dna(i):
        big[pl.ds(DNA0 + i * LANES, LANES)] = zeros16

    base_a = q * EQ

    def chunk_a(k, carry):
        off = base_a + k * K
        pltpu.sync_copy(sd.at[pl.ds(off, K)], srcv)

        @plsc.parallel_loop(0, K // LANES, unroll=4)
        def step_a(j):
            sd16 = srcv[pl.ds(j * LANES, LANES)]
            s16 = sd16 >> 14
            d16 = sd16 & 16383
            ev = (plsc.load_gather(big, [s16])
                  + plsc.load_gather(big, [d16 + ERB0]))
            ev = jnp.maximum(ev, NEG * ev)
            w = jnp.exp(ev)
            wv[pl.ds(j * LANES, LANES)] = w
            plsc.addupdate_scatter(big, [d16 + DNA0], w)
        pltpu.sync_copy(wv, w_hbm.at[pl.ds(hg * E + off, K)])
        return carry
    lax.fori_loop(0, EQ // K, chunk_a, 0)

    pltpu.sync_copy(big.at[pl.ds(DNA0, N)],
                    dpart.at[pl.ds((hg * 4 + q) * N, N)])
    plsc.subcore_barrier()

    lnH = lm4 * N + HB0
    lnA = lm4 * N
    for p in range(2):
        slot = hg * 8 + p * 4 + q
        pltpu.sync_copy(hT.at[pl.ds(slot * FS * N, FS * N)],
                        big.at[pl.ds(HB0, FS * N)])

        @plsc.parallel_loop(0, FS * N // LANES, unroll=8)
        def zero_acc(i):
            big[pl.ds(i * LANES, LANES)] = zeros16

        def chunk_b(k, carry):
            off = k * K
            pltpu.sync_copy(sd.at[pl.ds(off, K)], srcv)
            pltpu.sync_copy(w_hbm.at[pl.ds(hg * E + off, K)], wv)

            @plsc.parallel_loop(0, K // 4, unroll=UB)
            def step_b(j):
                pat = quad + 4 * j
                sdq = plsc.load_gather(srcv, [pat])
                srcq = sdq >> 14
                dstq = sdq & 16383
                wq = plsc.load_gather(wv, [pat])
                g = plsc.load_gather(big, [srcq + lnH])
                plsc.addupdate_scatter(big, [dstq + lnA], g * wq)
            return carry
        lax.fori_loop(0, E // K, chunk_b, 0)

        pltpu.sync_copy(dpart.at[pl.ds(hg * 4 * N, N)],
                        big.at[pl.ds(DN0, N)])
        for part in range(1, 4):
            pltpu.sync_copy(dpart.at[pl.ds((hg * 4 + part) * N, N)],
                            big.at[pl.ds(HB0, N)])

            @plsc.parallel_loop(0, N // LANES, unroll=8)
            def dsum(i):
                sl = pl.ds(DN0 + i * LANES, LANES)
                big[sl] = big[sl] + big[pl.ds(HB0 + i * LANES, LANES)]

        for lf in range(FS):
            pltpu.sync_copy(b16.at[pl.ds((slot * FS + lf) * LANES, LANES)],
                            bb)
            bvec = bb[...]

            @plsc.parallel_loop(0, N // LANES, unroll=8)
            def norm(i):
                sl = pl.ds(lf * N + i * LANES, LANES)
                a = big[sl]
                db = big[pl.ds(DN0 + i * LANES, LANES)]
                big[sl] = jnp.where(db > 0.0, a / db, 0.0) + bvec
        pltpu.sync_copy(big.at[pl.ds(0, FS * N)],
                        out.at[pl.ds(slot * FS * N, FS * N)])


def kernel(x, edge_index, W, attn_l, attn_r, bias):
    x = x.astype(jnp.float32)
    W = W.astype(jnp.float32)
    al = attn_l.reshape(H, F).astype(jnp.float32)
    ar = attn_r.reshape(H, F).astype(jnp.float32)
    eye = jnp.eye(H, dtype=jnp.float32)
    AL = (eye[:, None, :] * al[:, :, None]).reshape(HF, H)
    AR = (eye[:, None, :] * ar[:, :, None]).reshape(HF, H)

    h, el, er = _project(x, W, AL, AR)

    hT = h.T.reshape(HF * N)
    elT = el.T.reshape(H * N)
    erT = er.T.reshape(H * N)
    ei = edge_index.astype(jnp.int32)
    sd = ei[0] * 16384 + ei[1]
    b16 = jnp.tile(bias.astype(jnp.float32).reshape(HF, 1),
                   (1, LANES)).reshape(HF * LANES)

    outT, _, _ = _make_sc_kernel()(hT, elT, erT, sd, b16)
    out = outT.reshape(HF, N).T
    return out

# --- scband reference (transcript-rebuilt; emitter-appended) ---
"""Pipeline reference for scband-haconv-82102594830699 (READ-ONLY COPY).

The authoritative reference and input builder live on the scoring server;
editing this copy changes nothing except your own understanding.
"""

import jax, jax.numpy as jnp
import numpy as np

N = 10000   # n_nodes
E = 160000  # n_edges
D = 256     # in_feats
H = 8       # num_heads
F = 32      # out_feats per head
NEG_SLOPE = 0.2


def setup_inputs(seed: int = 0) -> dict:
    key = jax.random.key(seed)
    ks = jax.random.split(key, 6)
    x = jax.random.normal(ks[0], (N, D), dtype=jnp.float32)
    edge_index = jax.random.randint(ks[1], (2, E), 0, N)
    # learned parameters (shared fc_src == fc_dst since share_weights=True)
    gain = float(np.sqrt(2.0))
    w_scale = gain * float(np.sqrt(2.0 / (D + H * F)))
    W = jax.random.normal(ks[2], (D, H * F), dtype=jnp.float32) * w_scale
    a_scale = gain * float(np.sqrt(2.0 / (H * F + 1)))
    attn_l = jax.random.normal(ks[3], (1, H, F), dtype=jnp.float32) * a_scale
    attn_r = jax.random.normal(ks[4], (1, H, F), dtype=jnp.float32) * a_scale
    bias = jnp.zeros((H * F,), dtype=jnp.float32)
    return {"x": x, "edge_index": edge_index, "W": W,
            "attn_l": attn_l, "attn_r": attn_r, "bias": bias}


def reference(x, edge_index, W, attn_l, attn_r, bias):
    # feat projection (fc_src == fc_dst, share_weights=True)
    h = (x @ W).reshape(-1, H, F)                       # [N, H, F]
    el = (h * attn_l).sum(axis=-1)                      # [N, H]
    er = (h * attn_r).sum(axis=-1)                      # [N, H]
    src = edge_index[0]
    dst = edge_index[1]
    # e = el_u + er_v per edge (u_add_v), then leaky relu (v2)
    e = el[src] + er[dst]                               # [E, H]
    e = jax.nn.leaky_relu(e, negative_slope=NEG_SLOPE)
    # edge softmax over incoming edges of each dst node
    e_max = jax.ops.segment_max(e, dst, num_segments=N)
    e_max = jnp.where(jnp.isfinite(e_max), e_max, 0.0)
    e_max = jax.lax.stop_gradient(e_max)
    ee = jnp.exp(e - e_max[dst])                        # [E, H]
    denom = jax.ops.segment_sum(ee, dst, num_segments=N)
    alpha = ee / (denom[dst] + 1e-9)                    # [E, H]
    # weighted message aggregation: sum_u alpha_uv * h_u
    msg = h[src] * alpha[:, :, None]                    # [E, H, F]
    out = jax.ops.segment_sum(msg, dst, num_segments=N) # [N, H, F]
    out = out.reshape(-1, H * F) + bias                 # [N, H*F]
    return out

if __name__ == "__main__":
    import jax
    _d = setup_inputs()
    print(jax.jit(kernel)(*tuple(_d.values())))

</pallas_src>

<mosaic_0001>
#map = affine_map<(d0, d1) -> (0)>
module attributes {stable_mosaic.version = 14 : i64} {
  func.func @_sc_edge_body(%arg0: i32, %arg1: i32, %arg2: memref<2560000xf32, #tpu.memory_space<hbm>>, %arg3: memref<80000xf32, #tpu.memory_space<hbm>>, %arg4: memref<80000xf32, #tpu.memory_space<hbm>>, %arg5: memref<160000xi32, #tpu.memory_space<hbm>>, %arg6: memref<4096xf32, #tpu.memory_space<hbm>>, %arg7: memref<2560000xf32, #tpu.memory_space<hbm>>, %arg8: memref<1280000xf32, #tpu.memory_space<hbm>>, %arg9: memref<320000xf32, #tpu.memory_space<hbm>>, %arg10: memref<80000xf32, #tpu.memory_space<vmem>>, %arg11: memref<8000xi32, #tpu.memory_space<vmem>>, %arg12: memref<8000xf32, #tpu.memory_space<vmem>>, %arg13: memref<16xf32, #tpu.memory_space<vmem>>) attributes {dimension_semantics = [#tpu.dimension_semantics<core_parallel>, #tpu.dimension_semantics<subcore_parallel>], iteration_bounds = array<i64: 2, 16>, scalar_prefetch = 0 : i64, scratch_operands = 4 : i64, tpu.core_type = #tpu.core_type<sc_vector_subcore>, window_params = [{transform_indices = #map}, {transform_indices = #map}, {transform_indices = #map}, {transform_indices = #map}, {transform_indices = #map}, {transform_indices = #map}, {transform_indices = #map}, {transform_indices = #map}]} {
    %jit3A = arith.constant 4 : i32
    %div3A = arith.divsi %arg1, %jit3A : i32
    %sign3A = arith.constant 0 : i32
    %sign3A_0 = arith.cmpi sgt, %arg1, %sign3A : i32
    %sign3A_1 = arith.extui %sign3A_0 : i1 to i32
    %sign3A_2 = arith.constant 0 : i32
    %sign3A_3 = arith.cmpi slt, %arg1, %sign3A_2 : i32
    %sign3A_4 = arith.extui %sign3A_3 : i1 to i32
    %sign3A_5 = arith.subi %sign3A_1, %sign3A_4 : i32
    %sign3A_6 = arith.constant 0 : i32
    %sign3A_7 = arith.cmpi sgt, %jit3A, %sign3A_6 : i32
    %sign3A_8 = arith.extui %sign3A_7 : i1 to i32
    %sign3A_9 = arith.constant 0 : i32
    %sign3A_10 = arith.cmpi slt, %jit3A, %sign3A_9 : i32
    %sign3A_11 = arith.extui %sign3A_10 : i1 to i32
    %sign3A_12 = arith.subi %sign3A_8, %sign3A_11 : i32
    %ne3A = arith.cmpi ne, %sign3A_5, %sign3A_12 : i32
    %rem3A = arith.remsi %arg1, %jit3A : i32
    %ne3A_13 = arith.constant 0 : i32
    %ne3A_14 = arith.cmpi ne, %rem3A, %ne3A_13 : i32
    %and3A = arith.andi %ne3A, %ne3A_14 : i1
    %sub3A = arith.constant 1 : i32
    %sub3A_15 = arith.subi %div3A, %sub3A : i32
    %select_n3A = arith.select %and3A, %sub3A_15, %div3A : i32
    %mul3A = arith.constant 4 : i32
    %mul3A_16 = arith.muli %arg0, %mul3A : i32
    %add3A = arith.addi %mul3A_16, %select_n3A : i32
    %jit3A_17 = arith.constant 4 : i32
    %eq3A = arith.constant 0 : i32
    %eq3A_18 = arith.cmpi eq, %jit3A_17, %eq3A : i32
    %jit3A_19 = arith.constant 1 : i32
    %select_n3A_20 = arith.select %eq3A_18, %jit3A_19, %jit3A_17 : i32
    %rem3A_21 = arith.remsi %arg1, %select_n3A_20 : i32
    %ne3A_22 = arith.constant 0 : i32
    %ne3A_23 = arith.cmpi ne, %rem3A_21, %ne3A_22 : i32
    %lt3A = arith.constant 0 : i32
    %lt3A_24 = arith.cmpi slt, %rem3A_21, %lt3A : i32
    %lt3A_25 = arith.constant 0 : i32
    %lt3A_26 = arith.cmpi slt, %select_n3A_20, %lt3A_25 : i32
    %ne3A_27 = arith.xori %lt3A_24, %lt3A_26 : i1
    %and3A_28 = arith.andi %ne3A_27, %ne3A_23 : i1
    %add3A_29 = arith.addi %rem3A_21, %select_n3A_20 : i32
    %select_n3A_30 = arith.select %and3A_28, %add3A_29, %rem3A_21 : i32
    %iota3A = tpu.iota {dimensions = array<i32: 0>} : vector<16xi32>
    %shift_right_arithmetic3A = arith.constant 2 : i32
    %shift_right_arithmetic3A_31 = vector.broadcast %shift_right_arithmetic3A : i32 to vector<16xi32>
    %shift_right_arithmetic3A_32 = arith.shrsi %iota3A, %shift_right_arithmetic3A_31 : vector<16xi32>
    %and3A_33 = arith.constant 3 : i32
    %and3A_34 = vector.broadcast %and3A_33 : i32 to vector<16xi32>
    %and3A_35 = arith.andi %iota3A, %and3A_34 : vector<16xi32>
    %broadcast_in_dim3A = arith.constant 0.000000e+00 : f32
    %broadcast_in_dim3A_36 = vector.broadcast %broadcast_in_dim3A : f32 to vector<16xf32>
    %mul3A_37 = arith.constant 10000 : i32
    %mul3A_38 = arith.muli %add3A, %mul3A_37 : i32
    "tpu.region"() ({
      %run_scoped3A = tpu.sem_alloc : memref<!tpu.dma_semaphore, #tpu.memory_space<semaphore_mem>>
      %dma_start3A = arith.constant 0 : i32
      %dma_start3A_257 = tpu.memref_slice %arg10[%dma_start3A] : memref<80000xf32, #tpu.memory_space<vmem>> -> memref<10000xf32, #tpu.memory_space<vmem>>
      %dma_start3A_258 = tpu.memref_slice %arg3[%mul3A_38] : memref<80000xf32, #tpu.memory_space<hbm>> -> memref<10000xf32, #tpu.memory_space<hbm>>
      %dma_start3A_259 = arith.constant 0 : i32
      %dma_start3A_260 = tpu.memref_slice %arg10[%dma_start3A_259] : memref<80000xf32, #tpu.memory_space<vmem>> -> memref<10000xf32, #tpu.memory_space<vmem>>
      %dma_start3A_261 = tpu.memref_slice %arg3[%mul3A_38] : memref<80000xf32, #tpu.memory_space<hbm>> -> memref<10000xf32, #tpu.memory_space<hbm>>
      tpu.enqueue_dma source(%dma_start3A_261 : memref<10000xf32, #tpu.memory_space<hbm>>) target(%dma_start3A_260 : memref<10000xf32, #tpu.memory_space<vmem>>) target_semaphore(%run_scoped3A : memref<!tpu.dma_semaphore, #tpu.memory_space<semaphore_mem>>)
      %dma_wait3A = arith.constant 0 : i32
      %dma_wait3A_262 = tpu.memref_slice %arg10[%dma_wait3A] : memref<80000xf32, #tpu.memory_space<vmem>> -> memref<10000xf32, #tpu.memory_space<vmem>>
      %dma_wait3A_263 = tpu.memref_slice %arg3[%mul3A_38] : memref<80000xf32, #tpu.memory_space<hbm>> -> memref<10000xf32, #tpu.memory_space<hbm>>
      %dma_wait3A_264 = arith.constant 0 : i32
      %dma_wait3A_265 = tpu.memref_slice %arg10[%dma_wait3A_264] : memref<80000xf32, #tpu.memory_space<vmem>> -> memref<10000xf32, #tpu.memory_space<vmem>>
      %dma_wait3A_266 = tpu.memref_slice %arg3[%mul3A_38] : memref<80000xf32, #tpu.memory_space<hbm>> -> memref<10000xf32, #tpu.memory_space<hbm>>
      tpu.wait_dma2 semaphore(%run_scoped3A : memref<!tpu.dma_semaphore, #tpu.memory_space<semaphore_mem>>) src(%dma_wait3A_266 : memref<10000xf32, #tpu.memory_space<hbm>>) dst(%dma_wait3A_265 : memref<10000xf32, #tpu.memory_space<vmem>>)
      tpu.yield
    }) : () -> ()
    %mul3A_39 = arith.constant 10000 : i32
    %mul3A_40 = arith.muli %add3A, %mul3A_39 : i32
    "tpu.region"() ({
      %run_scoped3A = tpu.sem_alloc : memref<!tpu.dma_semaphore, #tpu.memory_space<semaphore_mem>>
      %dma_start3A = arith.constant 10000 : i32
      %dma_start3A_257 = tpu.memref_slice %arg10[%dma_start3A] : memref<80000xf32, #tpu.memory_space<vmem>> -> memref<10000xf32, #tpu.memory_space<vmem>>
      %dma_start3A_258 = tpu.memref_slice %arg4[%mul3A_40] : memref<80000xf32, #tpu.memory_space<hbm>> -> memref<10000xf32, #tpu.memory_space<hbm>>
      %dma_start3A_259 = arith.constant 10000 : i32
      %dma_start3A_260 = tpu.memref_slice %arg10[%dma_start3A_259] : memref<80000xf32, #tpu.memory_space<vmem>> -> memref<10000xf32, #tpu.memory_space<vmem>>
      %dma_start3A_261 = tpu.memref_slice %arg4[%mul3A_40] : memref<80000xf32, #tpu.memory_space<hbm>> -> memref<10000xf32, #tpu.memory_space<hbm>>
      tpu.enqueue_dma source(%dma_start3A_261 : memref<10000xf32, #tpu.memory_space<hbm>>) target(%dma_start3A_260 : memref<10000xf32, #tpu.memory_space<vmem>>) target_semaphore(%run_scoped3A : memref<!tpu.dma_semaphore, #tpu.memory_space<semaphore_mem>>)
      %dma_wait3A = arith.constant 10000 : i32
      %dma_wait3A_262 = tpu.memref_slice %arg10[%dma_wait3A] : memref<80000xf32, #tpu.memory_space<vmem>> -> memref<10000xf32, #tpu.memory_space<vmem>>
      %dma_wait3A_263 = tpu.memref_slice %arg4[%mul3A_40] : memref<80000xf32, #tpu.memory_space<hbm>> -> memref<10000xf32, #tpu.memory_space<hbm>>
      %dma_wait3A_264 = arith.constant 10000 : i32
      %dma_wait3A_265 = tpu.memref_slice %arg10[%dma_wait3A_264] : memref<80000xf32, #tpu.memory_space<vmem>> -> memref<10000xf32, #tpu.memory_space<vmem>>
      %dma_wait3A_266 = tpu.memref_slice %arg4[%mul3A_40] : memref<80000xf32, #tpu.memory_space<hbm>> -> memref<10000xf32, #tpu.memory_space<hbm>>
      tpu.wait_dma2 semaphore(%run_scoped3A : memref<!tpu.dma_semaphore, #tpu.memory_space<semaphore_mem>>) src(%dma_wait3A_266 : memref<10000xf32, #tpu.memory_space<hbm>>) dst(%dma_wait3A_265 : memref<10000xf32, #tpu.memory_space<vmem>>)
      tpu.yield
    }) : () -> ()
    %parallel_loop3A = arith.constant 0 : i32
    %parallel_loop3A_41 = arith.constant 625 : i32
    %parallel_loop3A_42 = arith.constant 1 : i32
    scf.for %parallel_loop3A_257 = %parallel_loop3A to %parallel_loop3A_41 step %parallel_loop3A_42  : i32 {
      %parallel_loop3A_258 = arith.constant 16 : i32
      %parallel_loop3A_259 = arith.muli %parallel_loop3A_257, %parallel_loop3A_258 : i32
      %parallel_loop3A_260 = arith.constant 20000 : i32
      %parallel_loop3A_261 = arith.addi %parallel_loop3A_260, %parallel_loop3A_259 : i32
      %parallel_loop3A_262 = arith.index_cast %parallel_loop3A_261 : i32 to index
      %parallel_loop3A_263 = tpu.vector_load %arg10[%parallel_loop3A_262] {strides = array<i32>} : memref<80000xf32, #tpu.memory_space<vmem>>, vector<16xf32>,
      tpu.vector_store %arg10[%parallel_loop3A_262], %broadcast_in_dim3A_36 {strides = array<i32>} : memref<80000xf32, #tpu.memory_space<vmem>>, vector<16xf32>,
    } {sc.loop_unroll_factor = 8 : i64, sc.parallel_access}
    %mul3A_43 = arith.constant 40000 : i32
    %mul3A_44 = arith.muli %select_n3A_30, %mul3A_43 : i32
    %scan3A = arith.constant 0 : i32
    %scan3A_45 = arith.constant 0 : i32
    %scan3A_46 = arith.constant 5 : i32
    %scan3A_47 = arith.addi %scan3A_45, %scan3A_46 : i32
    %scan3A_48 = arith.constant 1 : i32
    scf.for %scan3A_257 = %scan3A_45 to %scan3A_47 step %scan3A_48  : i32 {
      %mul3A_258 = arith.constant 8000 : i32
      %mul3A_259 = arith.muli %scan3A_257, %mul3A_258 : i32
      %add3A_260 = arith.addi %mul3A_44, %mul3A_259 : i32
      "tpu.region"() ({
        %run_scoped3A = tpu.sem_alloc : memref<!tpu.dma_semaphore, #tpu.memory_space<semaphore_mem>>
        %dma_start3A = tpu.memref_slice %arg5[%add3A_260] : memref<160000xi32, #tpu.memory_space<hbm>> -> memref<8000xi32, #tpu.memory_space<hbm>>
        %dma_start3A_267 = tpu.memref_slice %arg5[%add3A_260] : memref<160000xi32, #tpu.memory_space<hbm>> -> memref<8000xi32, #tpu.memory_space<hbm>>
        tpu.enqueue_dma source(%dma_start3A_267 : memref<8000xi32, #tpu.memory_space<hbm>>) target(%arg11 : memref<8000xi32, #tpu.memory_space<vmem>>) target_semaphore(%run_scoped3A : memref<!tpu.dma_semaphore, #tpu.memory_space<semaphore_mem>>)
        %dma_wait3A = tpu.memref_slice %arg5[%add3A_260] : memref<160000xi32, #tpu.memory_space<hbm>> -> memref<8000xi32, #tpu.memory_space<hbm>>
        %dma_wait3A_268 = tpu.memref_slice %arg5[%add3A_260] : memref<160000xi32, #tpu.memory_space<hbm>> -> memref<8000xi32, #tpu.memory_space<hbm>>
        tpu.wait_dma2 semaphore(%run_scoped3A : memref<!tpu.dma_semaphore, #tpu.memory_space<semaphore_mem>>) src(%dma_wait3A_268 : memref<8000xi32, #tpu.memory_space<hbm>>) dst(%arg11 : memref<8000xi32, #tpu.memory_space<vmem>>)
        tpu.yield
      }) : () -> ()
      %parallel_loop3A_261 = arith.constant 0 : i32
      %parallel_loop3A_262 = arith.constant 500 : i32
      %parallel_loop3A_263 = arith.constant 1 : i32
      scf.for %parallel_loop3A_267 = %parallel_loop3A_261 to %parallel_loop3A_262 step %parallel_loop3A_263  : i32 {
        %parallel_loop3A_268 = arith.constant 16 : i32
        %parallel_loop3A_269 = arith.muli %parallel_loop3A_267, %parallel_loop3A_268 : i32
        %parallel_loop3A_270 = arith.index_cast %parallel_loop3A_269 : i32 to index
        %parallel_loop3A_271 = tpu.vector_load %arg11[%parallel_loop3A_270] {strides = array<i32>} : memref<8000xi32, #tpu.memory_space<vmem>>, vector<16xi32>,
        %parallel_loop3A_272 = arith.constant 14 : i32
        %parallel_loop3A_273 = vector.broadcast %parallel_loop3A_272 : i32 to vector<16xi32>
        %parallel_loop3A_274 = arith.shrsi %parallel_loop3A_271, %parallel_loop3A_273 : vector<16xi32>
        %parallel_loop3A_275 = arith.constant 16383 : i32
        %parallel_loop3A_276 = vector.broadcast %parallel_loop3A_275 : i32 to vector<16xi32>
        %parallel_loop3A_277 = arith.andi %parallel_loop3A_271, %parallel_loop3A_276 : vector<16xi32>
        %parallel_loop3A_278 = tpu.vector_load_idx %arg10[%parallel_loop3A_274] : memref<80000xf32, #tpu.memory_space<vmem>>[vector<16xi32>], vector<16xf32>,
        %parallel_loop3A_279 = arith.constant 10000 : i32
        %parallel_loop3A_280 = vector.broadcast %parallel_loop3A_279 : i32 to vector<16xi32>
        %parallel_loop3A_281 = arith.addi %parallel_loop3A_277, %parallel_loop3A_280 : vector<16xi32>
        %parallel_loop3A_282 = tpu.vector_load_idx %arg10[%parallel_loop3A_281] : memref<80000xf32, #tpu.memory_space<vmem>>[vector<16xi32>], vector<16xf32>,
        %parallel_loop3A_283 = arith.addf %parallel_loop3A_278, %parallel_loop3A_282 : vector<16xf32>
        %parallel_loop3A_284 = arith.constant 2.000000e-01 : f32
        %parallel_loop3A_285 = vector.broadcast %parallel_loop3A_284 : f32 to vector<16xf32>
        %parallel_loop3A_286 = arith.mulf %parallel_loop3A_285, %parallel_loop3A_283 : vector<16xf32>
        %parallel_loop3A_287 = arith.maximumf %parallel_loop3A_283, %parallel_loop3A_286 : vector<16xf32>
        %parallel_loop3A_288 = math.exp %parallel_loop3A_287 : vector<16xf32>
        %parallel_loop3A_289 = arith.constant 16 : i32
        %parallel_loop3A_290 = arith.muli %parallel_loop3A_267, %parallel_loop3A_289 : i32
        %parallel_loop3A_291 = arith.index_cast %parallel_loop3A_290 : i32 to index
        %parallel_loop3A_292 = tpu.vector_load %arg12[%parallel_loop3A_291] {strides = array<i32>} : memref<8000xf32, #tpu.memory_space<vmem>>, vector<16xf32>,
        tpu.vector_store %arg12[%parallel_loop3A_291], %parallel_loop3A_288 {strides = array<i32>} : memref<8000xf32, #tpu.memory_space<vmem>>, vector<16xf32>,
        %parallel_loop3A_293 = arith.constant 20000 : i32
        %parallel_loop3A_294 = vector.broadcast %parallel_loop3A_293 : i32 to vector<16xi32>
        %parallel_loop3A_295 = arith.addi %parallel_loop3A_277, %parallel_loop3A_294 : vector<16xi32>
        tpu.vector_store_idx %arg10[%parallel_loop3A_295], %parallel_loop3A_288 {add = true} : memref<80000xf32, #tpu.memory_space<vmem>>[vector<16xi32>], vector<16xf32>,
      } {sc.loop_unroll_factor = 4 : i64, sc.parallel_access}
      %mul3A_264 = arith.constant 160000 : i32
      %mul3A_265 = arith.muli %add3A, %mul3A_264 : i32
      %add3A_266 = arith.addi %mul3A_265, %add3A_260 : i32
      "tpu.region"() ({
        %run_scoped3A = tpu.sem_alloc : memref<!tpu.dma_semaphore, #tpu.memory_space<semaphore_mem>>
        %dma_start3A = tpu.memref_slice %arg8[%add3A_266] : memref<1280000xf32, #tpu.memory_space<hbm>> -> memref<8000xf32, #tpu.memory_space<hbm>>
        %dma_start3A_267 = tpu.memref_slice %arg8[%add3A_266] : memref<1280000xf32, #tpu.memory_space<hbm>> -> memref<8000xf32, #tpu.memory_space<hbm>>
        tpu.enqueue_dma source(%arg12 : memref<8000xf32, #tpu.memory_space<vmem>>) target(%dma_start3A_267 : memref<8000xf32, #tpu.memory_space<hbm>>) target_semaphore(%run_scoped3A : memref<!tpu.dma_semaphore, #tpu.memory_space<semaphore_mem>>)
        %dma_wait3A = tpu.memref_slice %arg8[%add3A_266] : memref<1280000xf32, #tpu.memory_space<hbm>> -> memref<8000xf32, #tpu.memory_space<hbm>>
        %dma_wait3A_268 = tpu.memref_slice %arg8[%add3A_266] : memref<1280000xf32, #tpu.memory_space<hbm>> -> memref<8000xf32, #tpu.memory_space<hbm>>
        tpu.wait_dma2 semaphore(%run_scoped3A : memref<!tpu.dma_semaphore, #tpu.memory_space<semaphore_mem>>) src(%arg12 : memref<8000xf32, #tpu.memory_space<vmem>>) dst(%dma_wait3A_268 : memref<8000xf32, #tpu.memory_space<hbm>>)
        tpu.yield
      }) : () -> ()
    }
    %scan3A_49 = arith.constant 5 : i32
    %mul3A_50 = arith.constant 4 : i32
    %mul3A_51 = arith.muli %add3A, %mul3A_50 : i32
    %add3A_52 = arith.addi %mul3A_51, %select_n3A_30 : i32
    %mul3A_53 = arith.constant 10000 : i32
    %mul3A_54 = arith.muli %add3A_52, %mul3A_53 : i32
    "tpu.region"() ({
      %run_scoped3A = tpu.sem_alloc : memref<!tpu.dma_semaphore, #tpu.memory_space<semaphore_mem>>
      %dma_start3A = arith.constant 20000 : i32
      %dma_start3A_257 = tpu.memref_slice %arg10[%dma_start3A] : memref<80000xf32, #tpu.memory_space<vmem>> -> memref<10000xf32, #tpu.memory_space<vmem>>
      %dma_start3A_258 = tpu.memref_slice %arg9[%mul3A_54] : memref<320000xf32, #tpu.memory_space<hbm>> -> memref<10000xf32, #tpu.memory_space<hbm>>
      %dma_start3A_259 = tpu.memref_slice %arg9[%mul3A_54] : memref<320000xf32, #tpu.memory_space<hbm>> -> memref<10000xf32, #tpu.memory_space<hbm>>
      %dma_start3A_260 = arith.constant 20000 : i32
      %dma_start3A_261 = tpu.memref_slice %arg10[%dma_start3A_260] : memref<80000xf32, #tpu.memory_space<vmem>> -> memref<10000xf32, #tpu.memory_space<vmem>>
      tpu.enqueue_dma source(%dma_start3A_261 : memref<10000xf32, #tpu.memory_space<vmem>>) target(%dma_start3A_259 : memref<10000xf32, #tpu.memory_space<hbm>>) target_semaphore(%run_scoped3A : memref<!tpu.dma_semaphore, #tpu.memory_space<semaphore_mem>>)
      %dma_wait3A = arith.constant 20000 : i32
      %dma_wait3A_262 = tpu.memref_slice %arg10[%dma_wait3A] : memref<80000xf32, #tpu.memory_space<vmem>> -> memref<10000xf32, #tpu.memory_space<vmem>>
      %dma_wait3A_263 = tpu.memref_slice %arg9[%mul3A_54] : memref<320000xf32, #tpu.memory_space<hbm>> -> memref<10000xf32, #tpu.memory_space<hbm>>
      %dma_wait3A_264 = tpu.memref_slice %arg9[%mul3A_54] : memref<320000xf32, #tpu.memory_space<hbm>> -> memref<10000xf32, #tpu.memory_space<hbm>>
      %dma_wait3A_265 = arith.constant 20000 : i32
      %dma_wait3A_266 = tpu.memref_slice %arg10[%dma_wait3A_265] : memref<80000xf32, #tpu.memory_space<vmem>> -> memref<10000xf32, #tpu.memory_space<vmem>>
      tpu.wait_dma2 semaphore(%run_scoped3A : memref<!tpu.dma_semaphore, #tpu.memory_space<semaphore_mem>>) src(%dma_wait3A_266 : memref<10000xf32, #tpu.memory_space<vmem>>) dst(%dma_wait3A_264 : memref<10000xf32, #tpu.memory_space<hbm>>)
      tpu.yield
    }) : () -> ()
    %barrier3A = arith.constant 0 : index
    tpu.barrier barrier_id(%barrier3A)
    %mul3A_55 = arith.constant 10000 : i32
    %mul3A_56 = vector.broadcast %mul3A_55 : i32 to vector<16xi32>
    %mul3A_57 = arith.muli %and3A_35, %mul3A_56 : vector<16xi32>
    %add3A_58 = arith.constant 40000 : i32
    %add3A_59 = vector.broadcast %add3A_58 : i32 to vector<16xi32>
    %add3A_60 = arith.addi %mul3A_57, %add3A_59 : vector<16xi32>
    %mul3A_61 = arith.constant 10000 : i32
    %mul3A_62 = vector.broadcast %mul3A_61 : i32 to vector<16xi32>
    %mul3A_63 = arith.muli %and3A_35, %mul3A_62 : vector<16xi32>
    %mul3A_64 = arith.constant 8 : i32
    %mul3A_65 = arith.muli %add3A, %mul3A_64 : i32
    %add3A_66 = arith.constant 0 : i32
    %add3A_67 = arith.addi %mul3A_65, %add3A_66 : i32
    %add3A_68 = arith.addi %add3A_67, %select_n3A_30 : i32
    %mul3A_69 = arith.constant 4 : i32
    %mul3A_70 = arith.muli %add3A_68, %mul3A_69 : i32
    %mul3A_71 = arith.constant 10000 : i32
    %mul3A_72 = arith.muli %mul3A_70, %mul3A_71 : i32
    "tpu.region"() ({
      %run_scoped3A = tpu.sem_alloc : memref<!tpu.dma_semaphore, #tpu.memory_space<semaphore_mem>>
      %dma_start3A = arith.constant 40000 : i32
      %dma_start3A_257 = tpu.memref_slice %arg10[%dma_start3A] : memref<80000xf32, #tpu.memory_space<vmem>> -> memref<40000xf32, #tpu.memory_space<vmem>>
      %dma_start3A_258 = tpu.memref_slice %arg2[%mul3A_72] : memref<2560000xf32, #tpu.memory_space<hbm>> -> memref<40000xf32, #tpu.memory_space<hbm>>
      %dma_start3A_259 = arith.constant 40000 : i32
      %dma_start3A_260 = tpu.memref_slice %arg10[%dma_start3A_259] : memref<80000xf32, #tpu.memory_space<vmem>> -> memref<40000xf32, #tpu.memory_space<vmem>>
      %dma_start3A_261 = tpu.memref_slice %arg2[%mul3A_72] : memref<2560000xf32, #tpu.memory_space<hbm>> -> memref<40000xf32, #tpu.memory_space<hbm>>
      tpu.enqueue_dma source(%dma_start3A_261 : memref<40000xf32, #tpu.memory_space<hbm>>) target(%dma_start3A_260 : memref<40000xf32, #tpu.memory_space<vmem>>) target_semaphore(%run_scoped3A : memref<!tpu.dma_semaphore, #tpu.memory_space<semaphore_mem>>)
      %dma_wait3A = arith.constant 40000 : i32
      %dma_wait3A_262 = tpu.memref_slice %arg10[%dma_wait3A] : memref<80000xf32, #tpu.memory_space<vmem>> -> memref<40000xf32, #tpu.memory_space<vmem>>
      %dma_wait3A_263 = tpu.memref_slice %arg2[%mul3A_72] : memref<2560000xf32, #tpu.memory_space<hbm>> -> memref<40000xf32, #tpu.memory_space<hbm>>
      %dma_wait3A_264 = arith.constant 40000 : i32
      %dma_wait3A_265 = tpu.memref_slice %arg10[%dma_wait3A_264] : memref<80000xf32, #tpu.memory_space<vmem>> -> memref<40000xf32, #tpu.memory_space<vmem>>
      %dma_wait3A_266 = tpu.memref_slice %arg2[%mul3A_72] : memref<2560000xf32, #tpu.memory_space<hbm>> -> memref<40000xf32, #tpu.memory_space<hbm>>
      tpu.wait_dma2 semaphore(%run_scoped3A : memref<!tpu.dma_semaphore, #tpu.memory_space<semaphore_mem>>) src(%dma_wait3A_266 : memref<40000xf32, #tpu.memory_space<hbm>>) dst(%dma_wait3A_265 : memref<40000xf32, #tpu.memory_space<vmem>>)
      tpu.yield
    }) : () -> ()
    %parallel_loop3A_73 = arith.constant 0 : i32
    %parallel_loop3A_74 = arith.constant 2500 : i32
    %parallel_loop3A_75 = arith.constant 1 : i32
    scf.for %parallel_loop3A_257 = %parallel_loop3A_73 to %parallel_loop3A_74 step %parallel_loop3A_75  : i32 {
      %parallel_loop3A_258 = arith.constant 16 : i32
      %parallel_loop3A_259 = arith.muli %parallel_loop3A_257, %parallel_loop3A_258 : i32
      %parallel_loop3A_260 = arith.index_cast %parallel_loop3A_259 : i32 to index
      %parallel_loop3A_261 = tpu.vector_load %arg10[%parallel_loop3A_260] {strides = array<i32>} : memref<80000xf32, #tpu.memory_space<vmem>>, vector<16xf32>,
      tpu.vector_store %arg10[%parallel_loop3A_260], %broadcast_in_dim3A_36 {strides = array<i32>} : memref<80000xf32, #tpu.memory_space<vmem>>, vector<16xf32>,
    } {sc.loop_unroll_factor = 8 : i64, sc.parallel_access}
    %scan3A_76 = arith.constant 0 : i32
    %scan3A_77 = arith.constant 0 : i32
    %scan3A_78 = arith.constant 20 : i32
    %scan3A_79 = arith.addi %scan3A_77, %scan3A_78 : i32
    %scan3A_80 = arith.constant 1 : i32
    scf.for %scan3A_257 = %scan3A_77 to %scan3A_79 step %scan3A_80  : i32 {
      %mul3A_258 = arith.constant 8000 : i32
      %mul3A_259 = arith.muli %scan3A_257, %mul3A_258 : i32
      "tpu.region"() ({
        %run_scoped3A = tpu.sem_alloc : memref<!tpu.dma_semaphore, #tpu.memory_space<semaphore_mem>>
        %dma_start3A = tpu.memref_slice %arg5[%mul3A_259] : memref<160000xi32, #tpu.memory_space<hbm>> -> memref<8000xi32, #tpu.memory_space<hbm>>
        %dma_start3A_266 = tpu.memref_slice %arg5[%mul3A_259] : memref<160000xi32, #tpu.memory_space<hbm>> -> memref<8000xi32, #tpu.memory_space<hbm>>
        tpu.enqueue_dma source(%dma_start3A_266 : memref<8000xi32, #tpu.memory_space<hbm>>) target(%arg11 : memref<8000xi32, #tpu.memory_space<vmem>>) target_semaphore(%run_scoped3A : memref<!tpu.dma_semaphore, #tpu.memory_space<semaphore_mem>>)
        %dma_wait3A = tpu.memref_slice %arg5[%mul3A_259] : memref<160000xi32, #tpu.memory_space<hbm>> -> memref<8000xi32, #tpu.memory_space<hbm>>
        %dma_wait3A_267 = tpu.memref_slice %arg5[%mul3A_259] : memref<160000xi32, #tpu.memory_space<hbm>> -> memref<8000xi32, #tpu.memory_space<hbm>>
        tpu.wait_dma2 semaphore(%run_scoped3A : memref<!tpu.dma_semaphore, #tpu.memory_space<semaphore_mem>>) src(%dma_wait3A_267 : memref<8000xi32, #tpu.memory_space<hbm>>) dst(%arg11 : memref<8000xi32, #tpu.memory_space<vmem>>)
        tpu.yield
      }) : () -> ()
      %mul3A_260 = arith.constant 160000 : i32
      %mul3A_261 = arith.muli %add3A, %mul3A_260 : i32
      %add3A_262 = arith.addi %mul3A_261, %mul3A_259 : i32
      "tpu.region"() ({
        %run_scoped3A = tpu.sem_alloc : memref<!tpu.dma_semaphore, #tpu.memory_space<semaphore_mem>>
        %dma_start3A = tpu.memref_slice %arg8[%add3A_262] : memref<1280000xf32, #tpu.memory_space<hbm>> -> memref<8000xf32, #tpu.memory_space<hbm>>
        %dma_start3A_266 = tpu.memref_slice %arg8[%add3A_262] : memref<1280000xf32, #tpu.memory_space<hbm>> -> memref<8000xf32, #tpu.memory_space<hbm>>
        tpu.enqueue_dma source(%dma_start3A_266 : memref<8000xf32, #tpu.memory_space<hbm>>) target(%arg12 : memref<8000xf32, #tpu.memory_space<vmem>>) target_semaphore(%run_scoped3A : memref<!tpu.dma_semaphore, #tpu.memory_space<semaphore_mem>>)
        %dma_wait3A = tpu.memref_slice %arg8[%add3A_262] : memref<1280000xf32, #tpu.memory_space<hbm>> -> memref<8000xf32, #tpu.memory_space<hbm>>
        %dma_wait3A_267 = tpu.memref_slice %arg8[%add3A_262] : memref<1280000xf32, #tpu.memory_space<hbm>> -> memref<8000xf32, #tpu.memory_space<hbm>>
        tpu.wait_dma2 semaphore(%run_scoped3A : memref<!tpu.dma_semaphore, #tpu.memory_space<semaphore_mem>>) src(%dma_wait3A_267 : memref<8000xf32, #tpu.memory_space<hbm>>) dst(%arg12 : memref<8000xf32, #tpu.memory_space<vmem>>)
        tpu.yield
      }) : () -> ()
      %parallel_loop3A_263 = arith.constant 0 : i32
      %parallel_loop3A_264 = arith.constant 2000 : i32
      %parallel_loop3A_265 = arith.constant 1 : i32
      scf.for %parallel_loop3A_266 = %parallel_loop3A_263 to %parallel_loop3A_264 step %parallel_loop3A_265  : i32 {
        %parallel_loop3A_267 = arith.constant 4 : i32
        %parallel_loop3A_268 = arith.muli %parallel_loop3A_267, %parallel_loop3A_266 : i32
        %parallel_loop3A_269 = vector.broadcast %parallel_loop3A_268 : i32 to vector<16xi32>
        %parallel_loop3A_270 = arith.addi %shift_right_arithmetic3A_32, %parallel_loop3A_269 : vector<16xi32>
        %parallel_loop3A_271 = tpu.vector_load_idx %arg11[%parallel_loop3A_270] : memref<8000xi32, #tpu.memory_space<vmem>>[vector<16xi32>], vector<16xi32>,
        %parallel_loop3A_272 = arith.constant 14 : i32
        %parallel_loop3A_273 = vector.broadcast %parallel_loop3A_272 : i32 to vector<16xi32>
        %parallel_loop3A_274 = arith.shrsi %parallel_loop3A_271, %parallel_loop3A_273 : vector<16xi32>
        %parallel_loop3A_275 = arith.constant 16383 : i32
        %parallel_loop3A_276 = vector.broadcast %parallel_loop3A_275 : i32 to vector<16xi32>
        %parallel_loop3A_277 = arith.andi %parallel_loop3A_271, %parallel_loop3A_276 : vector<16xi32>
        %parallel_loop3A_278 = tpu.vector_load_idx %arg12[%parallel_loop3A_270] : memref<8000xf32, #tpu.memory_space<vmem>>[vector<16xi32>], vector<16xf32>,
        %parallel_loop3A_279 = arith.addi %parallel_loop3A_274, %add3A_60 : vector<16xi32>
        %parallel_loop3A_280 = tpu.vector_load_idx %arg10[%parallel_loop3A_279] : memref<80000xf32, #tpu.memory_space<vmem>>[vector<16xi32>], vector<16xf32>,
        %parallel_loop3A_281 = arith.addi %parallel_loop3A_277, %mul3A_63 : vector<16xi32>
        %parallel_loop3A_282 = arith.mulf %parallel_loop3A_280, %parallel_loop3A_278 : vector<16xf32>
        tpu.vector_store_idx %arg10[%parallel_loop3A_281], %parallel_loop3A_282 {add = true} : memref<80000xf32, #tpu.memory_space<vmem>>[vector<16xi32>], vector<16xf32>,
      } {sc.loop_unroll_factor = 16 : i64, sc.parallel_access}
    }
    %scan3A_81 = arith.constant 20 : i32
    %mul3A_82 = arith.constant 4 : i32
    %mul3A_83 = arith.muli %add3A, %mul3A_82 : i32
    %mul3A_84 = arith.constant 10000 : i32
    %mul3A_85 = arith.muli %mul3A_83, %mul3A_84 : i32
    "tpu.region"() ({
      %run_scoped3A = tpu.sem_alloc : memref<!tpu.dma_semaphore, #tpu.memory_space<semaphore_mem>>
      %dma_start3A = arith.constant 70000 : i32
      %dma_start3A_257 = tpu.memref_slice %arg10[%dma_start3A] : memref<80000xf32, #tpu.memory_space<vmem>> -> memref<10000xf32, #tpu.memory_space<vmem>>
      %dma_start3A_258 = tpu.memref_slice %arg9[%mul3A_85] : memref<320000xf32, #tpu.memory_space<hbm>> -> memref<10000xf32, #tpu.memory_space<hbm>>
      %dma_start3A_259 = arith.constant 70000 : i32
      %dma_start3A_260 = tpu.memref_slice %arg10[%dma_start3A_259] : memref<80000xf32, #tpu.memory_space<vmem>> -> memref<10000xf32, #tpu.memory_space<vmem>>
      %dma_start3A_261 = tpu.memref_slice %arg9[%mul3A_85] : memref<320000xf32, #tpu.memory_space<hbm>> -> memref<10000xf32, #tpu.memory_space<hbm>>
      tpu.enqueue_dma source(%dma_start3A_261 : memref<10000xf32, #tpu.memory_space<hbm>>) target(%dma_start3A_260 : memref<10000xf32, #tpu.memory_space<vmem>>) target_semaphore(%run_scoped3A : memref<!tpu.dma_semaphore, #tpu.memory_space<semaphore_mem>>)
      %dma_wait3A = arith.constant 70000 : i32
      %dma_wait3A_262 = tpu.memref_slice %arg10[%dma_wait3A] : memref<80000xf32, #tpu.memory_space<vmem>> -> memref<10000xf32, #tpu.memory_space<vmem>>
      %dma_wait3A_263 = tpu.memref_slice %arg9[%mul3A_85] : memref<320000xf32, #tpu.memory_space<hbm>> -> memref<10000xf32, #tpu.memory_space<hbm>>
      %dma_wait3A_264 = arith.constant 70000 : i32
      %dma_wait3A_265 = tpu.memref_slice %arg10[%dma_wait3A_264] : memref<80000xf32, #tpu.memory_space<vmem>> -> memref<10000xf32, #tpu.memory_space<vmem>>
      %dma_wait3A_266 = tpu.memref_slice %arg9[%mul3A_85] : memref<320000xf32, #tpu.memory_space<hbm>> -> memref<10000xf32, #tpu.memory_space<hbm>>
      tpu.wait_dma2 semaphore(%run_scoped3A : memref<!tpu.dma_semaphore, #tpu.memory_space<semaphore_mem>>) src(%dma_wait3A_266 : memref<10000xf32, #tpu.memory_space<hbm>>) dst(%dma_wait3A_265 : memref<10000xf32, #tpu.memory_space<vmem>>)
      tpu.yield
    }) : () -> ()
    %mul3A_86 = arith.constant 4 : i32
    %mul3A_87 = arith.muli %add3A, %mul3A_86 : i32
    %add3A_88 = arith.constant 1 : i32
    %add3A_89 = arith.addi %mul3A_87, %add3A_88 : i32
    %mul3A_90 = arith.constant 10000 : i32
    %mul3A_91 = arith.muli %add3A_89, %mul3A_90 : i32
    "tpu.region"() ({
      %run_scoped3A = tpu.sem_alloc : memref<!tpu.dma_semaphore, #tpu.memory_space<semaphore_mem>>
      %dma_start3A = arith.constant 40000 : i32
      %dma_start3A_257 = tpu.memref_slice %arg10[%dma_start3A] : memref<80000xf32, #tpu.memory_space<vmem>> -> memref<10000xf32, #tpu.memory_space<vmem>>
      %dma_start3A_258 = tpu.memref_slice %arg9[%mul3A_91] : memref<320000xf32, #tpu.memory_space<hbm>> -> memref<10000xf32, #tpu.memory_space<hbm>>
      %dma_start3A_259 = arith.constant 40000 : i32
      %dma_start3A_260 = tpu.memref_slice %arg10[%dma_start3A_259] : memref<80000xf32, #tpu.memory_space<vmem>> -> memref<10000xf32, #tpu.memory_space<vmem>>
      %dma_start3A_261 = tpu.memref_slice %arg9[%mul3A_91] : memref<320000xf32, #tpu.memory_space<hbm>> -> memref<10000xf32, #tpu.memory_space<hbm>>
      tpu.enqueue_dma source(%dma_start3A_261 : memref<10000xf32, #tpu.memory_space<hbm>>) target(%dma_start3A_260 : memref<10000xf32, #tpu.memory_space<vmem>>) target_semaphore(%run_scoped3A : memref<!tpu.dma_semaphore, #tpu.memory_space<semaphore_mem>>)
      %dma_wait3A = arith.constant 40000 : i32
      %dma_wait3A_262 = tpu.memref_slice %arg10[%dma_wait3A] : memref<80000xf32, #tpu.memory_space<vmem>> -> memref<10000xf32, #tpu.memory_space<vmem>>
      %dma_wait3A_263 = tpu.memref_slice %arg9[%mul3A_91] : memref<320000xf32, #tpu.memory_space<hbm>> -> memref<10000xf32, #tpu.memory_space<hbm>>
      %dma_wait3A_264 = arith.constant 40000 : i32
      %dma_wait3A_265 = tpu.memref_slice %arg10[%dma_wait3A_264] : memref<80000xf32, #tpu.memory_space<vmem>> -> memref<10000xf32, #tpu.memory_space<vmem>>
      %dma_wait3A_266 = tpu.memref_slice %arg9[%mul3A_91] : memref<320000xf32, #tpu.memory_space<hbm>> -> memref<10000xf32, #tpu.memory_space<hbm>>
      tpu.wait_dma2 semaphore(%run_scoped3A : memref<!tpu.dma_semaphore, #tpu.memory_space<semaphore_mem>>) src(%dma_wait3A_266 : memref<10000xf32, #tpu.memory_space<hbm>>) dst(%dma_wait3A_265 : memref<10000xf32, #tpu.memory_space<vmem>>)
      tpu.yield
    }) : () -> ()
    %parallel_loop3A_92 = arith.constant 0 : i32
    %parallel_loop3A_93 = arith.constant 625 : i32
    %parallel_loop3A_94 = arith.constant 1 : i32
    scf.for %parallel_loop3A_257 = %parallel_loop3A_92 to %parallel_loop3A_93 step %parallel_loop3A_94  : i32 {
      %parallel_loop3A_258 = arith.constant 16 : i32
      %parallel_loop3A_259 = arith.muli %parallel_loop3A_257, %parallel_loop3A_258 : i32
      %parallel_loop3A_260 = arith.constant 70000 : i32
      %parallel_loop3A_261 = arith.addi %parallel_loop3A_260, %parallel_loop3A_259 : i32
      %parallel_loop3A_262 = arith.index_cast %parallel_loop3A_261 : i32 to index
      %parallel_loop3A_263 = tpu.vector_load %arg10[%parallel_loop3A_262] {strides = array<i32>} : memref<80000xf32, #tpu.memory_space<vmem>>, vector<16xf32>,
      %parallel_loop3A_264 = arith.constant 16 : i32
      %parallel_loop3A_265 = arith.muli %parallel_loop3A_257, %parallel_loop3A_264 : i32
      %parallel_loop3A_266 = arith.constant 40000 : i32
      %parallel_loop3A_267 = arith.addi %parallel_loop3A_266, %parallel_loop3A_265 : i32
      %parallel_loop3A_268 = arith.index_cast %parallel_loop3A_267 : i32 to index
      %parallel_loop3A_269 = tpu.vector_load %arg10[%parallel_loop3A_268] {strides = array<i32>} : memref<80000xf32, #tpu.memory_space<vmem>>, vector<16xf32>,
      %parallel_loop3A_270 = arith.addf %parallel_loop3A_263, %parallel_loop3A_269 : vector<16xf32>
      %parallel_loop3A_271 = arith.index_cast %parallel_loop3A_261 : i32 to index
      %parallel_loop3A_272 = tpu.vector_load %arg10[%parallel_loop3A_271] {strides = array<i32>} : memref<80000xf32, #tpu.memory_space<vmem>>, vector<16xf32>,
      tpu.vector_store %arg10[%parallel_loop3A_271], %parallel_loop3A_270 {strides = array<i32>} : memref<80000xf32, #tpu.memory_space<vmem>>, vector<16xf32>,
    } {sc.loop_unroll_factor = 8 : i64, sc.parallel_access}
    %mul3A_95 = arith.constant 4 : i32
    %mul3A_96 = arith.muli %add3A, %mul3A_95 : i32
    %add3A_97 = arith.constant 2 : i32
    %add3A_98 = arith.addi %mul3A_96, %add3A_97 : i32
    %mul3A_99 = arith.constant 10000 : i32
    %mul3A_100 = arith.muli %add3A_98, %mul3A_99 : i32
    "tpu.region"() ({
      %run_scoped3A = tpu.sem_alloc : memref<!tpu.dma_semaphore, #tpu.memory_space<semaphore_mem>>
      %dma_start3A = arith.constant 40000 : i32
      %dma_start3A_257 = tpu.memref_slice %arg10[%dma_start3A] : memref<80000xf32, #tpu.memory_space<vmem>> -> memref<10000xf32, #tpu.memory_space<vmem>>
      %dma_start3A_258 = tpu.memref_slice %arg9[%mul3A_100] : memref<320000xf32, #tpu.memory_space<hbm>> -> memref<10000xf32, #tpu.memory_space<hbm>>
      %dma_start3A_259 = arith.constant 40000 : i32
      %dma_start3A_260 = tpu.memref_slice %arg10[%dma_start3A_259] : memref<80000xf32, #tpu.memory_space<vmem>> -> memref<10000xf32, #tpu.memory_space<vmem>>
      %dma_start3A_261 = tpu.memref_slice %arg9[%mul3A_100] : memref<320000xf32, #tpu.memory_space<hbm>> -> memref<10000xf32, #tpu.memory_space<hbm>>
      tpu.enqueue_dma source(%dma_start3A_261 : memref<10000xf32, #tpu.memory_space<hbm>>) target(%dma_start3A_260 : memref<10000xf32, #tpu.memory_space<vmem>>) target_semaphore(%run_scoped3A : memref<!tpu.dma_semaphore, #tpu.memory_space<semaphore_mem>>)
      %dma_wait3A = arith.constant 40000 : i32
      %dma_wait3A_262 = tpu.memref_slice %arg10[%dma_wait3A] : memref<80000xf32, #tpu.memory_space<vmem>> -> memref<10000xf32, #tpu.memory_space<vmem>>
      %dma_wait3A_263 = tpu.memref_slice %arg9[%mul3A_100] : memref<320000xf32, #tpu.memory_space<hbm>> -> memref<10000xf32, #tpu.memory_space<hbm>>
      %dma_wait3A_264 = arith.constant 40000 : i32
      %dma_wait3A_265 = tpu.memref_slice %arg10[%dma_wait3A_264] : memref<80000xf32, #tpu.memory_space<vmem>> -> memref<10000xf32, #tpu.memory_space<vmem>>
      %dma_wait3A_266 = tpu.memref_slice %arg9[%mul3A_100] : memref<320000xf32, #tpu.memory_space<hbm>> -> memref<10000xf32, #tpu.memory_space<hbm>>
      tpu.wait_dma2 semaphore(%run_scoped3A : memref<!tpu.dma_semaphore, #tpu.memory_space<semaphore_mem>>) src(%dma_wait3A_266 : memref<10000xf32, #tpu.memory_space<hbm>>) dst(%dma_wait3A_265 : memref<10000xf32, #tpu.memory_space<vmem>>)
      tpu.yield
    }) : () -> ()
    %parallel_loop3A_101 = arith.constant 0 : i32
    %parallel_loop3A_102 = arith.constant 625 : i32
    %parallel_loop3A_103 = arith.constant 1 : i32
    scf.for %parallel_loop3A_257 = %parallel_loop3A_101 to %parallel_loop3A_102 step %parallel_loop3A_103  : i32 {
      %parallel_loop3A_258 = arith.constant 16 : i32
      %parallel_loop3A_259 = arith.muli %parallel_loop3A_257, %parallel_loop3A_258 : i32
      %parallel_loop3A_260 = arith.constant 70000 : i32
      %parallel_loop3A_261 = arith.addi %parallel_loop3A_260, %parallel_loop3A_259 : i32
      %parallel_loop3A_262 = arith.index_cast %parallel_loop3A_261 : i32 to index
      %parallel_loop3A_263 = tpu.vector_load %arg10[%parallel_loop3A_262] {strides = array<i32>} : memref<80000xf32, #tpu.memory_space<vmem>>, vector<16xf32>,
      %parallel_loop3A_264 = arith.constant 16 : i32
      %parallel_loop3A_265 = arith.muli %parallel_loop3A_257, %parallel_loop3A_264 : i32
      %parallel_loop3A_266 = arith.constant 40000 : i32
      %parallel_loop3A_267 = arith.addi %parallel_loop3A_266, %parallel_loop3A_265 : i32
      %parallel_loop3A_268 = arith.index_cast %parallel_loop3A_267 : i32 to index
      %parallel_loop3A_269 = tpu.vector_load %arg10[%parallel_loop3A_268] {strides = array<i32>} : memref<80000xf32, #tpu.memory_space<vmem>>, vector<16xf32>,
      %parallel_loop3A_270 = arith.addf %parallel_loop3A_263, %parallel_loop3A_269 : vector<16xf32>
      %parallel_loop3A_271 = arith.index_cast %parallel_loop3A_261 : i32 to index
      %parallel_loop3A_272 = tpu.vector_load %arg10[%parallel_loop3A_271] {strides = array<i32>} : memref<80000xf32, #tpu.memory_space<vmem>>, vector<16xf32>,
      tpu.vector_store %arg10[%parallel_loop3A_271], %parallel_loop3A_270 {strides = array<i32>} : memref<80000xf32, #tpu.memory_space<vmem>>, vector<16xf32>,
    } {sc.loop_unroll_factor = 8 : i64, sc.parallel_access}
    %mul3A_104 = arith.constant 4 : i32
    %mul3A_105 = arith.muli %add3A, %mul3A_104 : i32
    %add3A_106 = arith.constant 3 : i32
    %add3A_107 = arith.addi %mul3A_105, %add3A_106 : i32
    %mul3A_108 = arith.constant 10000 : i32
    %mul3A_109 = arith.muli %add3A_107, %mul3A_108 : i32
    "tpu.region"() ({
      %run_scoped3A = tpu.sem_alloc : memref<!tpu.dma_semaphore, #tpu.memory_space<semaphore_mem>>
      %dma_start3A = arith.constant 40000 : i32
      %dma_start3A_257 = tpu.memref_slice %arg10[%dma_start3A] : memref<80000xf32, #tpu.memory_space<vmem>> -> memref<10000xf32, #tpu.memory_space<vmem>>
      %dma_start3A_258 = tpu.memref_slice %arg9[%mul3A_109] : memref<320000xf32, #tpu.memory_space<hbm>> -> memref<10000xf32, #tpu.memory_space<hbm>>
      %dma_start3A_259 = arith.constant 40000 : i32
      %dma_start3A_260 = tpu.memref_slice %arg10[%dma_start3A_259] : memref<80000xf32, #tpu.memory_space<vmem>> -> memref<10000xf32, #tpu.memory_space<vmem>>
      %dma_start3A_261 = tpu.memref_slice %arg9[%mul3A_109] : memref<320000xf32, #tpu.memory_space<hbm>> -> memref<10000xf32, #tpu.memory_space<hbm>>
      tpu.enqueue_dma source(%dma_start3A_261 : memref<10000xf32, #tpu.memory_space<hbm>>) target(%dma_start3A_260 : memref<10000xf32, #tpu.memory_space<vmem>>) target_semaphore(%run_scoped3A : memref<!tpu.dma_semaphore, #tpu.memory_space<semaphore_mem>>)
      %dma_wait3A = arith.constant 40000 : i32
      %dma_wait3A_262 = tpu.memref_slice %arg10[%dma_wait3A] : memref<80000xf32, #tpu.memory_space<vmem>> -> memref<10000xf32, #tpu.memory_space<vmem>>
      %dma_wait3A_263 = tpu.memref_slice %arg9[%mul3A_109] : memref<320000xf32, #tpu.memory_space<hbm>> -> memref<10000xf32, #tpu.memory_space<hbm>>
      %dma_wait3A_264 = arith.constant 40000 : i32
      %dma_wait3A_265 = tpu.memref_slice %arg10[%dma_wait3A_264] : memref<80000xf32, #tpu.memory_space<vmem>> -> memref<10000xf32, #tpu.memory_space<vmem>>
      %dma_wait3A_266 = tpu.memref_slice %arg9[%mul3A_109] : memref<320000xf32, #tpu.memory_space<hbm>> -> memref<10000xf32, #tpu.memory_space<hbm>>
      tpu.wait_dma2 semaphore(%run_scoped3A : memref<!tpu.dma_semaphore, #tpu.memory_space<semaphore_mem>>) src(%dma_wait3A_266 : memref<10000xf32, #tpu.memory_space<hbm>>) dst(%dma_wait3A_265 : memref<10000xf32, #tpu.memory_space<vmem>>)
      tpu.yield
    }) : () -> ()
    %parallel_loop3A_110 = arith.constant 0 : i32
    %parallel_loop3A_111 = arith.constant 625 : i32
    %parallel_loop3A_112 = arith.constant 1 : i32
    scf.for %parallel_loop3A_257 = %parallel_loop3A_110 to %parallel_loop3A_111 step %parallel_loop3A_112  : i32 {
      %parallel_loop3A_258 = arith.constant 16 : i32
      %parallel_loop3A_259 = arith.muli %parallel_loop3A_257, %parallel_loop3A_258 : i32
      %parallel_loop3A_260 = arith.constant 70000 : i32
      %parallel_loop3A_261 = arith.addi %parallel_loop3A_260, %parallel_loop3A_259 : i32
      %parallel_loop3A_262 = arith.index_cast %parallel_loop3A_261 : i32 to index
      %parallel_loop3A_263 = tpu.vector_load %arg10[%parallel_loop3A_262] {strides = array<i32>} : memref<80000xf32, #tpu.memory_space<vmem>>, vector<16xf32>,
      %parallel_loop3A_264 = arith.constant 16 : i32
      %parallel_loop3A_265 = arith.muli %parallel_loop3A_257, %parallel_loop3A_264 : i32
      %parallel_loop3A_266 = arith.constant 40000 : i32
      %parallel_loop3A_267 = arith.addi %parallel_loop3A_266, %parallel_loop3A_265 : i32
      %parallel_loop3A_268 = arith.index_cast %parallel_loop3A_267 : i32 to index
      %parallel_loop3A_269 = tpu.vector_load %arg10[%parallel_loop3A_268] {strides = array<i32>} : memref<80000xf32, #tpu.memory_space<vmem>>, vector<16xf32>,
      %parallel_loop3A_270 = arith.addf %parallel_loop3A_263, %parallel_loop3A_269 : vector<16xf32>
      %parallel_loop3A_271 = arith.index_cast %parallel_loop3A_261 : i32 to index
      %parallel_loop3A_272 = tpu.vector_load %arg10[%parallel_loop3A_271] {strides = array<i32>} : memref<80000xf32, #tpu.memory_space<vmem>>, vector<16xf32>,
      tpu.vector_store %arg10[%parallel_loop3A_271], %parallel_loop3A_270 {strides = array<i32>} : memref<80000xf32, #tpu.memory_space<vmem>>, vector<16xf32>,
    } {sc.loop_unroll_factor = 8 : i64, sc.parallel_access}
    %mul3A_113 = arith.constant 4 : i32
    %mul3A_114 = arith.muli %add3A_68, %mul3A_113 : i32
    %add3A_115 = arith.constant 0 : i32
    %add3A_116 = arith.addi %mul3A_114, %add3A_115 : i32
    %mul3A_117 = arith.constant 16 : i32
    %mul3A_118 = arith.muli %add3A_116, %mul3A_117 : i32
    "tpu.region"() ({
      %run_scoped3A = tpu.sem_alloc : memref<!tpu.dma_semaphore, #tpu.memory_space<semaphore_mem>>
      %dma_start3A = tpu.memref_slice %arg6[%mul3A_118] : memref<4096xf32, #tpu.memory_space<hbm>> -> memref<16xf32, #tpu.memory_space<hbm>>
      %dma_start3A_257 = tpu.memref_slice %arg6[%mul3A_118] : memref<4096xf32, #tpu.memory_space<hbm>> -> memref<16xf32, #tpu.memory_space<hbm>>
      tpu.enqueue_dma source(%dma_start3A_257 : memref<16xf32, #tpu.memory_space<hbm>>) target(%arg13 : memref<16xf32, #tpu.memory_space<vmem>>) target_semaphore(%run_scoped3A : memref<!tpu.dma_semaphore, #tpu.memory_space<semaphore_mem>>)
      %dma_wait3A = tpu.memref_slice %arg6[%mul3A_118] : memref<4096xf32, #tpu.memory_space<hbm>> -> memref<16xf32, #tpu.memory_space<hbm>>
      %dma_wait3A_258 = tpu.memref_slice %arg6[%mul3A_118] : memref<4096xf32, #tpu.memory_space<hbm>> -> memref<16xf32, #tpu.memory_space<hbm>>
      tpu.wait_dma2 semaphore(%run_scoped3A : memref<!tpu.dma_semaphore, #tpu.memory_space<semaphore_mem>>) src(%dma_wait3A_258 : memref<16xf32, #tpu.memory_space<hbm>>) dst(%arg13 : memref<16xf32, #tpu.memory_space<vmem>>)
      tpu.yield
    }) : () -> ()
    %get3A = arith.constant 0 : index
    %get3A_119 = tpu.vector_load %arg13[%get3A] {strides = array<i32>} : memref<16xf32, #tpu.memory_space<vmem>>, vector<16xf32>,
    %parallel_loop3A_120 = arith.constant 0 : i32
    %parallel_loop3A_121 = arith.constant 625 : i32
    %parallel_loop3A_122 = arith.constant 1 : i32
    scf.for %parallel_loop3A_257 = %parallel_loop3A_120 to %parallel_loop3A_121 step %parallel_loop3A_122  : i32 {
      %parallel_loop3A_258 = arith.constant 16 : i32
      %parallel_loop3A_259 = arith.muli %parallel_loop3A_257, %parallel_loop3A_258 : i32
      %parallel_loop3A_260 = arith.constant 0 : i32
      %parallel_loop3A_261 = arith.addi %parallel_loop3A_260, %parallel_loop3A_259 : i32
      %parallel_loop3A_262 = arith.index_cast %parallel_loop3A_261 : i32 to index
      %parallel_loop3A_263 = tpu.vector_load %arg10[%parallel_loop3A_262] {strides = array<i32>} : memref<80000xf32, #tpu.memory_space<vmem>>, vector<16xf32>,
      %parallel_loop3A_264 = arith.constant 16 : i32
      %parallel_loop3A_265 = arith.muli %parallel_loop3A_257, %parallel_loop3A_264 : i32
      %parallel_loop3A_266 = arith.constant 70000 : i32
      %parallel_loop3A_267 = arith.addi %parallel_loop3A_266, %parallel_loop3A_265 : i32
      %parallel_loop3A_268 = arith.index_cast %parallel_loop3A_267 : i32 to index
      %parallel_loop3A_269 = tpu.vector_load %arg10[%parallel_loop3A_268] {strides = array<i32>} : memref<80000xf32, #tpu.memory_space<vmem>>, vector<16xf32>,
      %parallel_loop3A_270 = arith.constant 0.000000e+00 : f32
      %parallel_loop3A_271 = vector.broadcast %parallel_loop3A_270 : f32 to vector<16xf32>
      %parallel_loop3A_272 = arith.cmpf ogt, %parallel_loop3A_269, %parallel_loop3A_271 : vector<16xf32>
      %parallel_loop3A_273 = arith.divf %parallel_loop3A_263, %parallel_loop3A_269 : vector<16xf32>
      %parallel_loop3A_274 = arith.constant 0.000000e+00 : f32
      %parallel_loop3A_275 = vector.broadcast %parallel_loop3A_274 : f32 to vector<16xf32>
      %parallel_loop3A_276 = arith.select %parallel_loop3A_272, %parallel_loop3A_273, %parallel_loop3A_275 : vector<16xi1>, vector<16xf32>
      %parallel_loop3A_277 = arith.addf %parallel_loop3A_276, %get3A_119 : vector<16xf32>
      %parallel_loop3A_278 = arith.index_cast %parallel_loop3A_261 : i32 to index
      %parallel_loop3A_279 = tpu.vector_load %arg10[%parallel_loop3A_278] {strides = array<i32>} : memref<80000xf32, #tpu.memory_space<vmem>>, vector<16xf32>,
      tpu.vector_store %arg10[%parallel_loop3A_278], %parallel_loop3A_277 {strides = array<i32>} : memref<80000xf32, #tpu.memory_space<vmem>>, vector<16xf32>,
    } {sc.loop_unroll_factor = 8 : i64, sc.parallel_access}
    %mul3A_123 = arith.constant 4 : i32
    %mul3A_124 = arith.muli %add3A_68, %mul3A_123 : i32
    %add3A_125 = arith.constant 1 : i32
    %add3A_126 = arith.addi %mul3A_124, %add3A_125 : i32
    %mul3A_127 = arith.constant 16 : i32
    %mul3A_128 = arith.muli %add3A_126, %mul3A_127 : i32
    "tpu.region"() ({
      %run_scoped3A = tpu.sem_alloc : memref<!tpu.dma_semaphore, #tpu.memory_space<semaphore_mem>>
      %dma_start3A = tpu.memref_slice %arg6[%mul3A_128] : memref<4096xf32, #tpu.memory_space<hbm>> -> memref<16xf32, #tpu.memory_space<hbm>>
      %dma_start3A_257 = tpu.memref_slice %arg6[%mul3A_128] : memref<4096xf32, #tpu.memory_space<hbm>> -> memref<16xf32, #tpu.memory_space<hbm>>
      tpu.enqueue_dma source(%dma_start3A_257 : memref<16xf32, #tpu.memory_space<hbm>>) target(%arg13 : memref<16xf32, #tpu.memory_space<vmem>>) target_semaphore(%run_scoped3A : memref<!tpu.dma_semaphore, #tpu.memory_space<semaphore_mem>>)
      %dma_wait3A = tpu.memref_slice %arg6[%mul3A_128] : memref<4096xf32, #tpu.memory_space<hbm>> -> memref<16xf32, #tpu.memory_space<hbm>>
      %dma_wait3A_258 = tpu.memref_slice %arg6[%mul3A_128] : memref<4096xf32, #tpu.memory_space<hbm>> -> memref<16xf32, #tpu.memory_space<hbm>>
      tpu.wait_dma2 semaphore(%run_scoped3A : memref<!tpu.dma_semaphore, #tpu.memory_space<semaphore_mem>>) src(%dma_wait3A_258 : memref<16xf32, #tpu.memory_space<hbm>>) dst(%arg13 : memref<16xf32, #tpu.memory_space<vmem>>)
      tpu.yield
    }) : () -> ()
    %get3A_129 = arith.constant 0 : index
    %get3A_130 = tpu.vector_load %arg13[%get3A_129] {strides = array<i32>} : memref<16xf32, #tpu.memory_space<vmem>>, vector<16xf32>,
    %parallel_loop3A_131 = arith.constant 0 : i32
    %parallel_loop3A_132 = arith.constant 625 : i32
    %parallel_loop3A_133 = arith.constant 1 : i32
    scf.for %parallel_loop3A_257 = %parallel_loop3A_131 to %parallel_loop3A_132 step %parallel_loop3A_133  : i32 {
      %parallel_loop3A_258 = arith.constant 16 : i32
      %parallel_loop3A_259 = arith.muli %parallel_loop3A_257, %parallel_loop3A_258 : i32
      %parallel_loop3A_260 = arith.constant 10000 : i32
      %parallel_loop3A_261 = arith.addi %parallel_loop3A_260, %parallel_loop3A_259 : i32
      %parallel_loop3A_262 = arith.index_cast %parallel_loop3A_261 : i32 to index
      %parallel_loop3A_263 = tpu.vector_load %arg10[%parallel_loop3A_262] {strides = array<i32>} : memref<80000xf32, #tpu.memory_space<vmem>>, vector<16xf32>,
      %parallel_loop3A_264 = arith.constant 16 : i32
      %parallel_loop3A_265 = arith.muli %parallel_loop3A_257, %parallel_loop3A_264 : i32
      %parallel_loop3A_266 = arith.constant 70000 : i32
      %parallel_loop3A_267 = arith.addi %parallel_loop3A_266, %parallel_loop3A_265 : i32
      %parallel_loop3A_268 = arith.index_cast %parallel_loop3A_267 : i32 to index
      %parallel_loop3A_269 = tpu.vector_load %arg10[%parallel_loop3A_268] {strides = array<i32>} : memref<80000xf32, #tpu.memory_space<vmem>>, vector<16xf32>,
      %parallel_loop3A_270 = arith.constant 0.000000e+00 : f32
      %parallel_loop3A_271 = vector.broadcast %parallel_loop3A_270 : f32 to vector<16xf32>
      %parallel_loop3A_272 = arith.cmpf ogt, %parallel_loop3A_269, %parallel_loop3A_271 : vector<16xf32>
      %parallel_loop3A_273 = arith.divf %parallel_loop3A_263, %parallel_loop3A_269 : vector<16xf32>
      %parallel_loop3A_274 = arith.constant 0.000000e+00 : f32
      %parallel_loop3A_275 = vector.broadcast %parallel_loop3A_274 : f32 to vector<16xf32>
      %parallel_loop3A_276 = arith.select %parallel_loop3A_272, %parallel_loop3A_273, %parallel_loop3A_275 : vector<16xi1>, vector<16xf32>
      %parallel_loop3A_277 = arith.addf %parallel_loop3A_276, %get3A_130 : vector<16xf32>
      %parallel_loop3A_278 = arith.index_cast %parallel_loop3A_261 : i32 to index
      %parallel_loop3A_279 = tpu.vector_load %arg10[%parallel_loop3A_278] {strides = array<i32>} : memref<80000xf32, #tpu.memory_space<vmem>>, vector<16xf32>,
      tpu.vector_store %arg10[%parallel_loop3A_278], %parallel_loop3A_277 {strides = array<i32>} : memref<80000xf32, #tpu.memory_space<vmem>>, vector<16xf32>,
    } {sc.loop_unroll_factor = 8 : i64, sc.parallel_access}
    %mul3A_134 = arith.constant 4 : i32
    %mul3A_135 = arith.muli %add3A_68, %mul3A_134 : i32
    %add3A_136 = arith.constant 2 : i32
    %add3A_137 = arith.addi %mul3A_135, %add3A_136 : i32
    %mul3A_138 = arith.constant 16 : i32
    %mul3A_139 = arith.muli %add3A_137, %mul3A_138 : i32
    "tpu.region"() ({
      %run_scoped3A = tpu.sem_alloc : memref<!tpu.dma_semaphore, #tpu.memory_space<semaphore_mem>>
      %dma_start3A = tpu.memref_slice %arg6[%mul3A_139] : memref<4096xf32, #tpu.memory_space<hbm>> -> memref<16xf32, #tpu.memory_space<hbm>>
      %dma_start3A_257 = tpu.memref_slice %arg6[%mul3A_139] : memref<4096xf32, #tpu.memory_space<hbm>> -> memref<16xf32, #tpu.memory_space<hbm>>
      tpu.enqueue_dma source(%dma_start3A_257 : memref<16xf32, #tpu.memory_space<hbm>>) target(%arg13 : memref<16xf32, #tpu.memory_space<vmem>>) target_semaphore(%run_scoped3A : memref<!tpu.dma_semaphore, #tpu.memory_space<semaphore_mem>>)
      %dma_wait3A = tpu.memref_slice %arg6[%mul3A_139] : memref<4096xf32, #tpu.memory_space<hbm>> -> memref<16xf32, #tpu.memory_space<hbm>>
      %dma_wait3A_258 = tpu.memref_slice %arg6[%mul3A_139] : memref<4096xf32, #tpu.memory_space<hbm>> -> memref<16xf32, #tpu.memory_space<hbm>>
      tpu.wait_dma2 semaphore(%run_scoped3A : memref<!tpu.dma_semaphore, #tpu.memory_space<semaphore_mem>>) src(%dma_wait3A_258 : memref<16xf32, #tpu.memory_space<hbm>>) dst(%arg13 : memref<16xf32, #tpu.memory_space<vmem>>)
      tpu.yield
    }) : () -> ()
    %get3A_140 = arith.constant 0 : index
    %get3A_141 = tpu.vector_load %arg13[%get3A_140] {strides = array<i32>} : memref<16xf32, #tpu.memory_space<vmem>>, vector<16xf32>,
    %parallel_loop3A_142 = arith.constant 0 : i32
    %parallel_loop3A_143 = arith.constant 625 : i32
    %parallel_loop3A_144 = arith.constant 1 : i32
    scf.for %parallel_loop3A_257 = %parallel_loop3A_142 to %parallel_loop3A_143 step %parallel_loop3A_144  : i32 {
      %parallel_loop3A_258 = arith.constant 16 : i32
      %parallel_loop3A_259 = arith.muli %parallel_loop3A_257, %parallel_loop3A_258 : i32
      %parallel_loop3A_260 = arith.constant 20000 : i32
      %parallel_loop3A_261 = arith.addi %parallel_loop3A_260, %parallel_loop3A_259 : i32
      %parallel_loop3A_262 = arith.index_cast %parallel_loop3A_261 : i32 to index
      %parallel_loop3A_263 = tpu.vector_load %arg10[%parallel_loop3A_262] {strides = array<i32>} : memref<80000xf32, #tpu.memory_space<vmem>>, vector<16xf32>,
      %parallel_loop3A_264 = arith.constant 16 : i32
      %parallel_loop3A_265 = arith.muli %parallel_loop3A_257, %parallel_loop3A_264 : i32
      %parallel_loop3A_266 = arith.constant 70000 : i32
      %parallel_loop3A_267 = arith.addi %parallel_loop3A_266, %parallel_loop3A_265 : i32
      %parallel_loop3A_268 = arith.index_cast %parallel_loop3A_267 : i32 to index
      %parallel_loop3A_269 = tpu.vector_load %arg10[%parallel_loop3A_268] {strides = array<i32>} : memref<80000xf32, #tpu.memory_space<vmem>>, vector<16xf32>,
      %parallel_loop3A_270 = arith.constant 0.000000e+00 : f32
      %parallel_loop3A_271 = vector.broadcast %parallel_loop3A_270 : f32 to vector<16xf32>
      %parallel_loop3A_272 = arith.cmpf ogt, %parallel_loop3A_269, %parallel_loop3A_271 : vector<16xf32>
      %parallel_loop3A_273 = arith.divf %parallel_loop3A_263, %parallel_loop3A_269 : vector<16xf32>
      %parallel_loop3A_274 = arith.constant 0.000000e+00 : f32
      %parallel_loop3A_275 = vector.broadcast %parallel_loop3A_274 : f32 to vector<16xf32>
      %parallel_loop3A_276 = arith.select %parallel_loop3A_272, %parallel_loop3A_273, %parallel_loop3A_275 : vector<16xi1>, vector<16xf32>
      %parallel_loop3A_277 = arith.addf %parallel_loop3A_276, %get3A_141 : vector<16xf32>
      %parallel_loop3A_278 = arith.index_cast %parallel_loop3A_261 : i32 to index
      %parallel_loop3A_279 = tpu.vector_load %arg10[%parallel_loop3A_278] {strides = array<i32>} : memref<80000xf32, #tpu.memory_space<vmem>>, vector<16xf32>,
      tpu.vector_store %arg10[%parallel_loop3A_278], %parallel_loop3A_277 {strides = array<i32>} : memref<80000xf32, #tpu.memory_space<vmem>>, vector<16xf32>,
    } {sc.loop_unroll_factor = 8 : i64, sc.parallel_access}
    %mul3A_145 = arith.constant 4 : i32
    %mul3A_146 = arith.muli %add3A_68, %mul3A_145 : i32
    %add3A_147 = arith.constant 3 : i32
    %add3A_148 = arith.addi %mul3A_146, %add3A_147 : i32
    %mul3A_149 = arith.constant 16 : i32
    %mul3A_150 = arith.muli %add3A_148, %mul3A_149 : i32
    "tpu.region"() ({
      %run_scoped3A = tpu.sem_alloc : memref<!tpu.dma_semaphore, #tpu.memory_space<semaphore_mem>>
      %dma_start3A = tpu.memref_slice %arg6[%mul3A_150] : memref<4096xf32, #tpu.memory_space<hbm>> -> memref<16xf32, #tpu.memory_space<hbm>>
      %dma_start3A_257 = tpu.memref_slice %arg6[%mul3A_150] : memref<4096xf32, #tpu.memory_space<hbm>> -> memref<16xf32, #tpu.memory_space<hbm>>
      tpu.enqueue_dma source(%dma_start3A_257 : memref<16xf32, #tpu.memory_space<hbm>>) target(%arg13 : memref<16xf32, #tpu.memory_space<vmem>>) target_semaphore(%run_scoped3A : memref<!tpu.dma_semaphore, #tpu.memory_space<semaphore_mem>>)
      %dma_wait3A = tpu.memref_slice %arg6[%mul3A_150] : memref<4096xf32, #tpu.memory_space<hbm>> -> memref<16xf32, #tpu.memory_space<hbm>>
      %dma_wait3A_258 = tpu.memref_slice %arg6[%mul3A_150] : memref<4096xf32, #tpu.memory_space<hbm>> -> memref<16xf32, #tpu.memory_space<hbm>>
      tpu.wait_dma2 semaphore(%run_scoped3A : memref<!tpu.dma_semaphore, #tpu.memory_space<semaphore_mem>>) src(%dma_wait3A_258 : memref<16xf32, #tpu.memory_space<hbm>>) dst(%arg13 : memref<16xf32, #tpu.memory_space<vmem>>)
      tpu.yield
    }) : () -> ()
    %get3A_151 = arith.constant 0 : index
    %get3A_152 = tpu.vector_load %arg13[%get3A_151] {strides = array<i32>} : memref<16xf32, #tpu.memory_space<vmem>>, vector<16xf32>,
    %parallel_loop3A_153 = arith.constant 0 : i32
    %parallel_loop3A_154 = arith.constant 625 : i32
    %parallel_loop3A_155 = arith.constant 1 : i32
    scf.for %parallel_loop3A_257 = %parallel_loop3A_153 to %parallel_loop3A_154 step %parallel_loop3A_155  : i32 {
      %parallel_loop3A_258 = arith.constant 16 : i32
      %parallel_loop3A_259 = arith.muli %parallel_loop3A_257, %parallel_loop3A_258 : i32
      %parallel_loop3A_260 = arith.constant 30000 : i32
      %parallel_loop3A_261 = arith.addi %parallel_loop3A_260, %parallel_loop3A_259 : i32
      %parallel_loop3A_262 = arith.index_cast %parallel_loop3A_261 : i32 to index
      %parallel_loop3A_263 = tpu.vector_load %arg10[%parallel_loop3A_262] {strides = array<i32>} : memref<80000xf32, #tpu.memory_space<vmem>>, vector<16xf32>,
      %parallel_loop3A_264 = arith.constant 16 : i32
      %parallel_loop3A_265 = arith.muli %parallel_loop3A_257, %parallel_loop3A_264 : i32
      %parallel_loop3A_266 = arith.constant 70000 : i32
      %parallel_loop3A_267 = arith.addi %parallel_loop3A_266, %parallel_loop3A_265 : i32
      %parallel_loop3A_268 = arith.index_cast %parallel_loop3A_267 : i32 to index
      %parallel_loop3A_269 = tpu.vector_load %arg10[%parallel_loop3A_268] {strides = array<i32>} : memref<80000xf32, #tpu.memory_space<vmem>>, vector<16xf32>,
      %parallel_loop3A_270 = arith.constant 0.000000e+00 : f32
      %parallel_loop3A_271 = vector.broadcast %parallel_loop3A_270 : f32 to vector<16xf32>
      %parallel_loop3A_272 = arith.cmpf ogt, %parallel_loop3A_269, %parallel_loop3A_271 : vector<16xf32>
      %parallel_loop3A_273 = arith.divf %parallel_loop3A_263, %parallel_loop3A_269 : vector<16xf32>
      %parallel_loop3A_274 = arith.constant 0.000000e+00 : f32
      %parallel_loop3A_275 = vector.broadcast %parallel_loop3A_274 : f32 to vector<16xf32>
      %parallel_loop3A_276 = arith.select %parallel_loop3A_272, %parallel_loop3A_273, %parallel_loop3A_275 : vector<16xi1>, vector<16xf32>
      %parallel_loop3A_277 = arith.addf %parallel_loop3A_276, %get3A_152 : vector<16xf32>
      %parallel_loop3A_278 = arith.index_cast %parallel_loop3A_261 : i32 to index
      %parallel_loop3A_279 = tpu.vector_load %arg10[%parallel_loop3A_278] {strides = array<i32>} : memref<80000xf32, #tpu.memory_space<vmem>>, vector<16xf32>,
      tpu.vector_store %arg10[%parallel_loop3A_278], %parallel_loop3A_277 {strides = array<i32>} : memref<80000xf32, #tpu.memory_space<vmem>>, vector<16xf32>,
    } {sc.loop_unroll_factor = 8 : i64, sc.parallel_access}
    %mul3A_156 = arith.constant 4 : i32
    %mul3A_157 = arith.muli %add3A_68, %mul3A_156 : i32
    %mul3A_158 = arith.constant 10000 : i32
    %mul3A_159 = arith.muli %mul3A_157, %mul3A_158 : i32
    "tpu.region"() ({
      %run_scoped3A = tpu.sem_alloc : memref<!tpu.dma_semaphore, #tpu.memory_space<semaphore_mem>>
      %dma_start3A = arith.constant 0 : i32
      %dma_start3A_257 = tpu.memref_slice %arg10[%dma_start3A] : memref<80000xf32, #tpu.memory_space<vmem>> -> memref<40000xf32, #tpu.memory_space<vmem>>
      %dma_start3A_258 = tpu.memref_slice %arg7[%mul3A_159] : memref<2560000xf32, #tpu.memory_space<hbm>> -> memref<40000xf32, #tpu.memory_space<hbm>>
      %dma_start3A_259 = tpu.memref_slice %arg7[%mul3A_159] : memref<2560000xf32, #tpu.memory_space<hbm>> -> memref<40000xf32, #tpu.memory_space<hbm>>
      %dma_start3A_260 = arith.constant 0 : i32
      %dma_start3A_261 = tpu.memref_slice %arg10[%dma_start3A_260] : memref<80000xf32, #tpu.memory_space<vmem>> -> memref<40000xf32, #tpu.memory_space<vmem>>
      tpu.enqueue_dma source(%dma_start3A_261 : memref<40000xf32, #tpu.memory_space<vmem>>) target(%dma_start3A_259 : memref<40000xf32, #tpu.memory_space<hbm>>) target_semaphore(%run_scoped3A : memref<!tpu.dma_semaphore, #tpu.memory_space<semaphore_mem>>)
      %dma_wait3A = arith.constant 0 : i32
      %dma_wait3A_262 = tpu.memref_slice %arg10[%dma_wait3A] : memref<80000xf32, #tpu.memory_space<vmem>> -> memref<40000xf32, #tpu.memory_space<vmem>>
      %dma_wait3A_263 = tpu.memref_slice %arg7[%mul3A_159] : memref<2560000xf32, #tpu.memory_space<hbm>> -> memref<40000xf32, #tpu.memory_space<hbm>>
      %dma_wait3A_264 = tpu.memref_slice %arg7[%mul3A_159] : memref<2560000xf32, #tpu.memory_space<hbm>> -> memref<40000xf32, #tpu.memory_space<hbm>>
      %dma_wait3A_265 = arith.constant 0 : i32
      %dma_wait3A_266 = tpu.memref_slice %arg10[%dma_wait3A_265] : memref<80000xf32, #tpu.memory_space<vmem>> -> memref<40000xf32, #tpu.memory_space<vmem>>
      tpu.wait_dma2 semaphore(%run_scoped3A : memref<!tpu.dma_semaphore, #tpu.memory_space<semaphore_mem>>) src(%dma_wait3A_266 : memref<40000xf32, #tpu.memory_space<vmem>>) dst(%dma_wait3A_264 : memref<40000xf32, #tpu.memory_space<hbm>>)
      tpu.yield
    }) : () -> ()
    %mul3A_160 = arith.constant 8 : i32
    %mul3A_161 = arith.muli %add3A, %mul3A_160 : i32
    %add3A_162 = arith.constant 4 : i32
    %add3A_163 = arith.addi %mul3A_161, %add3A_162 : i32
    %add3A_164 = arith.addi %add3A_163, %select_n3A_30 : i32
    %mul3A_165 = arith.constant 4 : i32
    %mul3A_166 = arith.muli %add3A_164, %mul3A_165 : i32
    %mul3A_167 = arith.constant 10000 : i32
    %mul3A_168 = arith.muli %mul3A_166, %mul3A_167 : i32
    "tpu.region"() ({
      %run_scoped3A = tpu.sem_alloc : memref<!tpu.dma_semaphore, #tpu.memory_space<semaphore_mem>>
      %dma_start3A = arith.constant 40000 : i32
      %dma_start3A_257 = tpu.memref_slice %arg10[%dma_start3A] : memref<80000xf32, #tpu.memory_space<vmem>> -> memref<40000xf32, #tpu.memory_space<vmem>>
      %dma_start3A_258 = tpu.memref_slice %arg2[%mul3A_168] : memref<2560000xf32, #tpu.memory_space<hbm>> -> memref<40000xf32, #tpu.memory_space<hbm>>
      %dma_start3A_259 = arith.constant 40000 : i32
      %dma_start3A_260 = tpu.memref_slice %arg10[%dma_start3A_259] : memref<80000xf32, #tpu.memory_space<vmem>> -> memref<40000xf32, #tpu.memory_space<vmem>>
      %dma_start3A_261 = tpu.memref_slice %arg2[%mul3A_168] : memref<2560000xf32, #tpu.memory_space<hbm>> -> memref<40000xf32, #tpu.memory_space<hbm>>
      tpu.enqueue_dma source(%dma_start3A_261 : memref<40000xf32, #tpu.memory_space<hbm>>) target(%dma_start3A_260 : memref<40000xf32, #tpu.memory_space<vmem>>) target_semaphore(%run_scoped3A : memref<!tpu.dma_semaphore, #tpu.memory_space<semaphore_mem>>)
      %dma_wait3A = arith.constant 40000 : i32
      %dma_wait3A_262 = tpu.memref_slice %arg10[%dma_wait3A] : memref<80000xf32, #tpu.memory_space<vmem>> -> memref<40000xf32, #tpu.memory_space<vmem>>
      %dma_wait3A_263 = tpu.memref_slice %arg2[%mul3A_168] : memref<2560000xf32, #tpu.memory_space<hbm>> -> memref<40000xf32, #tpu.memory_space<hbm>>
      %dma_wait3A_264 = arith.constant 40000 : i32
      %dma_wait3A_265 = tpu.memref_slice %arg10[%dma_wait3A_264] : memref<80000xf32, #tpu.memory_space<vmem>> -> memref<40000xf32, #tpu.memory_space<vmem>>
      %dma_wait3A_266 = tpu.memref_slice %arg2[%mul3A_168] : memref<2560000xf32, #tpu.memory_space<hbm>> -> memref<40000xf32, #tpu.memory_space<hbm>>
      tpu.wait_dma2 semaphore(%run_scoped3A : memref<!tpu.dma_semaphore, #tpu.memory_space<semaphore_mem>>) src(%dma_wait3A_266 : memref<40000xf32, #tpu.memory_space<hbm>>) dst(%dma_wait3A_265 : memref<40000xf32, #tpu.memory_space<vmem>>)
      tpu.yield
    }) : () -> ()
    %parallel_loop3A_169 = arith.constant 0 : i32
    %parallel_loop3A_170 = arith.constant 2500 : i32
    %parallel_loop3A_171 = arith.constant 1 : i32
    scf.for %parallel_loop3A_257 = %parallel_loop3A_169 to %parallel_loop3A_170 step %parallel_loop3A_171  : i32 {
      %parallel_loop3A_258 = arith.constant 16 : i32
      %parallel_loop3A_259 = arith.muli %parallel_loop3A_257, %parallel_loop3A_258 : i32
      %parallel_loop3A_260 = arith.index_cast %parallel_loop3A_259 : i32 to index
      %parallel_loop3A_261 = tpu.vector_load %arg10[%parallel_loop3A_260] {strides = array<i32>} : memref<80000xf32, #tpu.memory_space<vmem>>, vector<16xf32>,
      tpu.vector_store %arg10[%parallel_loop3A_260], %broadcast_in_dim3A_36 {strides = array<i32>} : memref<80000xf32, #tpu.memory_space<vmem>>, vector<16xf32>,
    } {sc.loop_unroll_factor = 8 : i64, sc.parallel_access}
    %scan3A_172 = arith.constant 0 : i32
    %scan3A_173 = arith.constant 0 : i32
    %scan3A_174 = arith.constant 20 : i32
    %scan3A_175 = arith.addi %scan3A_173, %scan3A_174 : i32
    %scan3A_176 = arith.constant 1 : i32
    scf.for %scan3A_257 = %scan3A_173 to %scan3A_175 step %scan3A_176  : i32 {
      %mul3A_258 = arith.constant 8000 : i32
      %mul3A_259 = arith.muli %scan3A_257, %mul3A_258 : i32
      "tpu.region"() ({
        %run_scoped3A = tpu.sem_alloc : memref<!tpu.dma_semaphore, #tpu.memory_space<semaphore_mem>>
        %dma_start3A = tpu.memref_slice %arg5[%mul3A_259] : memref<160000xi32, #tpu.memory_space<hbm>> -> memref<8000xi32, #tpu.memory_space<hbm>>
        %dma_start3A_266 = tpu.memref_slice %arg5[%mul3A_259] : memref<160000xi32, #tpu.memory_space<hbm>> -> memref<8000xi32, #tpu.memory_space<hbm>>
        tpu.enqueue_dma source(%dma_start3A_266 : memref<8000xi32, #tpu.memory_space<hbm>>) target(%arg11 : memref<8000xi32, #tpu.memory_space<vmem>>) target_semaphore(%run_scoped3A : memref<!tpu.dma_semaphore, #tpu.memory_space<semaphore_mem>>)
        %dma_wait3A = tpu.memref_slice %arg5[%mul3A_259] : memref<160000xi32, #tpu.memory_space<hbm>> -> memref<8000xi32, #tpu.memory_space<hbm>>
        %dma_wait3A_267 = tpu.memref_slice %arg5[%mul3A_259] : memref<160000xi32, #tpu.memory_space<hbm>> -> memref<8000xi32, #tpu.memory_space<hbm>>
        tpu.wait_dma2 semaphore(%run_scoped3A : memref<!tpu.dma_semaphore, #tpu.memory_space<semaphore_mem>>) src(%dma_wait3A_267 : memref<8000xi32, #tpu.memory_space<hbm>>) dst(%arg11 : memref<8000xi32, #tpu.memory_space<vmem>>)
        tpu.yield
      }) : () -> ()
      %mul3A_260 = arith.constant 160000 : i32
      %mul3A_261 = arith.muli %add3A, %mul3A_260 : i32
      %add3A_262 = arith.addi %mul3A_261, %mul3A_259 : i32
      "tpu.region"() ({
        %run_scoped3A = tpu.sem_alloc : memref<!tpu.dma_semaphore, #tpu.memory_space<semaphore_mem>>
        %dma_start3A = tpu.memref_slice %arg8[%add3A_262] : memref<1280000xf32, #tpu.memory_space<hbm>> -> memref<8000xf32, #tpu.memory_space<hbm>>
        %dma_start3A_266 = tpu.memref_slice %arg8[%add3A_262] : memref<1280000xf32, #tpu.memory_space<hbm>> -> memref<8000xf32, #tpu.memory_space<hbm>>
        tpu.enqueue_dma source(%dma_start3A_266 : memref<8000xf32, #tpu.memory_space<hbm>>) target(%arg12 : memref<8000xf32, #tpu.memory_space<vmem>>) target_semaphore(%run_scoped3A : memref<!tpu.dma_semaphore, #tpu.memory_space<semaphore_mem>>)
        %dma_wait3A = tpu.memref_slice %arg8[%add3A_262] : memref<1280000xf32, #tpu.memory_space<hbm>> -> memref<8000xf32, #tpu.memory_space<hbm>>
        %dma_wait3A_267 = tpu.memref_slice %arg8[%add3A_262] : memref<1280000xf32, #tpu.memory_space<hbm>> -> memref<8000xf32, #tpu.memory_space<hbm>>
        tpu.wait_dma2 semaphore(%run_scoped3A : memref<!tpu.dma_semaphore, #tpu.memory_space<semaphore_mem>>) src(%dma_wait3A_267 : memref<8000xf32, #tpu.memory_space<hbm>>) dst(%arg12 : memref<8000xf32, #tpu.memory_space<vmem>>)
        tpu.yield
      }) : () -> ()
      %parallel_loop3A_263 = arith.constant 0 : i32
      %parallel_loop3A_264 = arith.constant 2000 : i32
      %parallel_loop3A_265 = arith.constant 1 : i32
      scf.for %parallel_loop3A_266 = %parallel_loop3A_263 to %parallel_loop3A_264 step %parallel_loop3A_265  : i32 {
        %parallel_loop3A_267 = arith.constant 4 : i32
        %parallel_loop3A_268 = arith.muli %parallel_loop3A_267, %parallel_loop3A_266 : i32
        %parallel_loop3A_269 = vector.broadcast %parallel_loop3A_268 : i32 to vector<16xi32>
        %parallel_loop3A_270 = arith.addi %shift_right_arithmetic3A_32, %parallel_loop3A_269 : vector<16xi32>
        %parallel_loop3A_271 = tpu.vector_load_idx %arg11[%parallel_loop3A_270] : memref<8000xi32, #tpu.memory_space<vmem>>[vector<16xi32>], vector<16xi32>,
        %parallel_loop3A_272 = arith.constant 14 : i32
        %parallel_loop3A_273 = vector.broadcast %parallel_loop3A_272 : i32 to vector<16xi32>
        %parallel_loop3A_274 = arith.shrsi %parallel_loop3A_271, %parallel_loop3A_273 : vector<16xi32>
        %parallel_loop3A_275 = arith.constant 16383 : i32
        %parallel_loop3A_276 = vector.broadcast %parallel_loop3A_275 : i32 to vector<16xi32>
        %parallel_loop3A_277 = arith.andi %parallel_loop3A_271, %parallel_loop3A_276 : vector<16xi32>
        %parallel_loop3A_278 = tpu.vector_load_idx %arg12[%parallel_loop3A_270] : memref<8000xf32, #tpu.memory_space<vmem>>[vector<16xi32>], vector<16xf32>,
        %parallel_loop3A_279 = arith.addi %parallel_loop3A_274, %add3A_60 : vector<16xi32>
        %parallel_loop3A_280 = tpu.vector_load_idx %arg10[%parallel_loop3A_279] : memref<80000xf32, #tpu.memory_space<vmem>>[vector<16xi32>], vector<16xf32>,
        %parallel_loop3A_281 = arith.addi %parallel_loop3A_277, %mul3A_63 : vector<16xi32>
        %parallel_loop3A_282 = arith.mulf %parallel_loop3A_280, %parallel_loop3A_278 : vector<16xf32>
        tpu.vector_store_idx %arg10[%parallel_loop3A_281], %parallel_loop3A_282 {add = true} : memref<80000xf32, #tpu.memory_space<vmem>>[vector<16xi32>], vector<16xf32>,
      } {sc.loop_unroll_factor = 16 : i64, sc.parallel_access}
    }
    %scan3A_177 = arith.constant 20 : i32
    %mul3A_178 = arith.constant 4 : i32
    %mul3A_179 = arith.muli %add3A, %mul3A_178 : i32
    %mul3A_180 = arith.constant 10000 : i32
    %mul3A_181 = arith.muli %mul3A_179, %mul3A_180 : i32
    "tpu.region"() ({
      %run_scoped3A = tpu.sem_alloc : memref<!tpu.dma_semaphore, #tpu.memory_space<semaphore_mem>>
      %dma_start3A = arith.constant 70000 : i32
      %dma_start3A_257 = tpu.memref_slice %arg10[%dma_start3A] : memref<80000xf32, #tpu.memory_space<vmem>> -> memref<10000xf32, #tpu.memory_space<vmem>>
      %dma_start3A_258 = tpu.memref_slice %arg9[%mul3A_181] : memref<320000xf32, #tpu.memory_space<hbm>> -> memref<10000xf32, #tpu.memory_space<hbm>>
      %dma_start3A_259 = arith.constant 70000 : i32
      %dma_start3A_260 = tpu.memref_slice %arg10[%dma_start3A_259] : memref<80000xf32, #tpu.memory_space<vmem>> -> memref<10000xf32, #tpu.memory_space<vmem>>
      %dma_start3A_261 = tpu.memref_slice %arg9[%mul3A_181] : memref<320000xf32, #tpu.memory_space<hbm>> -> memref<10000xf32, #tpu.memory_space<hbm>>
      tpu.enqueue_dma source(%dma_start3A_261 : memref<10000xf32, #tpu.memory_space<hbm>>) target(%dma_start3A_260 : memref<10000xf32, #tpu.memory_space<vmem>>) target_semaphore(%run_scoped3A : memref<!tpu.dma_semaphore, #tpu.memory_space<semaphore_mem>>)
      %dma_wait3A = arith.constant 70000 : i32
      %dma_wait3A_262 = tpu.memref_slice %arg10[%dma_wait3A] : memref<80000xf32, #tpu.memory_space<vmem>> -> memref<10000xf32, #tpu.memory_space<vmem>>
      %dma_wait3A_263 = tpu.memref_slice %arg9[%mul3A_181] : memref<320000xf32, #tpu.memory_space<hbm>> -> memref<10000xf32, #tpu.memory_space<hbm>>
      %dma_wait3A_264 = arith.constant 70000 : i32
      %dma_wait3A_265 = tpu.memref_slice %arg10[%dma_wait3A_264] : memref<80000xf32, #tpu.memory_space<vmem>> -> memref<10000xf32, #tpu.memory_space<vmem>>
      %dma_wait3A_266 = tpu.memref_slice %arg9[%mul3A_181] : memref<320000xf32, #tpu.memory_space<hbm>> -> memref<10000xf32, #tpu.memory_space<hbm>>
      tpu.wait_dma2 semaphore(%run_scoped3A : memref<!tpu.dma_semaphore, #tpu.memory_space<semaphore_mem>>) src(%dma_wait3A_266 : memref<10000xf32, #tpu.memory_space<hbm>>) dst(%dma_wait3A_265 : memref<10000xf32, #tpu.memory_space<vmem>>)
      tpu.yield
    }) : () -> ()
    %mul3A_182 = arith.constant 4 : i32
    %mul3A_183 = arith.muli %add3A, %mul3A_182 : i32
    %add3A_184 = arith.constant 1 : i32
    %add3A_185 = arith.addi %mul3A_183, %add3A_184 : i32
    %mul3A_186 = arith.constant 10000 : i32
    %mul3A_187 = arith.muli %add3A_185, %mul3A_186 : i32
    "tpu.region"() ({
      %run_scoped3A = tpu.sem_alloc : memref<!tpu.dma_semaphore, #tpu.memory_space<semaphore_mem>>
      %dma_start3A = arith.constant 40000 : i32
      %dma_start3A_257 = tpu.memref_slice %arg10[%dma_start3A] : memref<80000xf32, #tpu.memory_space<vmem>> -> memref<10000xf32, #tpu.memory_space<vmem>>
      %dma_start3A_258 = tpu.memref_slice %arg9[%mul3A_187] : memref<320000xf32, #tpu.memory_space<hbm>> -> memref<10000xf32, #tpu.memory_space<hbm>>
      %dma_start3A_259 = arith.constant 40000 : i32
      %dma_start3A_260 = tpu.memref_slice %arg10[%dma_start3A_259] : memref<80000xf32, #tpu.memory_space<vmem>> -> memref<10000xf32, #tpu.memory_space<vmem>>
      %dma_start3A_261 = tpu.memref_slice %arg9[%mul3A_187] : memref<320000xf32, #tpu.memory_space<hbm>> -> memref<10000xf32, #tpu.memory_space<hbm>>
      tpu.enqueue_dma source(%dma_start3A_261 : memref<10000xf32, #tpu.memory_space<hbm>>) target(%dma_start3A_260 : memref<10000xf32, #tpu.memory_space<vmem>>) target_semaphore(%run_scoped3A : memref<!tpu.dma_semaphore, #tpu.memory_space<semaphore_mem>>)
      %dma_wait3A = arith.constant 40000 : i32
      %dma_wait3A_262 = tpu.memref_slice %arg10[%dma_wait3A] : memref<80000xf32, #tpu.memory_space<vmem>> -> memref<10000xf32, #tpu.memory_space<vmem>>
      %dma_wait3A_263 = tpu.memref_slice %arg9[%mul3A_187] : memref<320000xf32, #tpu.memory_space<hbm>> -> memref<10000xf32, #tpu.memory_space<hbm>>
      %dma_wait3A_264 = arith.constant 40000 : i32
      %dma_wait3A_265 = tpu.memref_slice %arg10[%dma_wait3A_264] : memref<80000xf32, #tpu.memory_space<vmem>> -> memref<10000xf32, #tpu.memory_space<vmem>>
      %dma_wait3A_266 = tpu.memref_slice %arg9[%mul3A_187] : memref<320000xf32, #tpu.memory_space<hbm>> -> memref<10000xf32, #tpu.memory_space<hbm>>
      tpu.wait_dma2 semaphore(%run_scoped3A : memref<!tpu.dma_semaphore, #tpu.memory_space<semaphore_mem>>) src(%dma_wait3A_266 : memref<10000xf32, #tpu.memory_space<hbm>>) dst(%dma_wait3A_265 : memref<10000xf32, #tpu.memory_space<vmem>>)
      tpu.yield
    }) : () -> ()
    %parallel_loop3A_188 = arith.constant 0 : i32
    %parallel_loop3A_189 = arith.constant 625 : i32
    %parallel_loop3A_190 = arith.constant 1 : i32
    scf.for %parallel_loop3A_257 = %parallel_loop3A_188 to %parallel_loop3A_189 step %parallel_loop3A_190  : i32 {
      %parallel_loop3A_258 = arith.constant 16 : i32
      %parallel_loop3A_259 = arith.muli %parallel_loop3A_257, %parallel_loop3A_258 : i32
      %parallel_loop3A_260 = arith.constant 70000 : i32
      %parallel_loop3A_261 = arith.addi %parallel_loop3A_260, %parallel_loop3A_259 : i32
      %parallel_loop3A_262 = arith.index_cast %parallel_loop3A_261 : i32 to index
      %parallel_loop3A_263 = tpu.vector_load %arg10[%parallel_loop3A_262] {strides = array<i32>} : memref<80000xf32, #tpu.memory_space<vmem>>, vector<16xf32>,
      %parallel_loop3A_264 = arith.constant 16 : i32
      %parallel_loop3A_265 = arith.muli %parallel_loop3A_257, %parallel_loop3A_264 : i32
      %parallel_loop3A_266 = arith.constant 40000 : i32
      %parallel_loop3A_267 = arith.addi %parallel_loop3A_266, %parallel_loop3A_265 : i32
      %parallel_loop3A_268 = arith.index_cast %parallel_loop3A_267 : i32 to index
      %parallel_loop3A_269 = tpu.vector_load %arg10[%parallel_loop3A_268] {strides = array<i32>} : memref<80000xf32, #tpu.memory_space<vmem>>, vector<16xf32>,
      %parallel_loop3A_270 = arith.addf %parallel_loop3A_263, %parallel_loop3A_269 : vector<16xf32>
      %parallel_loop3A_271 = arith.index_cast %parallel_loop3A_261 : i32 to index
      %parallel_loop3A_272 = tpu.vector_load %arg10[%parallel_loop3A_271] {strides = array<i32>} : memref<80000xf32, #tpu.memory_space<vmem>>, vector<16xf32>,
      tpu.vector_store %arg10[%parallel_loop3A_271], %parallel_loop3A_270 {strides = array<i32>} : memref<80000xf32, #tpu.memory_space<vmem>>, vector<16xf32>,
    } {sc.loop_unroll_factor = 8 : i64, sc.parallel_access}
    %mul3A_191 = arith.constant 4 : i32
    %mul3A_192 = arith.muli %add3A, %mul3A_191 : i32
    %add3A_193 = arith.constant 2 : i32
    %add3A_194 = arith.addi %mul3A_192, %add3A_193 : i32
    %mul3A_195 = arith.constant 10000 : i32
    %mul3A_196 = arith.muli %add3A_194, %mul3A_195 : i32
    "tpu.region"() ({
      %run_scoped3A = tpu.sem_alloc : memref<!tpu.dma_semaphore, #tpu.memory_space<semaphore_mem>>
      %dma_start3A = arith.constant 40000 : i32
      %dma_start3A_257 = tpu.memref_slice %arg10[%dma_start3A] : memref<80000xf32, #tpu.memory_space<vmem>> -> memref<10000xf32, #tpu.memory_space<vmem>>
      %dma_start3A_258 = tpu.memref_slice %arg9[%mul3A_196] : memref<320000xf32, #tpu.memory_space<hbm>> -> memref<10000xf32, #tpu.memory_space<hbm>>
      %dma_start3A_259 = arith.constant 40000 : i32
      %dma_start3A_260 = tpu.memref_slice %arg10[%dma_start3A_259] : memref<80000xf32, #tpu.memory_space<vmem>> -> memref<10000xf32, #tpu.memory_space<vmem>>
      %dma_start3A_261 = tpu.memref_slice %arg9[%mul3A_196] : memref<320000xf32, #tpu.memory_space<hbm>> -> memref<10000xf32, #tpu.memory_space<hbm>>
      tpu.enqueue_dma source(%dma_start3A_261 : memref<10000xf32, #tpu.memory_space<hbm>>) target(%dma_start3A_260 : memref<10000xf32, #tpu.memory_space<vmem>>) target_semaphore(%run_scoped3A : memref<!tpu.dma_semaphore, #tpu.memory_space<semaphore_mem>>)
      %dma_wait3A = arith.constant 40000 : i32
      %dma_wait3A_262 = tpu.memref_slice %arg10[%dma_wait3A] : memref<80000xf32, #tpu.memory_space<vmem>> -> memref<10000xf32, #tpu.memory_space<vmem>>
      %dma_wait3A_263 = tpu.memref_slice %arg9[%mul3A_196] : memref<320000xf32, #tpu.memory_space<hbm>> -> memref<10000xf32, #tpu.memory_space<hbm>>
      %dma_wait3A_264 = arith.constant 40000 : i32
      %dma_wait3A_265 = tpu.memref_slice %arg10[%dma_wait3A_264] : memref<80000xf32, #tpu.memory_space<vmem>> -> memref<10000xf32, #tpu.memory_space<vmem>>
      %dma_wait3A_266 = tpu.memref_slice %arg9[%mul3A_196] : memref<320000xf32, #tpu.memory_space<hbm>> -> memref<10000xf32, #tpu.memory_space<hbm>>
      tpu.wait_dma2 semaphore(%run_scoped3A : memref<!tpu.dma_semaphore, #tpu.memory_space<semaphore_mem>>) src(%dma_wait3A_266 : memref<10000xf32, #tpu.memory_space<hbm>>) dst(%dma_wait3A_265 : memref<10000xf32, #tpu.memory_space<vmem>>)
      tpu.yield
    }) : () -> ()
    %parallel_loop3A_197 = arith.constant 0 : i32
    %parallel_loop3A_198 = arith.constant 625 : i32
    %parallel_loop3A_199 = arith.constant 1 : i32
    scf.for %parallel_loop3A_257 = %parallel_loop3A_197 to %parallel_loop3A_198 step %parallel_loop3A_199  : i32 {
      %parallel_loop3A_258 = arith.constant 16 : i32
      %parallel_loop3A_259 = arith.muli %parallel_loop3A_257, %parallel_loop3A_258 : i32
      %parallel_loop3A_260 = arith.constant 70000 : i32
      %parallel_loop3A_261 = arith.addi %parallel_loop3A_260, %parallel_loop3A_259 : i32
      %parallel_loop3A_262 = arith.index_cast %parallel_loop3A_261 : i32 to index
      %parallel_loop3A_263 = tpu.vector_load %arg10[%parallel_loop3A_262] {strides = array<i32>} : memref<80000xf32, #tpu.memory_space<vmem>>, vector<16xf32>,
      %parallel_loop3A_264 = arith.constant 16 : i32
      %parallel_loop3A_265 = arith.muli %parallel_loop3A_257, %parallel_loop3A_264 : i32
      %parallel_loop3A_266 = arith.constant 40000 : i32
      %parallel_loop3A_267 = arith.addi %parallel_loop3A_266, %parallel_loop3A_265 : i32
      %parallel_loop3A_268 = arith.index_cast %parallel_loop3A_267 : i32 to index
      %parallel_loop3A_269 = tpu.vector_load %arg10[%parallel_loop3A_268] {strides = array<i32>} : memref<80000xf32, #tpu.memory_space<vmem>>, vector<16xf32>,
      %parallel_loop3A_270 = arith.addf %parallel_loop3A_263, %parallel_loop3A_269 : vector<16xf32>
      %parallel_loop3A_271 = arith.index_cast %parallel_loop3A_261 : i32 to index
      %parallel_loop3A_272 = tpu.vector_load %arg10[%parallel_loop3A_271] {strides = array<i32>} : memref<80000xf32, #tpu.memory_space<vmem>>, vector<16xf32>,
      tpu.vector_store %arg10[%parallel_loop3A_271], %parallel_loop3A_270 {strides = array<i32>} : memref<80000xf32, #tpu.memory_space<vmem>>, vector<16xf32>,
    } {sc.loop_unroll_factor = 8 : i64, sc.parallel_access}
    %mul3A_200 = arith.constant 4 : i32
    %mul3A_201 = arith.muli %add3A, %mul3A_200 : i32
    %add3A_202 = arith.constant 3 : i32
    %add3A_203 = arith.addi %mul3A_201, %add3A_202 : i32
    %mul3A_204 = arith.constant 10000 : i32
    %mul3A_205 = arith.muli %add3A_203, %mul3A_204 : i32
    "tpu.region"() ({
      %run_scoped3A = tpu.sem_alloc : memref<!tpu.dma_semaphore, #tpu.memory_space<semaphore_mem>>
      %dma_start3A = arith.constant 40000 : i32
      %dma_start3A_257 = tpu.memref_slice %arg10[%dma_start3A] : memref<80000xf32, #tpu.memory_space<vmem>> -> memref<10000xf32, #tpu.memory_space<vmem>>
      %dma_start3A_258 = tpu.memref_slice %arg9[%mul3A_205] : memref<320000xf32, #tpu.memory_space<hbm>> -> memref<10000xf32, #tpu.memory_space<hbm>>
      %dma_start3A_259 = arith.constant 40000 : i32
      %dma_start3A_260 = tpu.memref_slice %arg10[%dma_start3A_259] : memref<80000xf32, #tpu.memory_space<vmem>> -> memref<10000xf32, #tpu.memory_space<vmem>>
      %dma_start3A_261 = tpu.memref_slice %arg9[%mul3A_205] : memref<320000xf32, #tpu.memory_space<hbm>> -> memref<10000xf32, #tpu.memory_space<hbm>>
      tpu.enqueue_dma source(%dma_start3A_261 : memref<10000xf32, #tpu.memory_space<hbm>>) target(%dma_start3A_260 : memref<10000xf32, #tpu.memory_space<vmem>>) target_semaphore(%run_scoped3A : memref<!tpu.dma_semaphore, #tpu.memory_space<semaphore_mem>>)
      %dma_wait3A = arith.constant 40000 : i32
      %dma_wait3A_262 = tpu.memref_slice %arg10[%dma_wait3A] : memref<80000xf32, #tpu.memory_space<vmem>> -> memref<10000xf32, #tpu.memory_space<vmem>>
      %dma_wait3A_263 = tpu.memref_slice %arg9[%mul3A_205] : memref<320000xf32, #tpu.memory_space<hbm>> -> memref<10000xf32, #tpu.memory_space<hbm>>
      %dma_wait3A_264 = arith.constant 40000 : i32
      %dma_wait3A_265 = tpu.memref_slice %arg10[%dma_wait3A_264] : memref<80000xf32, #tpu.memory_space<vmem>> -> memref<10000xf32, #tpu.memory_space<vmem>>
      %dma_wait3A_266 = tpu.memref_slice %arg9[%mul3A_205] : memref<320000xf32, #tpu.memory_space<hbm>> -> memref<10000xf32, #tpu.memory_space<hbm>>
      tpu.wait_dma2 semaphore(%run_scoped3A : memref<!tpu.dma_semaphore, #tpu.memory_space<semaphore_mem>>) src(%dma_wait3A_266 : memref<10000xf32, #tpu.memory_space<hbm>>) dst(%dma_wait3A_265 : memref<10000xf32, #tpu.memory_space<vmem>>)
      tpu.yield
    }) : () -> ()
    %parallel_loop3A_206 = arith.constant 0 : i32
    %parallel_loop3A_207 = arith.constant 625 : i32
    %parallel_loop3A_208 = arith.constant 1 : i32
    scf.for %parallel_loop3A_257 = %parallel_loop3A_206 to %parallel_loop3A_207 step %parallel_loop3A_208  : i32 {
      %parallel_loop3A_258 = arith.constant 16 : i32
      %parallel_loop3A_259 = arith.muli %parallel_loop3A_257, %parallel_loop3A_258 : i32
      %parallel_loop3A_260 = arith.constant 70000 : i32
      %parallel_loop3A_261 = arith.addi %parallel_loop3A_260, %parallel_loop3A_259 : i32
      %parallel_loop3A_262 = arith.index_cast %parallel_loop3A_261 : i32 to index
      %parallel_loop3A_263 = tpu.vector_load %arg10[%parallel_loop3A_262] {strides = array<i32>} : memref<80000xf32, #tpu.memory_space<vmem>>, vector<16xf32>,
      %parallel_loop3A_264 = arith.constant 16 : i32
      %parallel_loop3A_265 = arith.muli %parallel_loop3A_257, %parallel_loop3A_264 : i32
      %parallel_loop3A_266 = arith.constant 40000 : i32
      %parallel_loop3A_267 = arith.addi %parallel_loop3A_266, %parallel_loop3A_265 : i32
      %parallel_loop3A_268 = arith.index_cast %parallel_loop3A_267 : i32 to index
      %parallel_loop3A_269 = tpu.vector_load %arg10[%parallel_loop3A_268] {strides = array<i32>} : memref<80000xf32, #tpu.memory_space<vmem>>, vector<16xf32>,
      %parallel_loop3A_270 = arith.addf %parallel_loop3A_263, %parallel_loop3A_269 : vector<16xf32>
      %parallel_loop3A_271 = arith.index_cast %parallel_loop3A_261 : i32 to index
      %parallel_loop3A_272 = tpu.vector_load %arg10[%parallel_loop3A_271] {strides = array<i32>} : memref<80000xf32, #tpu.memory_space<vmem>>, vector<16xf32>,
      tpu.vector_store %arg10[%parallel_loop3A_271], %parallel_loop3A_270 {strides = array<i32>} : memref<80000xf32, #tpu.memory_space<vmem>>, vector<16xf32>,
    } {sc.loop_unroll_factor = 8 : i64, sc.parallel_access}
    %mul3A_209 = arith.constant 4 : i32
    %mul3A_210 = arith.muli %add3A_164, %mul3A_209 : i32
    %add3A_211 = arith.constant 0 : i32
    %add3A_212 = arith.addi %mul3A_210, %add3A_211 : i32
    %mul3A_213 = arith.constant 16 : i32
    %mul3A_214 = arith.muli %add3A_212, %mul3A_213 : i32
    "tpu.region"() ({
      %run_scoped3A = tpu.sem_alloc : memref<!tpu.dma_semaphore, #tpu.memory_space<semaphore_mem>>
      %dma_start3A = tpu.memref_slice %arg6[%mul3A_214] : memref<4096xf32, #tpu.memory_space<hbm>> -> memref<16xf32, #tpu.memory_space<hbm>>
      %dma_start3A_257 = tpu.memref_slice %arg6[%mul3A_214] : memref<4096xf32, #tpu.memory_space<hbm>> -> memref<16xf32, #tpu.memory_space<hbm>>
      tpu.enqueue_dma source(%dma_start3A_257 : memref<16xf32, #tpu.memory_space<hbm>>) target(%arg13 : memref<16xf32, #tpu.memory_space<vmem>>) target_semaphore(%run_scoped3A : memref<!tpu.dma_semaphore, #tpu.memory_space<semaphore_mem>>)
      %dma_wait3A = tpu.memref_slice %arg6[%mul3A_214] : memref<4096xf32, #tpu.memory_space<hbm>> -> memref<16xf32, #tpu.memory_space<hbm>>
      %dma_wait3A_258 = tpu.memref_slice %arg6[%mul3A_214] : memref<4096xf32, #tpu.memory_space<hbm>> -> memref<16xf32, #tpu.memory_space<hbm>>
      tpu.wait_dma2 semaphore(%run_scoped3A : memref<!tpu.dma_semaphore, #tpu.memory_space<semaphore_mem>>) src(%dma_wait3A_258 : memref<16xf32, #tpu.memory_space<hbm>>) dst(%arg13 : memref<16xf32, #tpu.memory_space<vmem>>)
      tpu.yield
    }) : () -> ()
    %get3A_215 = arith.constant 0 : index
    %get3A_216 = tpu.vector_load %arg13[%get3A_215] {strides = array<i32>} : memref<16xf32, #tpu.memory_space<vmem>>, vector<16xf32>,
    %parallel_loop3A_217 = arith.constant 0 : i32
    %parallel_loop3A_218 = arith.constant 625 : i32
    %parallel_loop3A_219 = arith.constant 1 : i32
    scf.for %parallel_loop3A_257 = %parallel_loop3A_217 to %parallel_loop3A_218 step %parallel_loop3A_219  : i32 {
      %parallel_loop3A_258 = arith.constant 16 : i32
      %parallel_loop3A_259 = arith.muli %parallel_loop3A_257, %parallel_loop3A_258 : i32
      %parallel_loop3A_260 = arith.constant 0 : i32
      %parallel_loop3A_261 = arith.addi %parallel_loop3A_260, %parallel_loop3A_259 : i32
      %parallel_loop3A_262 = arith.index_cast %parallel_loop3A_261 : i32 to index
      %parallel_loop3A_263 = tpu.vector_load %arg10[%parallel_loop3A_262] {strides = array<i32>} : memref<80000xf32, #tpu.memory_space<vmem>>, vector<16xf32>,
      %parallel_loop3A_264 = arith.constant 16 : i32
      %parallel_loop3A_265 = arith.muli %parallel_loop3A_257, %parallel_loop3A_264 : i32
      %parallel_loop3A_266 = arith.constant 70000 : i32
      %parallel_loop3A_267 = arith.addi %parallel_loop3A_266, %parallel_loop3A_265 : i32
      %parallel_loop3A_268 = arith.index_cast %parallel_loop3A_267 : i32 to index
      %parallel_loop3A_269 = tpu.vector_load %arg10[%parallel_loop3A_268] {strides = array<i32>} : memref<80000xf32, #tpu.memory_space<vmem>>, vector<16xf32>,
      %parallel_loop3A_270 = arith.constant 0.000000e+00 : f32
      %parallel_loop3A_271 = vector.broadcast %parallel_loop3A_270 : f32 to vector<16xf32>
      %parallel_loop3A_272 = arith.cmpf ogt, %parallel_loop3A_269, %parallel_loop3A_271 : vector<16xf32>
      %parallel_loop3A_273 = arith.divf %parallel_loop3A_263, %parallel_loop3A_269 : vector<16xf32>
      %parallel_loop3A_274 = arith.constant 0.000000e+00 : f32
      %parallel_loop3A_275 = vector.broadcast %parallel_loop3A_274 : f32 to vector<16xf32>
      %parallel_loop3A_276 = arith.select %parallel_loop3A_272, %parallel_loop3A_273, %parallel_loop3A_275 : vector<16xi1>, vector<16xf32>
      %parallel_loop3A_277 = arith.addf %parallel_loop3A_276, %get3A_216 : vector<16xf32>
      %parallel_loop3A_278 = arith.index_cast %parallel_loop3A_261 : i32 to index
      %parallel_loop3A_279 = tpu.vector_load %arg10[%parallel_loop3A_278] {strides = array<i32>} : memref<80000xf32, #tpu.memory_space<vmem>>, vector<16xf32>,
      tpu.vector_store %arg10[%parallel_loop3A_278], %parallel_loop3A_277 {strides = array<i32>} : memref<80000xf32, #tpu.memory_space<vmem>>, vector<16xf32>,
    } {sc.loop_unroll_factor = 8 : i64, sc.parallel_access}
    %mul3A_220 = arith.constant 4 : i32
    %mul3A_221 = arith.muli %add3A_164, %mul3A_220 : i32
    %add3A_222 = arith.constant 1 : i32
    %add3A_223 = arith.addi %mul3A_221, %add3A_222 : i32
    %mul3A_224 = arith.constant 16 : i32
    %mul3A_225 = arith.muli %add3A_223, %mul3A_224 : i32
    "tpu.region"() ({
      %run_scoped3A = tpu.sem_alloc : memref<!tpu.dma_semaphore, #tpu.memory_space<semaphore_mem>>
      %dma_start3A = tpu.memref_slice %arg6[%mul3A_225] : memref<4096xf32, #tpu.memory_space<hbm>> -> memref<16xf32, #tpu.memory_space<hbm>>
      %dma_start3A_257 = tpu.memref_slice %arg6[%mul3A_225] : memref<4096xf32, #tpu.memory_space<hbm>> -> memref<16xf32, #tpu.memory_space<hbm>>
      tpu.enqueue_dma source(%dma_start3A_257 : memref<16xf32, #tpu.memory_space<hbm>>) target(%arg13 : memref<16xf32, #tpu.memory_space<vmem>>) target_semaphore(%run_scoped3A : memref<!tpu.dma_semaphore, #tpu.memory_space<semaphore_mem>>)
      %dma_wait3A = tpu.memref_slice %arg6[%mul3A_225] : memref<4096xf32, #tpu.memory_space<hbm>> -> memref<16xf32, #tpu.memory_space<hbm>>
      %dma_wait3A_258 = tpu.memref_slice %arg6[%mul3A_225] : memref<4096xf32, #tpu.memory_space<hbm>> -> memref<16xf32, #tpu.memory_space<hbm>>
      tpu.wait_dma2 semaphore(%run_scoped3A : memref<!tpu.dma_semaphore, #tpu.memory_space<semaphore_mem>>) src(%dma_wait3A_258 : memref<16xf32, #tpu.memory_space<hbm>>) dst(%arg13 : memref<16xf32, #tpu.memory_space<vmem>>)
      tpu.yield
    }) : () -> ()
    %get3A_226 = arith.constant 0 : index
    %get3A_227 = tpu.vector_load %arg13[%get3A_226] {strides = array<i32>} : memref<16xf32, #tpu.memory_space<vmem>>, vector<16xf32>,
    %parallel_loop3A_228 = arith.constant 0 : i32
    %parallel_loop3A_229 = arith.constant 625 : i32
    %parallel_loop3A_230 = arith.constant 1 : i32
    scf.for %parallel_loop3A_257 = %parallel_loop3A_228 to %parallel_loop3A_229 step %parallel_loop3A_230  : i32 {
      %parallel_loop3A_258 = arith.constant 16 : i32
      %parallel_loop3A_259 = arith.muli %parallel_loop3A_257, %parallel_loop3A_258 : i32
      %parallel_loop3A_260 = arith.constant 10000 : i32
      %parallel_loop3A_261 = arith.addi %parallel_loop3A_260, %parallel_loop3A_259 : i32
      %parallel_loop3A_262 = arith.index_cast %parallel_loop3A_261 : i32 to index
      %parallel_loop3A_263 = tpu.vector_load %arg10[%parallel_loop3A_262] {strides = array<i32>} : memref<80000xf32, #tpu.memory_space<vmem>>, vector<16xf32>,
      %parallel_loop3A_264 = arith.constant 16 : i32
      %parallel_loop3A_265 = arith.muli %parallel_loop3A_257, %parallel_loop3A_264 : i32
      %parallel_loop3A_266 = arith.constant 70000 : i32
      %parallel_loop3A_267 = arith.addi %parallel_loop3A_266, %parallel_loop3A_265 : i32
      %parallel_loop3A_268 = arith.index_cast %parallel_loop3A_267 : i32 to index
      %parallel_loop3A_269 = tpu.vector_load %arg10[%parallel_loop3A_268] {strides = array<i32>} : memref<80000xf32, #tpu.memory_space<vmem>>, vector<16xf32>,
      %parallel_loop3A_270 = arith.constant 0.000000e+00 : f32
      %parallel_loop3A_271 = vector.broadcast %parallel_loop3A_270 : f32 to vector<16xf32>
      %parallel_loop3A_272 = arith.cmpf ogt, %parallel_loop3A_269, %parallel_loop3A_271 : vector<16xf32>
      %parallel_loop3A_273 = arith.divf %parallel_loop3A_263, %parallel_loop3A_269 : vector<16xf32>
      %parallel_loop3A_274 = arith.constant 0.000000e+00 : f32
      %parallel_loop3A_275 = vector.broadcast %parallel_loop3A_274 : f32 to vector<16xf32>
      %parallel_loop3A_276 = arith.select %parallel_loop3A_272, %parallel_loop3A_273, %parallel_loop3A_275 : vector<16xi1>, vector<16xf32>
      %parallel_loop3A_277 = arith.addf %parallel_loop3A_276, %get3A_227 : vector<16xf32>
      %parallel_loop3A_278 = arith.index_cast %parallel_loop3A_261 : i32 to index
      %parallel_loop3A_279 = tpu.vector_load %arg10[%parallel_loop3A_278] {strides = array<i32>} : memref<80000xf32, #tpu.memory_space<vmem>>, vector<16xf32>,
      tpu.vector_store %arg10[%parallel_loop3A_278], %parallel_loop3A_277 {strides = array<i32>} : memref<80000xf32, #tpu.memory_space<vmem>>, vector<16xf32>,
    } {sc.loop_unroll_factor = 8 : i64, sc.parallel_access}
    %mul3A_231 = arith.constant 4 : i32
    %mul3A_232 = arith.muli %add3A_164, %mul3A_231 : i32
    %add3A_233 = arith.constant 2 : i32
    %add3A_234 = arith.addi %mul3A_232, %add3A_233 : i32
    %mul3A_235 = arith.constant 16 : i32
    %mul3A_236 = arith.muli %add3A_234, %mul3A_235 : i32
    "tpu.region"() ({
      %run_scoped3A = tpu.sem_alloc : memref<!tpu.dma_semaphore, #tpu.memory_space<semaphore_mem>>
      %dma_start3A = tpu.memref_slice %arg6[%mul3A_236] : memref<4096xf32, #tpu.memory_space<hbm>> -> memref<16xf32, #tpu.memory_space<hbm>>
      %dma_start3A_257 = tpu.memref_slice %arg6[%mul3A_236] : memref<4096xf32, #tpu.memory_space<hbm>> -> memref<16xf32, #tpu.memory_space<hbm>>
      tpu.enqueue_dma source(%dma_start3A_257 : memref<16xf32, #tpu.memory_space<hbm>>) target(%arg13 : memref<16xf32, #tpu.memory_space<vmem>>) target_semaphore(%run_scoped3A : memref<!tpu.dma_semaphore, #tpu.memory_space<semaphore_mem>>)
      %dma_wait3A = tpu.memref_slice %arg6[%mul3A_236] : memref<4096xf32, #tpu.memory_space<hbm>> -> memref<16xf32, #tpu.memory_space<hbm>>
      %dma_wait3A_258 = tpu.memref_slice %arg6[%mul3A_236] : memref<4096xf32, #tpu.memory_space<hbm>> -> memref<16xf32, #tpu.memory_space<hbm>>
      tpu.wait_dma2 semaphore(%run_scoped3A : memref<!tpu.dma_semaphore, #tpu.memory_space<semaphore_mem>>) src(%dma_wait3A_258 : memref<16xf32, #tpu.memory_space<hbm>>) dst(%arg13 : memref<16xf32, #tpu.memory_space<vmem>>)
      tpu.yield
    }) : () -> ()
    %get3A_237 = arith.constant 0 : index
    %get3A_238 = tpu.vector_load %arg13[%get3A_237] {strides = array<i32>} : memref<16xf32, #tpu.memory_space<vmem>>, vector<16xf32>,
    %parallel_loop3A_239 = arith.constant 0 : i32
    %parallel_loop3A_240 = arith.constant 625 : i32
    %parallel_loop3A_241 = arith.constant 1 : i32
    scf.for %parallel_loop3A_257 = %parallel_loop3A_239 to %parallel_loop3A_240 step %parallel_loop3A_241  : i32 {
      %parallel_loop3A_258 = arith.constant 16 : i32
      %parallel_loop3A_259 = arith.muli %parallel_loop3A_257, %parallel_loop3A_258 : i32
      %parallel_loop3A_260 = arith.constant 20000 : i32
      %parallel_loop3A_261 = arith.addi %parallel_loop3A_260, %parallel_loop3A_259 : i32
      %parallel_loop3A_262 = arith.index_cast %parallel_loop3A_261 : i32 to index
      %parallel_loop3A_263 = tpu.vector_load %arg10[%parallel_loop3A_262] {strides = array<i32>} : memref<80000xf32, #tpu.memory_space<vmem>>, vector<16xf32>,
      %parallel_loop3A_264 = arith.constant 16 : i32
      %parallel_loop3A_265 = arith.muli %parallel_loop3A_257, %parallel_loop3A_264 : i32
      %parallel_loop3A_266 = arith.constant 70000 : i32
      %parallel_loop3A_267 = arith.addi %parallel_loop3A_266, %parallel_loop3A_265 : i32
      %parallel_loop3A_268 = arith.index_cast %parallel_loop3A_267 : i32 to index
      %parallel_loop3A_269 = tpu.vector_load %arg10[%parallel_loop3A_268] {strides = array<i32>} : memref<80000xf32, #tpu.memory_space<vmem>>, vector<16xf32>,
      %parallel_loop3A_270 = arith.constant 0.000000e+00 : f32
      %parallel_loop3A_271 = vector.broadcast %parallel_loop3A_270 : f32 to vector<16xf32>
      %parallel_loop3A_272 = arith.cmpf ogt, %parallel_loop3A_269, %parallel_loop3A_271 : vector<16xf32>
      %parallel_loop3A_273 = arith.divf %parallel_loop3A_263, %parallel_loop3A_269 : vector<16xf32>
      %parallel_loop3A_274 = arith.constant 0.000000e+00 : f32
      %parallel_loop3A_275 = vector.broadcast %parallel_loop3A_274 : f32 to vector<16xf32>
      %parallel_loop3A_276 = arith.select %parallel_loop3A_272, %parallel_loop3A_273, %parallel_loop3A_275 : vector<16xi1>, vector<16xf32>
      %parallel_loop3A_277 = arith.addf %parallel_loop3A_276, %get3A_238 : vector<16xf32>
      %parallel_loop3A_278 = arith.index_cast %parallel_loop3A_261 : i32 to index
      %parallel_loop3A_279 = tpu.vector_load %arg10[%parallel_loop3A_278] {strides = array<i32>} : memref<80000xf32, #tpu.memory_space<vmem>>, vector<16xf32>,
      tpu.vector_store %arg10[%parallel_loop3A_278], %parallel_loop3A_277 {strides = array<i32>} : memref<80000xf32, #tpu.memory_space<vmem>>, vector<16xf32>,
    } {sc.loop_unroll_factor = 8 : i64, sc.parallel_access}
    %mul3A_242 = arith.constant 4 : i32
    %mul3A_243 = arith.muli %add3A_164, %mul3A_242 : i32
    %add3A_244 = arith.constant 3 : i32
    %add3A_245 = arith.addi %mul3A_243, %add3A_244 : i32
    %mul3A_246 = arith.constant 16 : i32
    %mul3A_247 = arith.muli %add3A_245, %mul3A_246 : i32
    "tpu.region"() ({
      %run_scoped3A = tpu.sem_alloc : memref<!tpu.dma_semaphore, #tpu.memory_space<semaphore_mem>>
      %dma_start3A = tpu.memref_slice %arg6[%mul3A_247] : memref<4096xf32, #tpu.memory_space<hbm>> -> memref<16xf32, #tpu.memory_space<hbm>>
      %dma_start3A_257 = tpu.memref_slice %arg6[%mul3A_247] : memref<4096xf32, #tpu.memory_space<hbm>> -> memref<16xf32, #tpu.memory_space<hbm>>
      tpu.enqueue_dma source(%dma_start3A_257 : memref<16xf32, #tpu.memory_space<hbm>>) target(%arg13 : memref<16xf32, #tpu.memory_space<vmem>>) target_semaphore(%run_scoped3A : memref<!tpu.dma_semaphore, #tpu.memory_space<semaphore_mem>>)
      %dma_wait3A = tpu.memref_slice %arg6[%mul3A_247] : memref<4096xf32, #tpu.memory_space<hbm>> -> memref<16xf32, #tpu.memory_space<hbm>>
      %dma_wait3A_258 = tpu.memref_slice %arg6[%mul3A_247] : memref<4096xf32, #tpu.memory_space<hbm>> -> memref<16xf32, #tpu.memory_space<hbm>>
      tpu.wait_dma2 semaphore(%run_scoped3A : memref<!tpu.dma_semaphore, #tpu.memory_space<semaphore_mem>>) src(%dma_wait3A_258 : memref<16xf32, #tpu.memory_space<hbm>>) dst(%arg13 : memref<16xf32, #tpu.memory_space<vmem>>)
      tpu.yield
    }) : () -> ()
    %get3A_248 = arith.constant 0 : index
    %get3A_249 = tpu.vector_load %arg13[%get3A_248] {strides = array<i32>} : memref<16xf32, #tpu.memory_space<vmem>>, vector<16xf32>,
    %parallel_loop3A_250 = arith.constant 0 : i32
    %parallel_loop3A_251 = arith.constant 625 : i32
    %parallel_loop3A_252 = arith.constant 1 : i32
    scf.for %parallel_loop3A_257 = %parallel_loop3A_250 to %parallel_loop3A_251 step %parallel_loop3A_252  : i32 {
      %parallel_loop3A_258 = arith.constant 16 : i32
      %parallel_loop3A_259 = arith.muli %parallel_loop3A_257, %parallel_loop3A_258 : i32
      %parallel_loop3A_260 = arith.constant 30000 : i32
      %parallel_loop3A_261 = arith.addi %parallel_loop3A_260, %parallel_loop3A_259 : i32
      %parallel_loop3A_262 = arith.index_cast %parallel_loop3A_261 : i32 to index
      %parallel_loop3A_263 = tpu.vector_load %arg10[%parallel_loop3A_262] {strides = array<i32>} : memref<80000xf32, #tpu.memory_space<vmem>>, vector<16xf32>,
      %parallel_loop3A_264 = arith.constant 16 : i32
      %parallel_loop3A_265 = arith.muli %parallel_loop3A_257, %parallel_loop3A_264 : i32
      %parallel_loop3A_266 = arith.constant 70000 : i32
      %parallel_loop3A_267 = arith.addi %parallel_loop3A_266, %parallel_loop3A_265 : i32
      %parallel_loop3A_268 = arith.index_cast %parallel_loop3A_267 : i32 to index
      %parallel_loop3A_269 = tpu.vector_load %arg10[%parallel_loop3A_268] {strides = array<i32>} : memref<80000xf32, #tpu.memory_space<vmem>>, vector<16xf32>,
      %parallel_loop3A_270 = arith.constant 0.000000e+00 : f32
      %parallel_loop3A_271 = vector.broadcast %parallel_loop3A_270 : f32 to vector<16xf32>
      %parallel_loop3A_272 = arith.cmpf ogt, %parallel_loop3A_269, %parallel_loop3A_271 : vector<16xf32>
      %parallel_loop3A_273 = arith.divf %parallel_loop3A_263, %parallel_loop3A_269 : vector<16xf32>
      %parallel_loop3A_274 = arith.constant 0.000000e+00 : f32
      %parallel_loop3A_275 = vector.broadcast %parallel_loop3A_274 : f32 to vector<16xf32>
      %parallel_loop3A_276 = arith.select %parallel_loop3A_272, %parallel_loop3A_273, %parallel_loop3A_275 : vector<16xi1>, vector<16xf32>
      %parallel_loop3A_277 = arith.addf %parallel_loop3A_276, %get3A_249 : vector<16xf32>
      %parallel_loop3A_278 = arith.index_cast %parallel_loop3A_261 : i32 to index
      %parallel_loop3A_279 = tpu.vector_load %arg10[%parallel_loop3A_278] {strides = array<i32>} : memref<80000xf32, #tpu.memory_space<vmem>>, vector<16xf32>,
      tpu.vector_store %arg10[%parallel_loop3A_278], %parallel_loop3A_277 {strides = array<i32>} : memref<80000xf32, #tpu.memory_space<vmem>>, vector<16xf32>,
    } {sc.loop_unroll_factor = 8 : i64, sc.parallel_access}
    %mul3A_253 = arith.constant 4 : i32
    %mul3A_254 = arith.muli %add3A_164, %mul3A_253 : i32
    %mul3A_255 = arith.constant 10000 : i32
    %mul3A_256 = arith.muli %mul3A_254, %mul3A_255 : i32
    "tpu.region"() ({
      %run_scoped3A = tpu.sem_alloc : memref<!tpu.dma_semaphore, #tpu.memory_space<semaphore_mem>>
      %dma_start3A = arith.constant 0 : i32
      %dma_start3A_257 = tpu.memref_slice %arg10[%dma_start3A] : memref<80000xf32, #tpu.memory_space<vmem>> -> memref<40000xf32, #tpu.memory_space<vmem>>
      %dma_start3A_258 = tpu.memref_slice %arg7[%mul3A_256] : memref<2560000xf32, #tpu.memory_space<hbm>> -> memref<40000xf32, #tpu.memory_space<hbm>>
      %dma_start3A_259 = tpu.memref_slice %arg7[%mul3A_256] : memref<2560000xf32, #tpu.memory_space<hbm>> -> memref<40000xf32, #tpu.memory_space<hbm>>
      %dma_start3A_260 = arith.constant 0 : i32
      %dma_start3A_261 = tpu.memref_slice %arg10[%dma_start3A_260] : memref<80000xf32, #tpu.memory_space<vmem>> -> memref<40000xf32, #tpu.memory_space<vmem>>
      tpu.enqueue_dma source(%dma_start3A_261 : memref<40000xf32, #tpu.memory_space<vmem>>) target(%dma_start3A_259 : memref<40000xf32, #tpu.memory_space<hbm>>) target_semaphore(%run_scoped3A : memref<!tpu.dma_semaphore, #tpu.memory_space<semaphore_mem>>)
      %dma_wait3A = arith.constant 0 : i32
      %dma_wait3A_262 = tpu.memref_slice %arg10[%dma_wait3A] : memref<80000xf32, #tpu.memory_space<vmem>> -> memref<40000xf32, #tpu.memory_space<vmem>>
      %dma_wait3A_263 = tpu.memref_slice %arg7[%mul3A_256] : memref<2560000xf32, #tpu.memory_space<hbm>> -> memref<40000xf32, #tpu.memory_space<hbm>>
      %dma_wait3A_264 = tpu.memref_slice %arg7[%mul3A_256] : memref<2560000xf32, #tpu.memory_space<hbm>> -> memref<40000xf32, #tpu.memory_space<hbm>>
      %dma_wait3A_265 = arith.constant 0 : i32
      %dma_wait3A_266 = tpu.memref_slice %arg10[%dma_wait3A_265] : memref<80000xf32, #tpu.memory_space<vmem>> -> memref<40000xf32, #tpu.memory_space<vmem>>
      tpu.wait_dma2 semaphore(%run_scoped3A : memref<!tpu.dma_semaphore, #tpu.memory_space<semaphore_mem>>) src(%dma_wait3A_266 : memref<40000xf32, #tpu.memory_space<vmem>>) dst(%dma_wait3A_264 : memref<40000xf32, #tpu.memory_space<hbm>>)
      tpu.yield
    }) : () -> ()
    return
  }
}

module attributes {stable_mosaic.version = 14 : i64} {
  func.func @_tc_body(%arg0: i32, %arg1: memref<200x256xf32, #tpu.memory_space<vmem>>, %arg2: memref<256x256xf32, #tpu.memory_space<vmem>>, %arg3: memref<256x8xf32, #tpu.memory_space<vmem>>, %arg4: memref<256x8xf32, #tpu.memory_space<vmem>>, %arg5: memref<200x256xf32, #tpu.memory_space<vmem>>, %arg6: memref<200x8xf32, #tpu.memory_space<vmem>>, %arg7: memref<200x8xf32, #tpu.memory_space<vmem>>) attributes {dimension_semantics = [#tpu.dimension_semantics<arbitrary>], iteration_bounds = array<i64: 50>, scalar_prefetch = 0 : i64, scratch_operands = 0 : i64, tpu.core_type = #tpu.core_type<tc>, window_params = [{transform_indices = @transform_0, window_bounds = array<i64: 200, 256>}, {pipeline_mode = #tpu.pipeline_mode<synchronous>, transform_indices = @transform_1, window_bounds = array<i64: 256, 256>}, {pipeline_mode = #tpu.pipeline_mode<synchronous>, transform_indices = @transform_2, window_bounds = array<i64: 256, 8>}, {pipeline_mode = #tpu.pipeline_mode<synchronous>, transform_indices = @transform_3, window_bounds = array<i64: 256, 8>}, {transform_indices = @transform_4, window_bounds = array<i64: 200, 256>}, {transform_indices = @transform_5, window_bounds = array<i64: 200, 8>}, {transform_indices = @transform_6, window_bounds = array<i64: 200, 8>}]} {
    %get3A = arith.constant 0 : index
    %get3A_0 = arith.constant 0 : index
    %get3A_1 = vector.load %arg1[%get3A, %get3A_0] : memref<200x256xf32, #tpu.memory_space<vmem>>, vector<200x256xf32>
    %get3A_2 = arith.constant 0 : index
    %get3A_3 = arith.constant 0 : index
    %get3A_4 = vector.load %arg2[%get3A_2, %get3A_3] : memref<256x256xf32, #tpu.memory_space<vmem>>, vector<256x256xf32>
    %dot_general3A = arith.constant dense<0.000000e+00> : vector<200x256xf32>
    %dot_general3A_5 = tpu.matmul %get3A_1, %get3A_4, %dot_general3A {dimension_numbers = #tpu.dot_dimension_numbers<[1], [0], [0], [1], [0, 0, 1, 1], [], []>, transpose_lhs_hint = false} : vector<200x256xf32>, vector<256x256xf32>, vector<200x256xf32> -> vector<200x256xf32>
    %swap3A = arith.constant 0 : index
    %swap3A_6 = arith.constant 0 : index
    %swap3A_7 = vector.load %arg5[%swap3A, %swap3A_6] : memref<200x256xf32, #tpu.memory_space<vmem>>, vector<200x256xf32>
    tpu.vector_store %arg5[%swap3A, %swap3A_6], %dot_general3A_5 {strides = array<i32>} : memref<200x256xf32, #tpu.memory_space<vmem>>, vector<200x256xf32>,
    %get3A_8 = arith.constant 0 : index
    %get3A_9 = arith.constant 0 : index
    %get3A_10 = vector.load %arg3[%get3A_8, %get3A_9] : memref<256x8xf32, #tpu.memory_space<vmem>>, vector<256x8xf32>
    %dot_general3A_11 = arith.constant dense<0.000000e+00> : vector<200x8xf32>
    %dot_general3A_12 = tpu.matmul %dot_general3A_5, %get3A_10, %dot_general3A_11 {dimension_numbers = #tpu.dot_dimension_numbers<[1], [0], [0], [1], [0, 0, 1, 1], [], []>, precision = #tpu.contract_precision<fp32>, transpose_lhs_hint = false} : vector<200x256xf32>, vector<256x8xf32>, vector<200x8xf32> -> vector<200x8xf32>
    %swap3A_13 = arith.constant 0 : index
    %swap3A_14 = arith.constant 0 : index
    %swap3A_15 = vector.load %arg6[%swap3A_13, %swap3A_14] : memref<200x8xf32, #tpu.memory_space<vmem>>, vector<200x8xf32>
    tpu.vector_store %arg6[%swap3A_13, %swap3A_14], %dot_general3A_12 {strides = array<i32>} : memref<200x8xf32, #tpu.memory_space<vmem>>, vector<200x8xf32>,
    %get3A_16 = arith.constant 0 : index
    %get3A_17 = arith.constant 0 : index
    %get3A_18 = vector.load %arg4[%get3A_16, %get3A_17] : memref<256x8xf32, #tpu.memory_space<vmem>>, vector<256x8xf32>
    %dot_general3A_19 = arith.constant dense<0.000000e+00> : vector<200x8xf32>
    %dot_general3A_20 = tpu.matmul %dot_general3A_5, %get3A_18, %dot_general3A_19 {dimension_numbers = #tpu.dot_dimension_numbers<[1], [0], [0], [1], [0, 0, 1, 1], [], []>, precision = #tpu.contract_precision<fp32>, transpose_lhs_hint = false} : vector<200x256xf32>, vector<256x8xf32>, vector<200x8xf32> -> vector<200x8xf32>
    %swap3A_21 = arith.constant 0 : index
    %swap3A_22 = arith.constant 0 : index
    %swap3A_23 = vector.load %arg7[%swap3A_21, %swap3A_22] : memref<200x8xf32, #tpu.memory_space<vmem>>, vector<200x8xf32>
    tpu.vector_store %arg7[%swap3A_21, %swap3A_22], %dot_general3A_20 {strides = array<i32>} : memref<200x8xf32, #tpu.memory_space<vmem>>, vector<200x8xf32>,
    return
  }
  func.func @transform_0(%arg0: i32) -> (i32, i32) {
    %c0_i32 = arith.constant 0 : i32
    %c0_i32_0 = arith.constant 0 : i32
    return %arg0, %c0_i32 : i32, i32
  }
  func.func @transform_1(%arg0: i32) -> (i32, i32) {
    %c0_i32 = arith.constant 0 : i32
    %c0_i32_0 = arith.constant 0 : i32
    %c0_i32_1 = arith.constant 0 : i32
    return %c0_i32, %c0_i32_0 : i32, i32
  }
  func.func @transform_2(%arg0: i32) -> (i32, i32) {
    %c0_i32 = arith.constant 0 : i32
    %c0_i32_0 = arith.constant 0 : i32
    %c0_i32_1 = arith.constant 0 : i32
    return %c0_i32, %c0_i32_0 : i32, i32
  }
  func.func @transform_3(%arg0: i32) -> (i32, i32) {
    %c0_i32 = arith.constant 0 : i32
    %c0_i32_0 = arith.constant 0 : i32
    %c0_i32_1 = arith.constant 0 : i32
    return %c0_i32, %c0_i32_0 : i32, i32
  }
  func.func @transform_4(%arg0: i32) -> (i32, i32) {
    %c0_i32 = arith.constant 0 : i32
    %c0_i32_0 = arith.constant 0 : i32
    return %arg0, %c0_i32 : i32, i32
  }
  func.func @transform_5(%arg0: i32) -> (i32, i32) {
    %c0_i32 = arith.constant 0 : i32
    %c0_i32_0 = arith.constant 0 : i32
    return %arg0, %c0_i32 : i32, i32
  }
  func.func @transform_6(%arg0: i32) -> (i32, i32) {
    %c0_i32 = arith.constant 0 : i32
    %c0_i32_0 = arith.constant 0 : i32
    return %arg0, %c0_i32 : i32, i32
  }
}

</mosaic_0001>

<sc_bundles>
// kernel: kernel.4.cloned.1.call-start
scs
__scs_entry_jumppad:
0x0: {  	(pc) =	sbr.rel $0x88, $3  }
0x1: {  	(tag) =	ssettag $0x0;
	lr =	simm.s32 $0x1  }
0x2: {  	[smem:$0x3F9B] =	sst lr;
	_ =	strace $0xD0000000  }
0x3: {  	_ = 	snop  }
0x4: {  	_ = 	snop  }
0x5: {  	_ = 	snop  }
0x6: {  	_ = 	snop  }
0x7: {  	_ = 	snop  }
__scs_overlays_trampoline_lowered:
0x8: {  	[smem:$0x3FAA] =	sst s0  }
0x9: {  	[smem:$0x3FAB] =	sst s1  }
0xa: {  	[smem:$0x3FAC] =	sst s2  }
0xb: {  	[smem:$0x3FAD] =	sst s3  }
0xc: {  	[smem:$0x3FAE] =	sst s4  }
0xd: {  	[smem:$0x3FAF] =	sst s5  }
0xe: {  	[smem:$0x3FB0] =	sst s6  }
0xf: {  	[smem:$0x3FB1] =	sst s7  }
0x10: {  	[smem:$0x3FB2] =	sst s8  }
0x11: {  	[smem:$0x3FB3] =	sst s9;
	s0 =	simm.s32 @!p0 $0x0  }
0x12: {  	s1 =	sld [smem:$0x3F99];
	s0 =	simm.s32 @p0 $0x1  }
0x13: {  	[smem:$0x3FB4] =	sst s0;
	s0 =	simm.s32 @!p1 $0x0  }
0x14: {  	s2 =	sld [smem:$0x3F98];
	s0 =	simm.s32 @p1 $0x1  }
0x15: {  	[smem:$0x3FB5] =	sst s0;
	s0 =	simm.s32 @!p2 $0x0  }
0x16: {  	s3 =	sld [smem:$0x3FDB];
	s0 =	simm.s32 @p2 $0x1  }
0x17: {  	s4 =	simm.s32 $0x1BF5;
	[smem:$0x3FB7] =	sst s0  }
0x18: {  	s0 =	sld [smem:$0x3F9A];
	_ =	swait.ge [sflag:s4], $0x0  }
0x19: {  	s7 =	sld [smem:$0x3F9B]  }
0x1a: {  	s8 =	sadd.s32 $0xFFFFE003, lr  }
0x1b: {  	s9 =	sadd.s32 $0xFFFFFEF7, lr;
	s5 =	simm.s32 $0xFFFFFFFF;
	p2 =	slt.u32 s8, $0xFFFFF086  }
0x1c: {  	p1 =	slt.u32 s9, $0xF7A;
	s5 =	simm.s32 @!p2 $0x0  }
0x1d: {  	s5 =	simm.s32 @p1 $0x1;
	p0 =	seq.s32 s7, s2  }
0x1e: {  	s7 =	smul.u32 @!p0 $0xF7A, s2;
	p2 =	seq.s32 @!p0 s5, $0x0  }
0x1f: {  	s9 =	smul.u32 $0xF7A, s1;
	s8 =	simm.s32 @!p0 $0x1BF5;
	p2 =	por !p2, p0  }
0x20: {  	[sflag:s8] =	ssyncset.s32 @!p0 $0xFFFFF086;
	s6 =	sadd.s32 @!p0 s3, s7;
	s7 =	simm.s32 @!p0 $0x108  }
0x21: {  	s3 =	sadd.s32 s3, s9;
	s6 =	sadd.s32 @!p0 $0x88, s6;
	s7 =	simm.s32 @p2 $0x1082  }
0x22: {  	[simem:s7], [sflag:s8] =	dma.local @!p0 [hbm:s6], $0xF7A  }
0x23: {  	s9 =	sor.u32 $0xD0000000, s2;
	s6 =	simm.s32 $0x108;
	_ =	swait.ge @!p0 [sflag:s8], $0x0  }
0x24: {  	s3 =	sadd.s32 $0x88, s3;
	s6 =	simm.s32 @!p1 $0x1082;
	[sflag:s4] =	ssyncset.s32 $0xFFFFF086  }
0x25: {  	[simem:s6], [sflag:s4] =	dma.local [hbm:s3], $0xF7A  }
0x26: {  	[smem:$0x3F9B] =	sst s1;
	(tag) =	ssettag s2;
	_ =	strace s9  }
0x27: {  	s1 =	sld [smem:$0x3FAB]  }
0x28: {  	s2 =	sld [smem:$0x3FAC]  }
0x29: {  	s4 =	sld [smem:$0x3FAE]  }
0x2a: {  	p0 =	seq.s32 s5, $0x0;
	s5 =	sld [smem:$0x3FAF]  }
0x2b: {  	s6 =	sld [smem:$0x3FB0]  }
0x2c: {  	s7 =	sld [smem:$0x3FB1]  }
0x2d: {  	s3 =	simm.s32 $0x108;
	s8 =	sld [smem:$0x3FB2]  }
0x2e: {  	s3 =	simm.s32 @!p0 $0x1082;
	s9 =	sld [smem:$0x3FB3]  }
0x2f: {  	lr =	sadd.s32 s0, s3;
	s0 =	sld [smem:$0x3FAA]  }
0x30: {  	s3 =	sld [smem:$0x3FAD]  }
0x31: {  	[smem:$0x3FB6] =	sst s10  }
0x32: {  	s10 =	sld [smem:$0x3FB4];
	_ =	sdelay $0x3  }
0x33: {  	p0 =	seq.s32 s10, $0x1;
	s10 =	sld [smem:$0x3FB6];
	_ =	sdelay $0x3  }
0x34: {  	[smem:$0x3FB6] =	sst s10  }
0x35: {  	s10 =	sld [smem:$0x3FB5];
	_ =	sdelay $0x3  }
0x36: {  	p1 =	seq.s32 s10, $0x1;
	s10 =	sld [smem:$0x3FB6];
	_ =	sdelay $0x3  }
0x37: {  	[smem:$0x3FB6] =	sst s10  }
0x38: {  	s10 =	sld [smem:$0x3FB7]  }
0x39: {  	_ = 	snop;
	(pc) =	sbr.ind lr, $3  }
0x3a: {  	_ = 	snop  }
0x3b: {  	_ = 	snop  }
0x3c: {  	p2 =	seq.s32 s10, $0x1;
	s10 =	sld [smem:$0x3FB6]  }
0x3d: {  	_ =	shalt  }
0x3e: {  	_ =	shalt  }
0x3f: {  	_ =	shalt  }
0x40: {  	_ =	shalt  }
0x41: {  	_ =	shalt  }
0x42: {  	_ =	shalt  }
0x43: {  	_ =	shalt  }
0x44: {  	_ =	shalt  }
0x45: {  	_ =	shalt  }
0x46: {  	_ =	shalt  }
0x47: {  	_ =	shalt  }
0x48: {  	_ =	shalt  }
0x49: {  	_ =	shalt  }
0x4a: {  	_ =	shalt  }
0x4b: {  	_ =	shalt  }
0x4c: {  	_ =	shalt  }
0x4d: {  	_ =	shalt  }
0x4e: {  	_ =	shalt  }
0x4f: {  	_ =	shalt  }
0x50: {  	_ =	shalt  }
0x51: {  	_ =	shalt  }
0x52: {  	_ =	shalt  }
0x53: {  	_ =	shalt  }
0x54: {  	_ =	shalt  }
0x55: {  	_ =	shalt  }
0x56: {  	_ =	shalt  }
0x57: {  	_ =	shalt  }
0x58: {  	_ =	shalt  }
0x59: {  	_ =	shalt  }
0x5a: {  	_ =	shalt  }
0x5b: {  	_ =	shalt  }
0x5c: {  	_ =	shalt  }
0x5d: {  	_ =	shalt  }
0x5e: {  	_ =	shalt  }
0x5f: {  	_ =	shalt  }
0x60: {  	_ =	shalt  }
0x61: {  	_ =	shalt  }
0x62: {  	_ =	shalt  }
0x63: {  	_ =	shalt  }
0x64: {  	_ =	shalt  }
0x65: {  	_ =	shalt  }
0x66: {  	_ =	shalt  }
0x67: {  	_ =	shalt  }
0x68: {  	_ =	shalt  }
0x69: {  	_ =	shalt  }
0x6a: {  	_ =	shalt  }
0x6b: {  	_ =	shalt  }
0x6c: {  	_ =	shalt  }
0x6d: {  	_ =	shalt  }
0x6e: {  	_ =	shalt  }
0x6f: {  	_ =	shalt  }
0x70: {  	_ =	shalt  }
0x71: {  	_ =	shalt  }
0x72: {  	_ =	shalt  }
0x73: {  	_ =	shalt  }
0x74: {  	_ =	shalt  }
0x75: {  	_ =	shalt  }
0x76: {  	_ =	shalt  }
0x77: {  	_ =	shalt  }
0x78: {  	_ =	shalt  }
0x79: {  	_ =	shalt  }
0x7a: {  	_ =	shalt  }
0x7b: {  	_ =	shalt  }
0x7c: {  	_ =	shalt  }
0x7d: {  	_ =	shalt  }
0x7e: {  	_ =	shalt  }
0x7f: {  	_ =	shalt  }
0x80: {  	_ =	shalt  }
0x81: {  	_ =	shalt  }
0x82: {  	_ =	shalt  }
0x83: {  	_ =	shalt  }
0x84: {  	_ =	shalt  }
0x85: {  	_ =	shalt  }
0x86: {  	_ =	shalt  }
0x87: {  	_ =	shalt  }
.Lfunc_end0:
.L_simem_size_0:
called_computation_lowered:
.L_overlay_start_0:
0x88: {  	s2 =	sld [smem:$0x3FD9]  }
0x89: {  	s3 =	sld [smem:$0x3FFE];
	_ =	sdelay $0x1  }
0x8a: {  	s1 =	srdreg.scid  }
0x8b: {  	s0 =	sand.u32 $0x1, s1  }
0x8c: {  	s17 =	sshll.u32 s0, $0xA;
	s2 =	sadd.s32 s3, s2  }
0x8d: {  	s2 =	sadd.s32 s2, s17  }
0x8e: {  	[smem:$0x3FC2] =	sst s2  }
0x8f: {  	_ = 	snop  }
0x90: {  	s2 =	sld [smem:$0x3FD0];
	(tm) =	ssettm $0x1  }
0x91: {  	s18 =	sld [smem:$0x3FFB];
	_ =	sdelay $0x3  }
0x92: {  	_ =	strace s18  }
0x93: {  	s3 =	sld [smem:$0x3FFC];
	_ =	sdelay $0x3  }
0x94: {  	_ =	strace s3  }
0x95: {  	s3 =	sld [smem:$0x3FFD];
	_ =	sdelay $0x3  }
0x96: {  	_ =	strace s3  }
0x97: {  	_ =	strace $0x8FFFFFFF  }
0x98: {  	s19 =	sld [smem:$0x3FDB];
	_ =	sdelay $0x1  }
0x99: {  	s4 =	simm.s32 $_scs_section_size  }
0x9a: {  	s5 =	simm.s32 $_size__tile_overlayer_lowered;
	s6 =	simm.s32 $_tile_overlayer_lowered  }
0x9b: {  	s22 =	simm.s32 $0x1BFF;
	s21 =	sshll.u32 s6, $0x1;
	s3 =	sadd.s32 s4, s19  }
0x9c: {  	s7 =	simm.s32 $0x0;
	s20 =	sshll.u32 s5, $0x1;
	s5 =	sadd.s32 s21, s3  }
0x9d: {  	[timem:s7], [sflag:s22] =	dma.local [hbm:s5], s20  }
0x9e: {  	_ =	swait.ge [sflag:s22], s20  }
0x9f: {  	s4 =	ssub.s32 $0x0, s20;
	[sflag:s22] =	ssyncset.done $0x0  }
0xa0: {  	[sflag:s22] =	ssyncadd.s32 s4;
	_ =	sdelay $0x1  }
0xa1: {  	s23 =	simm.s32 $0x1B8B  }
0xa2: {  	_ =	swait.ge [sflag:s23], $0x1  }
0xa3: {  	[sflag:s23] =	ssyncset.done $0x0  }
0xa4: {  	s25 =	simm.s32 $0x1B8E;
	s24 =	sld [smem:$0x3FFE];
	[sflag:s23] =	ssyncadd.s32 $0xFFFFFFFF  }
0xa5: {  	s26 =	simm.s32 $execute0_lowered;
	[smem:$0x3FD2] =	sst s25  }
0xa6: {  	s5 =	sshll.u32 s26, $0x1;
	_ =	strace $0x80000046;
	[dreg:$0x1] =	wrdreg $0xFFFFFFFF  }
0xa7: {  	s28 =	simm.s32 $_size_execute0_lowered;
	s3 =	sadd.s32 s3, s5;
	[dreg:$0x0] =	wrdreg $0x0  }
0xa8: {  	s5 =	sshll.u32 s28, $0x1;
	[dreg:$0x2] =	wrdreg s3  }
0xa9: {  	[dreg:$0x3] =	wrdreg s5  }
0xaa: {  	[dreg:$0x4] =	wrdreg $0xC0  }
0xab: {  	_ =	task [dreg:s7], $0x5FFFF  }
0xac: {  	[dreg:$0x1] =	wrdreg $0xFFFFFFFF  }
0xad: {  	[dreg:$0x0] =	wrdreg $0x60  }
0xae: {  	[dreg:$0x2] =	wrdreg s2  }
0xaf: {  	[dreg:$0x3] =	wrdreg s24  }
0xb0: {  	[dreg:$0x4] =	wrdreg $0x9  }
0xb1: {  	_ =	task.clear_ibuf [dreg:s7], $0x5FFFF;
	_ =	strace $0x90000046  }
0xb2: {  	s29 =	simm.s32 $0x9;
	_ =	strace $0x80000048  }
0xb3: {  	_ =	swait.ge [sflag:s29], $0x1  }
0xb4: {  	[sflag:s29] =	ssyncadd.s32 $0xFFFFFFFF  }
0xb5: {  	_ =	strace $0x90000048  }
0xb6: {  	_ =	sfence  }
0xb7: {  	s30 =	sld [smem:$0x0];
	_ =	sdelay $0x2  }
0xb8: {  	s31 =	sshll.u32 s1, $0xD;
	s1 =	sshrl.u32 s1, $0x2  }
0xb9: {  	s3 =	sand.u32 $0x4000, s31;
	s1 =	sadd.s32 s1, s30  }
0xba: {  	s0 =	sor.u32 s3, s0;
	s1 =	sshll.u32 s1, $0x11  }
0xbb: {  	s0 =	sor.u32 s1, s0  }
0xbc: {  	s0 =	sadd.s32 $0x8F2B, s0  }
0xbd: {  	[sflag:s0] =	ssyncadd.remote.s32 $0x1  }
0xbe: {  	_ =	sfence.sel $0xFFFF  }
0xbf: {  	[dreg:$0x0] =	wrdreg $0xFFFFFFFF;
	(pc) =	sbr.abs _section_cstart, $3  }
0xc0: {  	[dreg:$0x1] =	wrdreg $0xFFFFFFFF  }
0xc1: {  	_ =	task.clear_ibuf [dreg:s7], $0x2FFFF;
	_ =	strace $0x9FFFFFFF  }
0xc2: {  	(tm) =	ssettm $0x7FFFFFFF  }
0xc3: {  	_ =	shalt  }
tec
execute0_lowered:
.L_overlay_start_1:
0x0: {  	(tag) =	ssettag $0x1  }
0x1: {  	s0 =	srdreg.scid;
	s1 =	rddreg [dreg:$0x0]  }
0x2: {  	s4 =	stileid.u32;
	s7 =	rddreg [dreg:$0x1]  }
0x3: {  	s28 =	simm.s32 $0x1;
	s30 =	simm.s32 $0x13880;
	s31 =	simm.s32 $0x15800  }
0x4: {  	s0 =	sand.u32 $0x1, s0;
	s2 =	sshrl.u32 s4, $0x2;
	s11 =	sadd.s32 $0xA00, s7  }
0x5: {  	s22 =	sadd.s32 $0x3BC00, s7;
	s10 =	sand.u32 $0x3, s4;
	s4 =	sadd.s32 $0xAC00, s7  }
0x6: {  	s13 =	sadd.s32 $0x31E00, s7;
	s24 =	sadd.s32 $0xA02, s7;
	s3 =	sshll.u32 s0, $0x2  }
0x7: {  	s17 =	sadd.s32 $0xA04, s7;
	s5 =	smul.u32 $0x9C40, s10;
	s8 =	sor.u32 s2, s3  }
0x8: {  	s0 =	ssub.s32 $0x2, s0;
	s2 =	simm.s32 $0x0;
	s3 =	smul.u32 $0x4E2, s8  }
0x9: {  	s14 =	sshrl.u32 s0, $0x1;
	[smem:$0x7FF] =	sst s2;
	s6 =	smul.u32 $0x27100, s8  }
0xa: {  	s12 =	sshll.u32 s8, $0x2;
	s0 =	ssub.s32 s0, s14;
	s15 =	smul.u32 $0x1388, s8  }
0xb: {  	s18 =	sshll.u32 s8, $0x3;
	s8 =	smul.u32 $0x9C40, s8;
	s12 =	sor.u32 s10, s12  }
0xc: {  	_ =	strace $0x80000047;
	s14 =	sor.u32 s10, s18;
	s12 =	smul.u32 $0x4E2, s12  }
0xd: {  	s9 =	sadd.s32 s3, s7;
	s3 =	sadd.s32 $0xC00, s7;
	s20 =	smul.u32 $0x1388, s14  }
0xe: {  	s10 =	sadd.s32 s13, s15;
	s8 =	sshrl.u32 s8, $0x3;
	s16 =	sadd.s32 $0x5C00, s9  }
0xf: {  	s21 =	sshll.u32 s14, $0x3;
	s9 =	sadd.s32 $0x8400, s9;
	[dreg:$0x3] =	wrdreg s16  }
0x10: {  	s18 =	sor.u32 $0x4, s14;
	s23 =	sadd.s32 s11, s21;
	[dreg:$0x4] =	wrdreg s9  }
0x11: {  	s7 =	sadd.s32 $0xA06, s7;
	s25 =	sadd.s32 s21, s24;
	[dreg:$0x6] =	wrdreg s23  }
0x12: {  	s8 =	sadd.s32 s13, s8;
	s26 =	sadd.s32 s21, s17;
	[dreg:$0x7] =	wrdreg s25  }
0x13: {  	s14 =	sadd.s32 s21, s7;
	s19 =	sadd.s32 s13, s12;
	[dreg:$0x8] =	wrdreg s26  }
0x14: {  	s23 =	smul.u32 $0x1388, s18;
	s25 =	sadd.s32 $0xEA6, s8;
	s26 =	smax.u32 s0, $0x1  }
0x15: {  	v2 =	vlaneseq.u32;
	s0 =	simm.s32 $0x0;
	[dreg:$0x5] =	wrdreg s19;
	s19 =	sshll.u32 s18, $0x3  }
0x16: {  	v0 =	vand.u32 $0x3, v2;
	s29 =	sand.u32 $0x1FFFFFF8, s19;
	s19 =	sadd.s32 s1, s20;
	s20 =	sadd.s32 s22, s20  }
0x17: {  	v0 =	vmul.u32 $0x2710, v0;
	s21 =	sadd.s32 s1, s23;
	s22 =	sadd.s32 s22, s23;
	s23 =	sadd.s32 $0x4E2, s8  }
0x18: {  	s1 =	simm.s32 $0x17780;
	s15 =	sadd.s32 s11, s29;
	s16 =	sadd.s32 s29, s24  }
0x19: {  	v1 =	vimm.f32 $0.0e+00;
	v2 =	vshrl.u32 v2, $0x2;
	v3 =	vadd.s32 $0x9C40, v0;
	s17 =	sadd.s32 s29, s17;
	s18 =	sadd.s32 s29, s7;
	s24 =	sadd.s32 $0x9C4, s8  }
.LBB2_1:
0x1a: {  	s7 =	rddreg [dreg:$0x3]  }
0x1b: {  	[tilespmem:s2], [sflag:$0x1] =	stream.linear.gather [hbm4b:s7+s2], $0x2710, $0x38;
	[tilespmem:$0x17800] =	vst v63  }
0x1c: {  	_ =	swait.ge [sflag:s28], $0x2710  }
0x1d: {  	[sflag:s28] =	ssyncset.done $0x0  }
0x1e: {  	s8 =	simm.s32 $0x2710;
	s29 =	rddreg [dreg:$0x4];
	[sflag:s28] =	ssyncadd.s32 $0xFFFFD8F0  }
0x1f: {  	[tilespmem:s8], [sflag:$0x1] =	stream.linear.gather [hbm4b:s29+s2], $0x2710, $0x38;
	[tilespmem:$0x17800] =	vst v63  }
0x20: {  	_ =	swait.ge [sflag:s28], $0x2710  }
0x21: {  	[sflag:s28] =	ssyncset.done $0x0  }
0x22: {  	s7 =	simm.s32 $0x4E90;
	[sflag:s28] =	ssyncadd.s32 $0xFFFFD8F0  }
0x23: {  	[tilespmem:s7+$0xFFFFFF90] =	vst v1  }
0x24: {  	[tilespmem:s7+$0x0] =	vst v1  }
0x25: {  	[tilespmem:s7+$0xFFFFFFF0] =	vst v1  }
0x26: {  	[tilespmem:s7+$0xFFFFFFE0] =	vst v1  }
0x27: {  	[tilespmem:s7+$0xFFFFFFD0] =	vst v1  }
0x28: {  	[tilespmem:s7+$0xFFFFFFC0] =	vst v1  }
0x29: {  	s8 =	simm.s32 $0x0;
	[tilespmem:s7+$0xFFFFFFB0] =	vst v1  }
.LBB2_2:
0x2a: {  	s8 =	sadd.s32 $0x8, s8;
	[tilespmem:s7+$0xFFFFFFA0] =	vst v1;
	s7 =	sadd.s32 $0x80, s7  }
0x2b: {  	[tilespmem:s7+$0xFFFFFF90] =	vst v1;
	p0 =	slt.u32 s8, $0x268  }
0x2c: {  	[tilespmem:s7+$0x0] =	vst v1  }
.Ltmp0:
0x2d: {  	[tilespmem:s7+$0xFFFFFFF0] =	vst v1;
	(pc) =	sbr.rel @p0 .LBB2_2-.Ltmp0, $4  }
0x2e: {  	[tilespmem:s7+$0xFFFFFFE0] =	vst v1  }
0x2f: {  	[tilespmem:s7+$0xFFFFFFD0] =	vst v1  }
0x30: {  	[tilespmem:s7+$0xFFFFFFC0] =	vst v1  }
0x31: {  	[tilespmem:s7+$0xFFFFFFB0] =	vst v1  }
0x32: {  	[tilespmem:s7+$0xFFFFFFA0] =	vst v1  }
0x33: {  	s29 =	simm.s32 $0x0;
	[tilespmem:$0x7520] =	vst v1  }
.LBB2_4:
0x34: {  	s7 =	smul.u32 $0x1F40, s29;
	_ =	sdelay $0x1  }
0x35: {  	s7 =	sadd.s32 s5, s7  }
0x36: {  	s8 =	sshrl.u32 s7, $0x3  }
0x37: {  	s8 =	sadd.s32 s3, s8  }
0x38: {  	[tilespmem:s30], [sflag:$0x1] =	stream.linear.gather [hbm4b:s8+s2], $0x1F40, $0x38;
	[tilespmem:$0x17800] =	vst v63  }
0x39: {  	_ =	swait.ge [sflag:s28], $0x1F40  }
0x3a: {  	[sflag:s28] =	ssyncset.done $0x0  }
0x3b: {  	s11 =	simm.s32 $0x138A0;
	[sflag:s28] =	ssyncadd.s32 $0xFFFFE0C0  }
0x3c: {  	v4 =	vld [tilespmem:s11+$0x10]  }
0x3d: {  	v5 =	vld [tilespmem:s11+$0xFFFFFFF0];
	_ =	sdelay $0x1  }
0x3e: {  	v6 =	vld [tilespmem:s11+$0x0]  }
0x3f: {  	s12 =	simm.s32 $0x138E0  }
0x40: {  	v16 =	vld [tilespmem:s12+$0x10];
	v7 =	vshra.s32 v4, $0xE  }
0x41: {  	v8 =	vand.u32 $0x3FFF, v4;
	v4 =	vld [tilespmem:s11+$0xFFFFFFE0];
	v9 =	vand.u32 $0x3FFF, v5;
	v5 =	vshra.s32 v5, $0xE  }
0x42: {  	v10 =	vadd.s32 $0x2710, v8  }
0x43: {  	v12 =	vand.u32 $0x3FFF, v6;
	v6 =	vshra.s32 v6, $0xE  }
0x44: {  	v21 =	vld [tilespmem:s12+$0xFFFFFFF0];
	v11 =	vadd.s32 $0x2710, v9  }
0x45: {  	v18 =	vshra.s32 v16, $0xE;
	v13 =	vadd.s32 $0x2710, v12;
	v7 =	vld.idx.msk [tilespmem:v7+s2+$0x0], $0xffff  }
0x46: {  	v23 =	vand.u32 $0x3FFF, v16;
	v14 =	vshra.s32 v4, $0xE;
	v4 =	vand.u32 $0x3FFF, v4;
	v16 =	vld.idx.msk [tilespmem:v5+s2+$0x0], $0xffff  }
0x47: {  	v10 =	vld.idx.msk [tilespmem:v10+s2+$0x0], $0xffff;
	v15 =	vadd.s32 $0x2710, v4  }
0x48: {  	v20 =	vld.idx.msk [tilespmem:v6+s2+$0x0], $0xffff  }
0x49: {  	v11 =	vld.idx.msk [tilespmem:v11+s2+$0x0], $0xffff  }
0x4a: {  	v13 =	vld.idx.msk [tilespmem:v13+s2+$0x0], $0xffff  }
0x4b: {  	v14 =	vld.idx.msk [tilespmem:v14+s2+$0x0], $0xffff  }
0x4c: {  	v19 =	vadd.s32 $0x2710, v23;
	v7 =	vadd.f32 v10, v7;
	v10 =	vld.idx.msk [tilespmem:v15+s2+$0x0], $0xffff  }
0x4d: {  	v17 =	vld [tilespmem:s12+$0xFFFFFFE0]  }
0x4e: {  	v15 =	vmul.f32 $2.000000030e-01, v7  }
0x4f: {  	v5 =	vadd.s32 $0x4E20, v4;
	v4 =	vadd.s32 $0x4E20, v9;
	v9 =	vld [tilespmem:s12+$0x0]  }
0x50: {  	v11 =	vadd.f32 v11, v16;
	v13 =	vadd.f32 v13, v20;
	v6 =	vmax.f32 v7, v15  }
0x51: {  	v16 =	vld.idx.msk [tilespmem:v19+s2+$0x0], $0xffff;
	v19 =	vshra.s32 v21, $0xE;
	v15 =	vmul.f32 $1.442695020e+00, v6;
	v10 =	vadd.f32 v10, v14  }
0x52: {  	v20 =	vmul.f32 $2.000000030e-01, v11;
	v7 =	vshra.s32 v17, $0xE;
	v6 =	vadd.s32 $0x4E20, v12  }
0x53: {  	v12 =	vand.u32 $0x3FFF, v17;
	(erf) = vpow2.f32 v15;
	v17 =	vmul.f32 $2.000000030e-01, v10  }
0x54: {  	s13 =	simm.s32 $0x13920;
	v24 =	vand.u32 $0x3FFF, v9;
	v14 =	vld.idx.msk [tilespmem:v18+s2+$0x0], $0xffff  }
0x55: {  	v22 =	vld [tilespmem:s13+$0x10];
	v11 =	vmax.f32 v11, v20;
	v15 =	vadd.s32 $0x2710, v12;
	v10 =	vmax.f32 v10, v17  }
0x56: {  	v20 =	vld [tilespmem:s13+$0xFFFFFFF0];
	v18 =	vand.u32 $0x3FFF, v21;
	v17 =	vmul.f32 $2.000000030e-01, v13;
	v10 =	vmul.f32 $1.442695020e+00, v10  }
0x57: {  	v26 =	vshra.s32 v9, $0xE;
	v25 =	vadd.s32 $0x2710, v24;
	v21 =	vld.idx.msk [tilespmem:v7+s2+$0x0], $0xffff;
	v7 =	vadd.s32 $0x2710, v18  }
0x58: {  	v11 =	vmul.f32 $1.442695020e+00, v11;
	v27 =	vld.idx.msk [tilespmem:v19+s2+$0x0], $0xffff;
	v13 =	vmax.f32 v13, v17;
	(erf) = vpow2.f32 v10  }
0x59: {  	v17 =	vld [tilespmem:s13+$0x0];
	v9 =	vmul.f32 $1.442695020e+00, v13;
	v10 =	vadd.s32 $0x4E20, v8;
	v13 =	vadd.f32 v16, v14  }
0x5a: {  	v15 =	vld.idx.msk [tilespmem:v15+s2+$0x0], $0xffff;
	v16 =	vshra.s32 v22, $0xE;
	(erf) = vpow2.f32 v11  }
0x5b: {  	v11 =	vld [tilespmem:s13+$0xFFFFFFE0];
	(erf) = vpow2.f32 v9;
	v9 =	vand.u32 $0x3FFF, v22;
	v22 =	vmul.f32 $2.000000030e-01, v13  }
0x5c: {  	s8 =	simm.s32 $0x15820;
	v14 =	vld.idx.msk [tilespmem:v7+s2+$0x0], $0xffff;
	v7 =	vadd.s32 $0x4E20, v12;
	v12 =	vpop (erf)  }
0x5d: {  	v25 =	vld.idx.msk [tilespmem:v25+s2+$0x0], $0xffff;
	v13 =	vmax.f32 v13, v22;
	[tilespmem:s8+$0x10] =	vst v12  }
0x5e: {  	v28 =	vand.u32 $0x3FFF, v20;
	v29 =	vadd.s32 $0x2710, v9;
	[tilespmem:v10+s2+$0x0] =	vst.idx.add.f32.msk $0xffff, v12;
	v12 =	vmul.f32 $1.442695020e+00, v13  }
0x5f: {  	v30 =	vadd.s32 $0x2710, v28;
	v8 =	vadd.s32 $0x4E20, v18;
	v18 =	vld.idx.msk [tilespmem:v26+s2+$0x0], $0xffff;
	v31 =	vand.u32 $0x3FFF, v17  }
0x60: {  	v32 =	vadd.s32 $0x2710, v31;
	(erf) = vpow2.f32 v12  }
0x61: {  	v21 =	vadd.f32 v15, v21;
	v33 =	vshra.s32 v11, $0xE;
	v11 =	vand.u32 $0x3FFF, v11  }
0x62: {  	v22 =	vld.idx.msk [tilespmem:v16+s2+$0x0], $0xffff;
	v34 =	vadd.s32 $0x2710, v11  }
0x63: {  	v10 =	vadd.s32 $0x4E20, v24;
	v13 =	vmul.f32 $2.000000030e-01, v21;
	v24 =	vld.idx.msk [tilespmem:v29+s2+$0x0], $0xffff;
	v29 =	vadd.f32 v14, v27  }
0x64: {  	v19 =	vshra.s32 v20, $0xE;
	v20 =	vshra.s32 v17, $0xE;
	v15 =	vld.idx.msk [tilespmem:v30+s2+$0x0], $0xffff;
	v26 =	vadd.f32 v25, v18;
	v14 =	vpop (erf)  }
0x65: {  	v25 =	vmax.f32 v21, v13;
	v13 =	vadd.s32 $0x4E20, v28;
	[tilespmem:s8+$0xFFFFFFE0] =	vst v14;
	v17 =	vpop (erf);
	v16 =	vld.idx.msk [tilespmem:v32+s2+$0x0], $0xffff;
	v30 =	vmul.f32 $2.000000030e-01, v29  }
0x66: {  	v28 =	vmul.f32 $2.000000030e-01, v26;
	v27 =	vmul.f32 $1.442695020e+00, v25;
	v25 =	vadd.s32 $0x4E20, v23;
	[tilespmem:s8+$0xFFFFFFF0] =	vst v17;
	v18 =	vpop (erf);
	v21 =	vld.idx.msk [tilespmem:v33+s2+$0x0], $0xffff  }
0x67: {  	s9 =	simm.s32 $0x8;
	s11 =	simm.s32 $0x13960;
	v12 =	vadd.s32 $0x4E20, v11;
	v11 =	vadd.s32 $0x4E20, v31;
	[tilespmem:s8+$0x0] =	vst v18;
	v23 =	vld.idx.msk [tilespmem:v34+s2+$0x0], $0xffff;
	v29 =	vmax.f32 v29, v30  }
.LBB2_5:
0x68: {  	v30 =	vld [tilespmem:s11+$0x10];
	v29 =	vmul.f32 $1.442695020e+00, v29;
	v28 =	vmax.f32 v26, v28;
	(erf) = vpow2.f32 v27  }
0x69: {  	s9 =	sadd.s32 $0x4, s9;
	v22 =	vadd.f32 v24, v22;
	s8 =	sadd.s32 $0x40, s8;
	v27 =	vld [tilespmem:s11+$0xFFFFFFF0];
	v24 =	vmul.f32 $1.442695020e+00, v28;
	v26 =	vpop (erf)  }
0x6a: {  	p0 =	slt.u32 s9, $0x1F0;
	v28 =	vld [tilespmem:s11+$0x0];
	[tilespmem:s8+$0x10] =	vst v26;
	(erf) = vpow2.f32 v29  }
0x6b: {  	v29 =	vmul.f32 $2.000000030e-01, v22;
	[tilespmem:v25+s2+$0x0] =	vst.idx.add.f32.msk $0xffff, v26;
	(erf) = vpow2.f32 v24  }
0x6c: {  	v24 =	vld [tilespmem:s11+$0xFFFFFFE0]  }
0x6d: {  	v25 =	vshra.s32 v30, $0xE;
	v30 =	vand.u32 $0x3FFF, v30;
	v26 =	vld.idx.msk [tilespmem:v19+s2+$0x0], $0xffff;
	v19 =	vmax.f32 v22, v29  }
0x6e: {  	v22 =	vand.u32 $0x3FFF, v27;
	v29 =	vadd.s32 $0x2710, v30;
	v31 =	vld.idx.msk [tilespmem:v20+s2+$0x0], $0xffff;
	v32 =	vmul.f32 $1.442695020e+00, v19  }
0x6f: {  	v19 =	vshra.s32 v27, $0xE;
	v27 =	vadd.s32 $0x2710, v22;
	v33 =	vand.u32 $0x3FFF, v28;
	[tilespmem:v5+s2+$0x0] =	vst.idx.add.f32.msk $0xffff, v14;
	v5 =	vmovc v7;
	v7 =	vmovc v12  }
0x70: {  	v20 =	vshra.s32 v28, $0xE;
	v28 =	vadd.s32 $0x2710, v33;
	(erf) = vpow2.f32 v32;
	[tilespmem:v4+s2+$0x0] =	vst.idx.add.f32.msk $0xffff, v17;
	v4 =	vmovc v8;
	v8 =	vmovc v13  }
0x71: {  	v21 =	vadd.f32 v23, v21;
	v32 =	vshra.s32 v24, $0xE;
	v12 =	vand.u32 $0x3FFF, v24;
	v14 =	vpop (erf);
	[tilespmem:v6+s2+$0x0] =	vst.idx.add.f32.msk $0xffff, v18  }
0x72: {  	v13 =	vadd.s32 $0x4E20, v22;
	v6 =	vmovc v10;
	v10 =	vmovc v11;
	v23 =	vadd.s32 $0x2710, v12;
	v12 =	vadd.s32 $0x4E20, v12;
	v22 =	vld.idx.msk [tilespmem:v25+s2+$0x0], $0xffff;
	[tilespmem:s8+$0xFFFFFFE0] =	vst v14  }
.Ltmp1:
0x73: {  	v11 =	vadd.s32 $0x4E20, v33;
	v25 =	vmul.f32 $2.000000030e-01, v21;
	v24 =	vld.idx.msk [tilespmem:v29+s2+$0x0], $0xffff;
	v29 =	vadd.f32 v15, v26;
	v17 =	vpop (erf);
	(pc) =	sbr.rel @p0 .LBB2_5-.Ltmp1, $4  }
0x74: {  	v26 =	vadd.f32 v16, v31;
	v15 =	vld.idx.msk [tilespmem:v27+s2+$0x0], $0xffff;
	[tilespmem:s8+$0xFFFFFFF0] =	vst v17;
	v18 =	vpop (erf)  }
0x75: {  	v25 =	vmax.f32 v21, v25;
	v16 =	vld.idx.msk [tilespmem:v28+s2+$0x0], $0xffff;
	v31 =	vmul.f32 $2.000000030e-01, v29;
	[tilespmem:s8+$0x0] =	vst v18  }
0x76: {  	v27 =	vmul.f32 $1.442695020e+00, v25;
	v28 =	vmul.f32 $2.000000030e-01, v26;
	v25 =	vadd.s32 $0x4E20, v9;
	v9 =	vmovc v30;
	v21 =	vld.idx.msk [tilespmem:v32+s2+$0x0], $0xffff  }
0x77: {  	s11 =	sadd.s32 $0x40, s11;
	v23 =	vld.idx.msk [tilespmem:v23+s2+$0x0], $0xffff;
	v29 =	vmax.f32 v29, v31  }
0x78: {  	_ =	sdelay $0x3  }
0x79: {  	v19 =	vld.idx.msk [tilespmem:v19+s2+$0x0], $0xffff  }
0x7a: {  	v22 =	vadd.f32 v24, v22;
	v20 =	vld.idx.msk [tilespmem:v20+s2+$0x0], $0xffff  }
0x7b: {  	v29 =	vmul.f32 $1.442695020e+00, v29;
	v26 =	vmax.f32 v26, v28;
	(erf) = vpow2.f32 v27  }
0x7c: {  	v26 =	vmul.f32 $1.442695020e+00, v26;
	v24 =	vmul.f32 $2.000000030e-01, v22  }
0x7d: {  	(erf) = vpow2.f32 v29;
	v21 =	vadd.f32 v23, v21  }
0x7e: {  	(erf) = vpow2.f32 v26;
	v22 =	vmax.f32 v22, v24;
	v15 =	vadd.f32 v15, v19  }
0x7f: {  	v22 =	vmul.f32 $1.442695020e+00, v22;
	v16 =	vadd.f32 v16, v20;
	v55 =	vmul.f32 $2.000000030e-01, v21  }
0x80: {  	v57 =	vmul.f32 $2.000000030e-01, v15  }
0x81: {  	[tilespmem:v5+s2+$0x0] =	vst.idx.add.f32.msk $0xffff, v14;
	(erf) = vpow2.f32 v22;
	v58 =	vmul.f32 $2.000000030e-01, v16;
	v19 =	vmax.f32 v21, v55  }
0x82: {  	[tilespmem:v4+s2+$0x0] =	vst.idx.add.f32.msk $0xffff, v17;
	v19 =	vmul.f32 $1.442695020e+00, v19;
	v15 =	vmax.f32 v15, v57  }
0x83: {  	s8 =	sadd.s32 $0x40, s8;
	[tilespmem:v6+s2+$0x0] =	vst.idx.add.f32.msk $0xffff, v18;
	v56 =	vpop (erf);
	v59 =	vmax.f32 v16, v58;
	v5 =	vmul.f32 $1.442695020e+00, v15  }
0x84: {  	[tilespmem:s8+$0x10] =	vst v56;
	v4 =	vmul.f32 $1.442695020e+00, v59;
	(erf) = vpow2.f32 v19  }
0x85: {  	[tilespmem:v25+s2+$0x0] =	vst.idx.add.f32.msk $0xffff, v56;
	v60 =	vpop (erf);
	(erf) = vpow2.f32 v5  }
0x86: {  	[tilespmem:s8+$0xFFFFFFE0] =	vst v60  }
0x87: {  	[tilespmem:v7+s2+$0x0] =	vst.idx.add.f32.msk $0xffff, v60;
	v5 =	vpop (erf)  }
0x88: {  	v61 =	vadd.s32 $0x4E20, v9;
	(erf) = vpow2.f32 v4;
	v4 =	vpop (erf);
	[tilespmem:s8+$0xFFFFFFF0] =	vst v5  }
0x89: {  	[tilespmem:s8+$0x0] =	vst v4  }
0x8a: {  	v62 =	vpop (erf);
	s8 =	sadd.s32 $0x40, s8;
	[tilespmem:v8+s2+$0x0] =	vst.idx.add.f32.msk $0xffff, v5  }
0x8b: {  	[tilespmem:s8+$0x10] =	vst v62  }
0x8c: {  	[tilespmem:v10+s2+$0x0] =	vst.idx.add.f32.msk $0xffff, v4  }
0x8d: {  	[tilespmem:v61+s2+$0x0] =	vst.idx.add.f32.msk $0xffff, v62;
	v5 =	vpop (erf)  }
0x8e: {  	[tilespmem:s8+$0xFFFFFFE0] =	vst v5;
	v4 =	vpop (erf)  }
0x8f: {  	[tilespmem:s8+$0xFFFFFFF0] =	vst v4  }
0x90: {  	[tilespmem:v12+s2+$0x0] =	vst.idx.add.f32.msk $0xffff, v5  }
0x91: {  	s7 =	sadd.s32 s6, s7;
	s29 =	sadd.s32 $0x1, s29;
	v63 =	vpop (erf);
	[tilespmem:v13+s2+$0x0] =	vst.idx.add.f32.msk $0xffff, v4  }
0x92: {  	s7 =	sshrl.u32 s7, $0x3;
	p0 =	sne.s32 s29, $0x5;
	[tilespmem:s8+$0x0] =	vst v63  }
.Ltmp2:
0x93: {  	s7 =	sadd.s32 s4, s7;
	[tilespmem:v11+s2+$0x0] =	vst.idx.add.f32.msk $0xffff, v63;
	(pc) =	sbr.rel @p0 .LBB2_4-.Ltmp2, $4  }
0x94: {  	[hbm4b:s7+s2] =	stream.linear.scatter [tilespmem:s31], [sflag:$0x1], $0x1F40, $0x38;
	[tilespmem:$0x17800] =	vst v63  }
0x95: {  	_ =	swait.ge [sflag:s28], $0x1F40  }
0x96: {  	[sflag:s28] =	ssyncset.done $0x0  }
0x97: {  	[sflag:s28] =	ssyncadd.s32 $0xFFFFE0C0  }
0x98: {  	s7 =	rddreg [dreg:$0x5];
	s8 =	simm.s32 $0x4E20  }
0x99: {  	[hbm4b:s7+s2] =	stream.linear.scatter [tilespmem:s8], [sflag:$0x1], $0x2710, $0x38;
	[tilespmem:$0x17800] =	vst v63  }
0x9a: {  	_ =	swait.ge [sflag:s28], $0x2710  }
0x9b: {  	[sflag:s28] =	ssyncset.done $0x0  }
0x9c: {  	[sflag:s28] =	ssyncadd.s32 $0xFFFFD8F0  }
0x9d: {  	s29 =	simm.s32 $0x9C40;
	[bflag:$0x0] =	sbarrier.arrive $0xFFFF  }
0x9e: {  	[tilespmem:s29], [sflag:$0x1] =	stream.linear.gather [hbm4b:s19+s2], $0x9C40, $0x38;
	[tilespmem:$0x17800] =	vst v63  }
0x9f: {  	_ =	swait.ge [sflag:s28], $0x9C40  }
0xa0: {  	[sflag:s28] =	ssyncset.done $0x0  }
0xa1: {  	s7 =	simm.s32 $0x40;
	[sflag:s28] =	ssyncadd.s32 $0xFFFF63C0  }
0xa2: {  	[tilespmem:s7+$0xFFFFFFC0] =	vst v1  }
0xa3: {  	[tilespmem:s7+$0x30] =	vst v1  }
0xa4: {  	[tilespmem:s7+$0x20] =	vst v1  }
0xa5: {  	[tilespmem:s7+$0x10] =	vst v1  }
0xa6: {  	[tilespmem:s7+$0x0] =	vst v1  }
0xa7: {  	[tilespmem:s7+$0xFFFFFFF0] =	vst v1  }
0xa8: {  	s8 =	simm.s32 $0x0;
	[tilespmem:s7+$0xFFFFFFE0] =	vst v1  }
.LBB2_8:
0xa9: {  	s8 =	sadd.s32 $0x8, s8;
	[tilespmem:s7+$0xFFFFFFD0] =	vst v1;
	s7 =	sadd.s32 $0x80, s7  }
0xaa: {  	[tilespmem:s7+$0xFFFFFFC0] =	vst v1;
	p0 =	slt.u32 s8, $0x9B8  }
0xab: {  	[tilespmem:s7+$0x30] =	vst v1  }
.Ltmp3:
0xac: {  	[tilespmem:s7+$0x20] =	vst v1;
	(pc) =	sbr.rel @p0 .LBB2_8-.Ltmp3, $4  }
0xad: {  	[tilespmem:s7+$0x10] =	vst v1  }
0xae: {  	[tilespmem:s7+$0x0] =	vst v1  }
0xaf: {  	[tilespmem:s7+$0xFFFFFFF0] =	vst v1  }
0xb0: {  	[tilespmem:s7+$0xFFFFFFE0] =	vst v1  }
0xb1: {  	[tilespmem:s7+$0xFFFFFFD0] =	vst v1;
	s29 =	simm.s32 $0x0;
	s7 =	simm.s32 $0x0  }
.LBB2_10:
0xb2: {  	p0 =	sne.s32 s7, $0xC0  }
.Ltmp4:
0xb3: {  	_ = 	snop;
	(pc) =	sbr.rel @p0 .LBB2_10-.Ltmp4, $3  }
0xb4: {  	_ =	sdelay $0x1  }
0xb5: {  	s8 =	sshra.s32 s7, $0x2  }
0xb6: {  	s7 =	sadd.s32 $0x40, s7;
	[tilespmem:s8+$0x9C00] =	vst v1  }
.LBB2_11:
0xb7: {  	s7 =	smul.u32 $0x1F40, s29;
	_ =	sdelay $0x1  }
0xb8: {  	s8 =	sshrl.u32 s7, $0x3  }
0xb9: {  	s8 =	sadd.s32 s3, s8  }
0xba: {  	[tilespmem:s30], [sflag:$0x1] =	stream.linear.gather [hbm4b:s8+s2], $0x1F40, $0x38;
	[tilespmem:$0x17800] =	vst v63  }
0xbb: {  	s11 =	simm.s32 $0x3C;
	s7 =	sadd.s32 s6, s7;
	_ =	swait.ge [sflag:s28], $0x1F40  }
0xbc: {  	s12 =	simm.s32 $0x38;
	s7 =	sshrl.u32 s7, $0x3;
	[sflag:s28] =	ssyncset.done $0x0  }
0xbd: {  	s13 =	simm.s32 $0x4;
	v5 =	vor.u32 s11, v2;
	s7 =	sadd.s32 s4, s7;
	[sflag:s28] =	ssyncadd.s32 $0xFFFFE0C0  }
0xbe: {  	v4 =	vor.u32 s12, v2;
	[tilespmem:s31], [sflag:$0x1] =	stream.linear.gather [hbm4b:s7+s2], $0x1F40, $0x38;
	[tilespmem:$0x17800] =	vst v63  }
0xbf: {  	v6 =	vor.u32 s13, v2;
	s8 =	simm.s32 $0x8;
	_ =	swait.ge [sflag:s28], $0x1F40  }
0xc0: {  	s9 =	simm.s32 $0xC;
	v7 =	vor.u32 s8, v2;
	[sflag:s28] =	ssyncset.done $0x0  }
0xc1: {  	v8 =	vor.u32 s9, v2;
	s11 =	simm.s32 $0x10;
	[sflag:s28] =	ssyncadd.s32 $0xFFFFE0C0  }
0xc2: {  	s12 =	simm.s32 $0x0;
	v9 =	vor.u32 s11, v2;
	v10 =	vld.idx.msk [tilespmem:v5+s30+$0x0], $0xffff  }
0xc3: {  	s13 =	simm.s32 $0x14;
	v11 =	vor.u32 s12, v2;
	v12 =	vld.idx.msk [tilespmem:v4+s30+$0x0], $0xffff  }
0xc4: {  	s9 =	simm.s32 $0x18;
	v13 =	vor.u32 s13, v2;
	v14 =	vld.idx.msk [tilespmem:v6+s30+$0x0], $0xffff  }
0xc5: {  	v15 =	vor.u32 s9, v2;
	s11 =	simm.s32 $0x1C;
	v16 =	vld.idx.msk [tilespmem:v7+s30+$0x0], $0xffff  }
0xc6: {  	s12 =	simm.s32 $0x20;
	v17 =	vor.u32 s11, v2;
	v18 =	vld.idx.msk [tilespmem:v8+s30+$0x0], $0xffff  }
0xc7: {  	s13 =	simm.s32 $0x24;
	v19 =	vor.u32 s12, v2;
	v20 =	vld.idx.msk [tilespmem:v9+s30+$0x0], $0xffff  }
0xc8: {  	v21 =	vor.u32 s13, v2;
	v22 =	vld.idx.msk [tilespmem:v11+s30+$0x0], $0xffff  }
0xc9: {  	s9 =	simm.s32 $0x28;
	v23 =	vld.idx.msk [tilespmem:v13+s30+$0x0], $0xffff  }
0xca: {  	s11 =	simm.s32 $0x2C;
	v26 =	vor.u32 s9, v2;
	v25 =	vld.idx.msk [tilespmem:v15+s30+$0x0], $0xffff  }
0xcb: {  	s12 =	simm.s32 $0x30;
	v28 =	vor.u32 s11, v2;
	v27 =	vld.idx.msk [tilespmem:v17+s30+$0x0], $0xffff  }
0xcc: {  	s13 =	simm.s32 $0x34;
	v30 =	vor.u32 s12, v2;
	v29 =	vld.idx.msk [tilespmem:v19+s30+$0x0], $0xffff  }
0xcd: {  	v32 =	vor.u32 s13, v2;
	v31 =	vld.idx.msk [tilespmem:v21+s30+$0x0], $0xffff  }
0xce: {  	v4 =	vld.idx.msk [tilespmem:v4+s31+$0x0], $0xffff  }
0xcf: {  	v36 =	vld.idx.msk [tilespmem:v26+s30+$0x0], $0xffff  }
0xd0: {  	v37 =	vld.idx.msk [tilespmem:v28+s30+$0x0], $0xffff  }
0xd1: {  	v39 =	vld.idx.msk [tilespmem:v30+s30+$0x0], $0xffff  }
0xd2: {  	v41 =	vld.idx.msk [tilespmem:v32+s30+$0x0], $0xffff  }
0xd3: {  	v11 =	vld.idx.msk [tilespmem:v11+s31+$0x0], $0xffff  }
0xd4: {  	v6 =	vld.idx.msk [tilespmem:v6+s31+$0x0], $0xffff  }
0xd5: {  	v7 =	vld.idx.msk [tilespmem:v7+s31+$0x0], $0xffff  }
0xd6: {  	v8 =	vld.idx.msk [tilespmem:v8+s31+$0x0], $0xffff  }
0xd7: {  	v9 =	vld.idx.msk [tilespmem:v9+s31+$0x0], $0xffff  }
0xd8: {  	v13 =	vld.idx.msk [tilespmem:v13+s31+$0x0], $0xffff;
	v24 =	vshra.s32 v12, $0xE  }
0xd9: {  	v15 =	vld.idx.msk [tilespmem:v15+s31+$0x0], $0xffff;
	v24 =	vadd.s32 v3, v24  }
0xda: {  	v17 =	vld.idx.msk [tilespmem:v17+s31+$0x0], $0xffff  }
0xdb: {  	v50 =	vld.idx.msk [tilespmem:v21+s31+$0x0], $0xffff  }
0xdc: {  	v26 =	vld.idx.msk [tilespmem:v26+s31+$0x0], $0xffff;
	v33 =	vshra.s32 v22, $0xE  }
0xdd: {  	v28 =	vld.idx.msk [tilespmem:v28+s31+$0x0], $0xffff;
	v34 =	vshra.s32 v14, $0xE;
	v33 =	vadd.s32 v3, v33  }
0xde: {  	v35 =	vshra.s32 v16, $0xE;
	v34 =	vadd.s32 v3, v34;
	v24 =	vld.idx.msk [tilespmem:v24+s2+$0x0], $0xffff  }
0xdf: {  	v58 =	vld.idx.msk [tilespmem:v30+s31+$0x0], $0xffff;
	v12 =	vand.u32 $0x3FFF, v12;
	v35 =	vadd.s32 v3, v35  }
0xe0: {  	v59 =	vld.idx.msk [tilespmem:v32+s31+$0x0], $0xffff;
	v38 =	vshra.s32 v18, $0xE;
	v12 =	vadd.s32 v0, v12  }
0xe1: {  	v5 =	vld.idx.msk [tilespmem:v5+s31+$0x0], $0xffff;
	v40 =	vshra.s32 v20, $0xE;
	v38 =	vadd.s32 v3, v38  }
0xe2: {  	v42 =	vshra.s32 v23, $0xE;
	v43 =	vshra.s32 v25, $0xE;
	v40 =	vadd.s32 v3, v40;
	v33 =	vld.idx.msk [tilespmem:v33+s2+$0x0], $0xffff  }
0xe3: {  	v55 =	vshra.s32 v27, $0xE;
	v42 =	vadd.s32 v3, v42;
	v34 =	vld.idx.msk [tilespmem:v34+s2+$0x0], $0xffff;
	v4 =	vmul.f32 v24, v4  }
0xe4: {  	v44 =	vshra.s32 v29, $0xE;
	v54 =	vadd.s32 v3, v43;
	v43 =	vadd.s32 v3, v55;
	v35 =	vld.idx.msk [tilespmem:v35+s2+$0x0], $0xffff  }
0xe5: {  	v45 =	vshra.s32 v37, $0xE;
	[tilespmem:v12+s2+$0x0] =	vst.idx.add.f32.msk $0xffff, v4;
	v4 =	vadd.s32 v3, v44  }
0xe6: {  	v46 =	vshra.s32 v39, $0xE;
	v45 =	vadd.s32 v3, v45;
	v38 =	vld.idx.msk [tilespmem:v38+s2+$0x0], $0xffff  }
0xe7: {  	v46 =	vadd.s32 v3, v46;
	v40 =	vld.idx.msk [tilespmem:v40+s2+$0x0], $0xffff  }
0xe8: {  	v14 =	vand.u32 $0x3FFF, v14;
	v42 =	vld.idx.msk [tilespmem:v42+s2+$0x0], $0xffff  }
0xe9: {  	v48 =	vshra.s32 v10, $0xE;
	v14 =	vadd.s32 v0, v14;
	v43 =	vld.idx.msk [tilespmem:v43+s2+$0x0], $0xffff  }
0xea: {  	v49 =	vld.idx.msk [tilespmem:v4+s2+$0x0], $0xffff;
	v4 =	vadd.s32 v3, v48  }
0xeb: {  	v56 =	vshra.s32 v31, $0xE;
	v57 =	vshra.s32 v36, $0xE;
	v16 =	vand.u32 $0x3FFF, v16;
	v45 =	vld.idx.msk [tilespmem:v45+s2+$0x0], $0xffff  }
0xec: {  	v18 =	vand.u32 $0x3FFF, v18;
	v16 =	vadd.s32 v0, v16;
	v46 =	vld.idx.msk [tilespmem:v46+s2+$0x0], $0xffff;
	v6 =	vmul.f32 v34, v6  }
0xed: {  	v47 =	vshra.s32 v41, $0xE;
	v20 =	vand.u32 $0x3FFF, v20;
	v18 =	vadd.s32 v0, v18;
	v24 =	vld.idx.msk [tilespmem:v54+s2+$0x0], $0xffff  }
0xee: {  	v21 =	vand.u32 $0x3FFF, v23;
	v47 =	vadd.s32 v3, v47;
	v20 =	vadd.s32 v0, v20;
	[tilespmem:v14+s2+$0x0] =	vst.idx.add.f32.msk $0xffff, v6  }
0xef: {  	v7 =	vmul.f32 v35, v7;
	v8 =	vmul.f32 v38, v8;
	v44 =	vadd.s32 v3, v57;
	v48 =	vld.idx.msk [tilespmem:v4+s2+$0x0], $0xffff  }
0xf0: {  	v12 =	vadd.s32 v3, v56;
	v4 =	vand.u32 $0x3FFF, v10;
	v10 =	vld.idx.msk [tilespmem:v19+s31+$0x0], $0xffff;
	v19 =	vand.u32 $0x3FFF, v22  }
0xf1: {  	v23 =	vand.u32 $0x3FFF, v27;
	v9 =	vmul.f32 v40, v9;
	[tilespmem:v16+s2+$0x0] =	vst.idx.add.f32.msk $0xffff, v7;
	v19 =	vadd.s32 v0, v19  }
0xf2: {  	v60 =	vadd.s32 v0, v21;
	v21 =	vand.u32 $0x3FFF, v29;
	v62 =	vadd.s32 v0, v23;
	[tilespmem:v18+s2+$0x0] =	vst.idx.add.f32.msk $0xffff, v8  }
0xf3: {  	v11 =	vmul.f32 v33, v11;
	v6 =	vand.u32 $0x3FFF, v36;
	[tilespmem:v20+s2+$0x0] =	vst.idx.add.f32.msk $0xffff, v9;
	v22 =	vand.u32 $0x3FFF, v25  }
0xf4: {  	v7 =	vand.u32 $0x3FFF, v37;
	v8 =	vand.u32 $0x3FFF, v39;
	v44 =	vld.idx.msk [tilespmem:v44+s2+$0x0], $0xffff;
	v61 =	vadd.s32 v0, v22  }
0xf5: {  	v9 =	vand.u32 $0x3FFF, v41;
	v23 =	vadd.s32 v0, v6;
	v6 =	vmul.f32 v42, v13;
	v12 =	vld.idx.msk [tilespmem:v12+s2+$0x0], $0xffff  }
0xf6: {  	v20 =	vadd.s32 v0, v9;
	[tilespmem:v19+s2+$0x0] =	vst.idx.add.f32.msk $0xffff, v11;
	v11 =	vand.u32 $0x3FFF, v31;
	v19 =	vadd.s32 v0, v21  }
0xf7: {  	v47 =	vld.idx.msk [tilespmem:v47+s2+$0x0], $0xffff;
	v22 =	vadd.s32 v0, v7;
	v7 =	vmul.f32 v24, v15;
	v63 =	vadd.s32 v0, v11  }
0xf8: {  	[tilespmem:v60+s2+$0x0] =	vst.idx.add.f32.msk $0xffff, v6;
	v21 =	vadd.s32 v0, v8;
	v8 =	vmul.f32 v43, v17  }
0xf9: {  	v6 =	vmul.f32 v44, v26;
	v9 =	vmul.f32 v49, v10;
	[tilespmem:v61+s2+$0x0] =	vst.idx.add.f32.msk $0xffff, v7  }
0xfa: {  	v4 =	vadd.s32 v0, v4;
	v10 =	vmul.f32 v12, v50;
	[tilespmem:v62+s2+$0x0] =	vst.idx.add.f32.msk $0xffff, v8  }
0xfb: {  	v7 =	vmul.f32 v45, v28;
	v11 =	vmul.f32 v46, v58;
	[tilespmem:v19+s2+$0x0] =	vst.idx.add.f32.msk $0xffff, v9  }
0xfc: {  	s8 =	simm.s32 $0x7C;
	s7 =	simm.s32 $0x0;
	v8 =	vmul.f32 v47, v59;
	v9 =	vmul.f32 v48, v5;
	[tilespmem:v63+s2+$0x0] =	vst.idx.add.f32.msk $0xffff, v10  }
.LBB2_12:
0xfd: {  	s9 =	sadd.s32 $0xFFFFFFC8, s8;
	s11 =	sadd.s32 $0xFFFFFFFC, s8;
	v5 =	vor.u32 s8, v2;
	s7 =	sadd.s32 $0x10, s7;
	[tilespmem:v23+s2+$0x0] =	vst.idx.add.f32.msk $0xffff, v6  }
0xfe: {  	s12 =	sadd.s32 $0xFFFFFFD0, s8;
	v6 =	vor.u32 s9, v2;
	s9 =	sadd.s32 $0xFFFFFFCC, s8;
	v23 =	vor.u32 s11, v2;
	p0 =	slt.u32 s7, $0x7C0;
	[tilespmem:v22+s2+$0x0] =	vst.idx.add.f32.msk $0xffff, v7  }
0xff: {  	v7 =	vor.u32 s12, v2;
	s11 =	sadd.s32 $0xFFFFFFD8, s8;
	s12 =	sadd.s32 $0xFFFFFFDC, s8;
	v10 =	vor.u32 s9, v2;
	s9 =	sadd.s32 $0xFFFFFFD4, s8;
	[tilespmem:v21+s2+$0x0] =	vst.idx.add.f32.msk $0xffff, v11  }
0x100: {  	v15 =	vor.u32 s11, v2;
	v11 =	vor.u32 s12, v2;
	s11 =	sadd.s32 $0xFFFFFFE4, s8;
	s12 =	sadd.s32 $0xFFFFFFE8, s8;
	v16 =	vor.u32 s9, v2;
	s9 =	sadd.s32 $0xFFFFFFE0, s8;
	[tilespmem:v20+s2+$0x0] =	vst.idx.add.f32.msk $0xffff, v8  }
0x101: {  	v12 =	vor.u32 s11, v2;
	v8 =	vor.u32 s12, v2;
	s11 =	sadd.s32 $0xFFFFFFF0, s8;
	s12 =	sadd.s32 $0xFFFFFFF4, s8;
	v17 =	vor.u32 s9, v2;
	s9 =	sadd.s32 $0xFFFFFFEC, s8;
	[tilespmem:v4+s2+$0x0] =	vst.idx.add.f32.msk $0xffff, v9  }
0x102: {  	s13 =	sadd.s32 $0xFFFFFFC4, s8;
	v13 =	vor.u32 s11, v2;
	v9 =	vor.u32 s12, v2;
	v18 =	vor.u32 s9, v2;
	s9 =	sadd.s32 $0xFFFFFFF8, s8;
	v4 =	vld.idx.msk [tilespmem:v5+s30+$0x0], $0xffff  }
0x103: {  	v19 =	vor.u32 s13, v2;
	v14 =	vor.u32 s9, v2;
	v20 =	vld.idx.msk [tilespmem:v23+s30+$0x0], $0xffff  }
0x104: {  	v21 =	vld.idx.msk [tilespmem:v6+s30+$0x0], $0xffff  }
0x105: {  	v22 =	vld.idx.msk [tilespmem:v10+s30+$0x0], $0xffff  }
0x106: {  	v24 =	vld.idx.msk [tilespmem:v7+s30+$0x0], $0xffff  }
0x107: {  	v25 =	vld.idx.msk [tilespmem:v16+s30+$0x0], $0xffff  }
0x108: {  	v27 =	vshra.s32 v4, $0xE;
	v4 =	vand.u32 $0x3FFF, v4;
	v26 =	vld.idx.msk [tilespmem:v19+s30+$0x0], $0xffff  }
0x109: {  	v29 =	vshra.s32 v20, $0xE;
	v27 =	vadd.s32 v3, v27;
	v4 =	vadd.s32 v0, v4;
	v28 =	vld.idx.msk [tilespmem:v15+s30+$0x0], $0xffff  }
0x10a: {  	v30 =	vshra.s32 v21, $0xE;
	v21 =	vand.u32 $0x3FFF, v21;
	v29 =	vadd.s32 v3, v29;
	v31 =	vld.idx.msk [tilespmem:v11+s30+$0x0], $0xffff  }
0x10b: {  	v30 =	vadd.s32 v3, v30;
	v32 =	vshra.s32 v22, $0xE;
	v22 =	vand.u32 $0x3FFF, v22;
	v33 =	vld.idx.msk [tilespmem:v17+s30+$0x0], $0xffff  }
0x10c: {  	v32 =	vadd.s32 v3, v32;
	v34 =	vshra.s32 v24, $0xE;
	v24 =	vand.u32 $0x3FFF, v24;
	v35 =	vld.idx.msk [tilespmem:v12+s30+$0x0], $0xffff  }
0x10d: {  	v34 =	vadd.s32 v3, v34;
	v36 =	vshra.s32 v25, $0xE;
	v25 =	vand.u32 $0x3FFF, v25;
	v37 =	vld.idx.msk [tilespmem:v8+s30+$0x0], $0xffff  }
0x10e: {  	v38 =	vshra.s32 v26, $0xE;
	v26 =	vand.u32 $0x3FFF, v26;
	v36 =	vadd.s32 v3, v36;
	v23 =	vld.idx.msk [tilespmem:v23+s31+$0x0], $0xffff  }
0x10f: {  	v38 =	vadd.s32 v3, v38;
	v39 =	vshra.s32 v28, $0xE;
	v28 =	vand.u32 $0x3FFF, v28;
	v29 =	vld.idx.msk [tilespmem:v29+s2+$0x0], $0xffff  }
0x110: {  	v39 =	vadd.s32 v3, v39;
	v40 =	vshra.s32 v31, $0xE;
	v31 =	vand.u32 $0x3FFF, v31;
	v41 =	vld.idx.msk [tilespmem:v18+s30+$0x0], $0xffff  }
0x111: {  	v20 =	vand.u32 $0x3FFF, v20;
	v40 =	vadd.s32 v3, v40;
	v42 =	vshra.s32 v33, $0xE;
	v43 =	vld.idx.msk [tilespmem:v13+s30+$0x0], $0xffff  }
0x112: {  	v20 =	vadd.s32 v0, v20;
	v42 =	vadd.s32 v3, v42;
	v44 =	vshra.s32 v35, $0xE;
	v45 =	vld.idx.msk [tilespmem:v9+s30+$0x0], $0xffff  }
0x113: {  	v33 =	vand.u32 $0x3FFF, v33;
	v44 =	vadd.s32 v3, v44;
	v46 =	vshra.s32 v37, $0xE;
	v47 =	vld.idx.msk [tilespmem:v14+s30+$0x0], $0xffff  }
0x114: {  	v35 =	vand.u32 $0x3FFF, v35;
	v37 =	vand.u32 $0x3FFF, v37;
	v46 =	vadd.s32 v3, v46;
	v38 =	vld.idx.msk [tilespmem:v38+s2+$0x0], $0xffff  }
0x115: {  	v48 =	vadd.s32 v0, v21;
	v26 =	vadd.s32 v0, v26;
	v21 =	vmul.f32 v29, v23;
	v30 =	vld.idx.msk [tilespmem:v30+s2+$0x0], $0xffff  }
0x116: {  	v23 =	vand.u32 $0x3FFF, v41;
	v29 =	vld.idx.msk [tilespmem:v32+s2+$0x0], $0xffff;
	v32 =	vadd.s32 v0, v22;
	v22 =	vshra.s32 v41, $0xE  }
0x117: {  	v41 =	vadd.s32 v3, v22;
	v22 =	vshra.s32 v43, $0xE;
	v43 =	vand.u32 $0x3FFF, v43;
	[tilespmem:v20+s2+$0x0] =	vst.idx.add.f32.msk $0xffff, v21  }
0x118: {  	v20 =	vshra.s32 v45, $0xE;
	v21 =	vand.u32 $0x3FFF, v45;
	v34 =	vld.idx.msk [tilespmem:v34+s2+$0x0], $0xffff;
	v49 =	vadd.s32 v3, v22  }
0x119: {  	v45 =	vadd.s32 v3, v20;
	v20 =	vshra.s32 v47, $0xE;
	v47 =	vand.u32 $0x3FFF, v47;
	v36 =	vld.idx.msk [tilespmem:v36+s2+$0x0], $0xffff  }
0x11a: {  	v24 =	vadd.s32 v0, v24;
	v25 =	vadd.s32 v0, v25;
	v50 =	vadd.s32 v3, v20;
	v39 =	vld.idx.msk [tilespmem:v39+s2+$0x0], $0xffff  }
0x11b: {  	v28 =	vadd.s32 v0, v28;
	v31 =	vadd.s32 v0, v31;
	v33 =	vadd.s32 v0, v33;
	v40 =	vld.idx.msk [tilespmem:v40+s2+$0x0], $0xffff  }
0x11c: {  	v35 =	vadd.s32 v0, v35;
	v37 =	vadd.s32 v0, v37;
	v23 =	vadd.s32 v0, v23;
	v42 =	vld.idx.msk [tilespmem:v42+s2+$0x0], $0xffff  }
0x11d: {  	v22 =	vadd.s32 v0, v43;
	v21 =	vadd.s32 v0, v21;
	v20 =	vadd.s32 v0, v47;
	v44 =	vld.idx.msk [tilespmem:v44+s2+$0x0], $0xffff  }
0x11e: {  	v43 =	vld.idx.msk [tilespmem:v46+s2+$0x0], $0xffff  }
0x11f: {  	v41 =	vld.idx.msk [tilespmem:v41+s2+$0x0], $0xffff  }
0x120: {  	v46 =	vld.idx.msk [tilespmem:v49+s2+$0x0], $0xffff  }
0x121: {  	v45 =	vld.idx.msk [tilespmem:v45+s2+$0x0], $0xffff  }
0x122: {  	v47 =	vld.idx.msk [tilespmem:v50+s2+$0x0], $0xffff  }
0x123: {  	v27 =	vld.idx.msk [tilespmem:v27+s2+$0x0], $0xffff  }
0x124: {  	v19 =	vld.idx.msk [tilespmem:v19+s31+$0x0], $0xffff  }
0x125: {  	v6 =	vld.idx.msk [tilespmem:v6+s31+$0x0], $0xffff  }
0x126: {  	v10 =	vld.idx.msk [tilespmem:v10+s31+$0x0], $0xffff  }
0x127: {  	v7 =	vld.idx.msk [tilespmem:v7+s31+$0x0], $0xffff  }
0x128: {  	v16 =	vld.idx.msk [tilespmem:v16+s31+$0x0], $0xffff  }
0x129: {  	v15 =	vld.idx.msk [tilespmem:v15+s31+$0x0], $0xffff  }
0x12a: {  	v19 =	vmul.f32 v38, v19;
	v11 =	vld.idx.msk [tilespmem:v11+s31+$0x0], $0xffff  }
0x12b: {  	v6 =	vmul.f32 v30, v6;
	v17 =	vld.idx.msk [tilespmem:v17+s31+$0x0], $0xffff  }
0x12c: {  	v10 =	vmul.f32 v29, v10;
	v12 =	vld.idx.msk [tilespmem:v12+s31+$0x0], $0xffff  }
0x12d: {  	v29 =	vmul.f32 v34, v7;
	v7 =	vld.idx.msk [tilespmem:v8+s31+$0x0], $0xffff  }
0x12e: {  	v8 =	vmul.f32 v36, v16;
	v16 =	vld.idx.msk [tilespmem:v18+s31+$0x0], $0xffff  }
0x12f: {  	v15 =	vmul.f32 v39, v15;
	v13 =	vld.idx.msk [tilespmem:v13+s31+$0x0], $0xffff  }
0x130: {  	v18 =	vmul.f32 v40, v11;
	v9 =	vld.idx.msk [tilespmem:v9+s31+$0x0], $0xffff  }
0x131: {  	v17 =	vmul.f32 v42, v17;
	v14 =	vld.idx.msk [tilespmem:v14+s31+$0x0], $0xffff  }
0x132: {  	v12 =	vmul.f32 v44, v12;
	v5 =	vld.idx.msk [tilespmem:v5+s31+$0x0], $0xffff  }
0x133: {  	[tilespmem:v26+s2+$0x0] =	vst.idx.add.f32.msk $0xffff, v19;
	v19 =	vmul.f32 v43, v7  }
0x134: {  	[tilespmem:v48+s2+$0x0] =	vst.idx.add.f32.msk $0xffff, v6;
	v6 =	vmul.f32 v41, v16  }
0x135: {  	v7 =	vmul.f32 v46, v13;
	[tilespmem:v32+s2+$0x0] =	vst.idx.add.f32.msk $0xffff, v10  }
0x136: {  	v11 =	vmul.f32 v45, v9;
	[tilespmem:v24+s2+$0x0] =	vst.idx.add.f32.msk $0xffff, v29  }
0x137: {  	[tilespmem:v25+s2+$0x0] =	vst.idx.add.f32.msk $0xffff, v8;
	v8 =	vmul.f32 v47, v14  }
.Ltmp5:
0x138: {  	v9 =	vmul.f32 v27, v5;
	[tilespmem:v28+s2+$0x0] =	vst.idx.add.f32.msk $0xffff, v15;
	(pc) =	sbr.rel @p0 .LBB2_12-.Ltmp5, $4  }
0x139: {  	[tilespmem:v31+s2+$0x0] =	vst.idx.add.f32.msk $0xffff, v18  }
0x13a: {  	[tilespmem:v33+s2+$0x0] =	vst.idx.add.f32.msk $0xffff, v17  }
0x13b: {  	[tilespmem:v35+s2+$0x0] =	vst.idx.add.f32.msk $0xffff, v12  }
0x13c: {  	s8 =	sadd.s32 $0x40, s8;
	[tilespmem:v37+s2+$0x0] =	vst.idx.add.f32.msk $0xffff, v19  }
0x13d: {  	_ =	sdelay $0x1  }
0x13e: {  	s29 =	sadd.s32 $0x1, s29  }
0x13f: {  	p0 =	sne.s32 s29, $0x14  }
.Ltmp6:
0x140: {  	[tilespmem:v23+s2+$0x0] =	vst.idx.add.f32.msk $0xffff, v6;
	(pc) =	sbr.rel @p0 .LBB2_11-.Ltmp6, $4  }
0x141: {  	[tilespmem:v22+s2+$0x0] =	vst.idx.add.f32.msk $0xffff, v7  }
0x142: {  	[tilespmem:v21+s2+$0x0] =	vst.idx.add.f32.msk $0xffff, v11  }
0x143: {  	[tilespmem:v20+s2+$0x0] =	vst.idx.add.f32.msk $0xffff, v8  }
0x144: {  	[tilespmem:v4+s2+$0x0] =	vst.idx.add.f32.msk $0xffff, v9  }
0x145: {  	s7 =	simm.s32 $0x11170  }
0x146: {  	[tilespmem:s7], [sflag:$0x1] =	stream.linear.gather [hbm4b:s10+s2], $0x2710, $0x38;
	[tilespmem:$0x17800] =	vst v63  }
0x147: {  	_ =	swait.ge [sflag:s28], $0x2710  }
0x148: {  	[sflag:s28] =	ssyncset.done $0x0  }
0x149: {  	s7 =	simm.s32 $0x9C40;
	[sflag:s28] =	ssyncadd.s32 $0xFFFFD8F0  }
0x14a: {  	[tilespmem:s7], [sflag:$0x1] =	stream.linear.gather [hbm4b:s23+s2], $0x2710, $0x38;
	[tilespmem:$0x17800] =	vst v63  }
0x14b: {  	_ =	swait.ge [sflag:s28], $0x2710  }
0x14c: {  	[sflag:s28] =	ssyncset.done $0x0  }
0x14d: {  	[sflag:s28] =	ssyncadd.s32 $0xFFFFD8F0  }
0x14e: {  	v5 =	vld [tilespmem:s7+$0x75A0]  }
0x14f: {  	v6 =	vld [tilespmem:s7+$0x70]  }
0x150: {  	v4 =	vld [tilespmem:s7+$0x0]  }
0x151: {  	v7 =	vld [tilespmem:s7+$0x7540]  }
0x152: {  	v8 =	vld [tilespmem:s7+$0x10]  }
0x153: {  	v9 =	vld [tilespmem:s7+$0x7550]  }
0x154: {  	v10 =	vld [tilespmem:s7+$0x20]  }
0x155: {  	v11 =	vld [tilespmem:s7+$0x7560]  }
0x156: {  	v12 =	vld [tilespmem:s7+$0x30]  }
0x157: {  	v13 =	vld [tilespmem:s7+$0x7570]  }
0x158: {  	v14 =	vld [tilespmem:s7+$0x40];
	v6 =	vadd.f32 v6, v5  }
0x159: {  	v8 =	vadd.f32 v8, v7;
	v5 =	vld [tilespmem:s7+$0x7580]  }
0x15a: {  	v9 =	vadd.f32 v10, v9;
	v7 =	vld [tilespmem:s7+$0x50];
	[tilespmem:s7+$0x75A0] =	vst v6  }
0x15b: {  	v10 =	vadd.f32 v12, v11;
	[tilespmem:s7+$0x7540] =	vst v8;
	v6 =	vld [tilespmem:s7+$0x7590]  }
0x15c: {  	[tilespmem:s7+$0x7550] =	vst v9;
	v9 =	vld [tilespmem:s7+$0x60]  }
0x15d: {  	s8 =	simm.s32 $0x0;
	s9 =	simm.s32 $0x9CC0;
	v8 =	vld [tilespmem:s7+$0x7530];
	[tilespmem:s7+$0x7560] =	vst v10;
	v10 =	vadd.f32 v14, v13  }
.LBB2_15:
0x15e: {  	v11 =	vld [tilespmem:s9+$0x75A0]  }
0x15f: {  	s8 =	sadd.s32 $0x8, s8;
	v12 =	vld [tilespmem:s9+$0x70];
	[tilespmem:s7+$0x7570] =	vst v10;
	v5 =	vadd.f32 v7, v5  }
0x160: {  	p0 =	slt.u32 s8, $0x268;
	v7 =	vld [tilespmem:s9+$0x0]  }
0x161: {  	v10 =	vld [tilespmem:s9+$0x7540];
	[tilespmem:s7+$0x7580] =	vst v5;
	v5 =	vadd.f32 v9, v6  }
0x162: {  	v6 =	vld [tilespmem:s9+$0x10];
	v13 =	vadd.f32 v4, v8  }
0x163: {  	v8 =	vld [tilespmem:s9+$0x7550];
	[tilespmem:s7+$0x7590] =	vst v5  }
0x164: {  	v5 =	vld [tilespmem:s9+$0x20];
	v9 =	vadd.f32 v12, v11;
	[tilespmem:s7+$0x7530] =	vst v13;
	s7 =	smov.u32 s9  }
0x165: {  	v11 =	vld [tilespmem:s9+$0x7560];
	v4 =	vmov v7  }
0x166: {  	v12 =	vld [tilespmem:s9+$0x30];
	[tilespmem:s9+$0x75A0] =	vst v9  }
0x167: {  	v6 =	vadd.f32 v6, v10;
	v10 =	vld [tilespmem:s9+$0x7570]  }
0x168: {  	v13 =	vld [tilespmem:s9+$0x40]  }
.Ltmp7:
0x169: {  	[tilespmem:s9+$0x7540] =	vst v6;
	v6 =	vadd.f32 v5, v8;
	v5 =	vld [tilespmem:s9+$0x7580];
	(pc) =	sbr.rel @p0 .LBB2_15-.Ltmp7, $4  }
0x16a: {  	v7 =	vld [tilespmem:s9+$0x50]  }
0x16b: {  	[tilespmem:s9+$0x7550] =	vst v6;
	v11 =	vadd.f32 v12, v11;
	v6 =	vld [tilespmem:s9+$0x7590]  }
0x16c: {  	v9 =	vld [tilespmem:s9+$0x60]  }
0x16d: {  	s9 =	sadd.s32 $0x80, s9;
	v8 =	vld [tilespmem:s7+$0x7530];
	[tilespmem:s7+$0x7560] =	vst v11;
	v10 =	vadd.f32 v13, v10  }
0x16e: {  	_ =	sdelay $0x1  }
0x16f: {  	v5 =	vadd.f32 v7, v5  }
0x170: {  	[tilespmem:s7+$0x7570] =	vst v10;
	v6 =	vadd.f32 v9, v6  }
0x171: {  	[tilespmem:s7+$0x7580] =	vst v5;
	v4 =	vadd.f32 v4, v8  }
0x172: {  	[tilespmem:s7+$0x7590] =	vst v6  }
0x173: {  	[tilespmem:s7+$0x7530] =	vst v4  }
0x174: {  	v4 =	vld [tilespmem:$0x13870]  }
0x175: {  	v5 =	vld [tilespmem:$0xC340];
	_ =	sdelay $0x4  }
0x176: {  	v4 =	vadd.f32 v5, v4;
	_ =	sdelay $0x1  }
0x177: {  	s7 =	simm.s32 $0x9C40;
	[tilespmem:$0x13870] =	vst v4  }
0x178: {  	[tilespmem:s7], [sflag:$0x1] =	stream.linear.gather [hbm4b:s24+s2], $0x2710, $0x38;
	[tilespmem:$0x17800] =	vst v63  }
0x179: {  	_ =	swait.ge [sflag:s28], $0x2710  }
0x17a: {  	[sflag:s28] =	ssyncset.done $0x0  }
0x17b: {  	[sflag:s28] =	ssyncadd.s32 $0xFFFFD8F0  }
0x17c: {  	v5 =	vld [tilespmem:s7+$0x75A0]  }
0x17d: {  	v6 =	vld [tilespmem:s7+$0x70]  }
0x17e: {  	v4 =	vld [tilespmem:s7+$0x0]  }
0x17f: {  	v7 =	vld [tilespmem:s7+$0x7540]  }
0x180: {  	v8 =	vld [tilespmem:s7+$0x10]  }
0x181: {  	v9 =	vld [tilespmem:s7+$0x7550]  }
0x182: {  	v10 =	vld [tilespmem:s7+$0x20]  }
0x183: {  	v11 =	vld [tilespmem:s7+$0x7560]  }
0x184: {  	v12 =	vld [tilespmem:s7+$0x30]  }
0x185: {  	v13 =	vld [tilespmem:s7+$0x7570]  }
0x186: {  	v14 =	vld [tilespmem:s7+$0x40];
	v6 =	vadd.f32 v6, v5  }
0x187: {  	v8 =	vadd.f32 v8, v7;
	v5 =	vld [tilespmem:s7+$0x7580]  }
0x188: {  	v9 =	vadd.f32 v10, v9;
	v7 =	vld [tilespmem:s7+$0x50];
	[tilespmem:s7+$0x75A0] =	vst v6  }
0x189: {  	v10 =	vadd.f32 v12, v11;
	[tilespmem:s7+$0x7540] =	vst v8;
	v6 =	vld [tilespmem:s7+$0x7590]  }
0x18a: {  	[tilespmem:s7+$0x7550] =	vst v9;
	v9 =	vld [tilespmem:s7+$0x60]  }
0x18b: {  	s8 =	simm.s32 $0x0;
	s9 =	simm.s32 $0x9CC0;
	v8 =	vld [tilespmem:s7+$0x7530];
	[tilespmem:s7+$0x7560] =	vst v10;
	v10 =	vadd.f32 v14, v13  }
.LBB2_17:
0x18c: {  	v11 =	vld [tilespmem:s9+$0x75A0]  }
0x18d: {  	s8 =	sadd.s32 $0x8, s8;
	v12 =	vld [tilespmem:s9+$0x70];
	[tilespmem:s7+$0x7570] =	vst v10;
	v5 =	vadd.f32 v7, v5  }
0x18e: {  	p0 =	slt.u32 s8, $0x268;
	v7 =	vld [tilespmem:s9+$0x0]  }
0x18f: {  	v10 =	vld [tilespmem:s9+$0x7540];
	[tilespmem:s7+$0x7580] =	vst v5;
	v5 =	vadd.f32 v9, v6  }
0x190: {  	v6 =	vld [tilespmem:s9+$0x10];
	v13 =	vadd.f32 v4, v8  }
0x191: {  	v8 =	vld [tilespmem:s9+$0x7550];
	[tilespmem:s7+$0x7590] =	vst v5  }
0x192: {  	v5 =	vld [tilespmem:s9+$0x20];
	v9 =	vadd.f32 v12, v11;
	[tilespmem:s7+$0x7530] =	vst v13;
	s7 =	smov.u32 s9  }
0x193: {  	v11 =	vld [tilespmem:s9+$0x7560];
	v4 =	vmov v7  }
0x194: {  	v12 =	vld [tilespmem:s9+$0x30];
	[tilespmem:s9+$0x75A0] =	vst v9  }
0x195: {  	v6 =	vadd.f32 v6, v10;
	v10 =	vld [tilespmem:s9+$0x7570]  }
0x196: {  	v13 =	vld [tilespmem:s9+$0x40]  }
.Ltmp8:
0x197: {  	[tilespmem:s9+$0x7540] =	vst v6;
	v6 =	vadd.f32 v5, v8;
	v5 =	vld [tilespmem:s9+$0x7580];
	(pc) =	sbr.rel @p0 .LBB2_17-.Ltmp8, $4  }
0x198: {  	v7 =	vld [tilespmem:s9+$0x50]  }
0x199: {  	[tilespmem:s9+$0x7550] =	vst v6;
	v11 =	vadd.f32 v12, v11;
	v6 =	vld [tilespmem:s9+$0x7590]  }
0x19a: {  	v9 =	vld [tilespmem:s9+$0x60]  }
0x19b: {  	s9 =	sadd.s32 $0x80, s9;
	v8 =	vld [tilespmem:s7+$0x7530];
	[tilespmem:s7+$0x7560] =	vst v11;
	v10 =	vadd.f32 v13, v10  }
0x19c: {  	_ =	sdelay $0x1  }
0x19d: {  	v5 =	vadd.f32 v7, v5  }
0x19e: {  	[tilespmem:s7+$0x7570] =	vst v10;
	v6 =	vadd.f32 v9, v6  }
0x19f: {  	[tilespmem:s7+$0x7580] =	vst v5;
	v4 =	vadd.f32 v4, v8  }
0x1a0: {  	[tilespmem:s7+$0x7590] =	vst v6  }
0x1a1: {  	[tilespmem:s7+$0x7530] =	vst v4  }
0x1a2: {  	v4 =	vld [tilespmem:$0x13870]  }
0x1a3: {  	v5 =	vld [tilespmem:$0xC340];
	_ =	sdelay $0x4  }
0x1a4: {  	v4 =	vadd.f32 v5, v4;
	_ =	sdelay $0x1  }
0x1a5: {  	s7 =	simm.s32 $0x9C40;
	[tilespmem:$0x13870] =	vst v4  }
0x1a6: {  	[tilespmem:s7], [sflag:$0x1] =	stream.linear.gather [hbm4b:s25+s2], $0x2710, $0x38;
	[tilespmem:$0x17800] =	vst v63  }
0x1a7: {  	_ =	swait.ge [sflag:s28], $0x2710  }
0x1a8: {  	[sflag:s28] =	ssyncset.done $0x0  }
0x1a9: {  	[sflag:s28] =	ssyncadd.s32 $0xFFFFD8F0  }
0x1aa: {  	v5 =	vld [tilespmem:s7+$0x75A0]  }
0x1ab: {  	v6 =	vld [tilespmem:s7+$0x70]  }
0x1ac: {  	v4 =	vld [tilespmem:s7+$0x0]  }
0x1ad: {  	v7 =	vld [tilespmem:s7+$0x7540]  }
0x1ae: {  	v8 =	vld [tilespmem:s7+$0x10]  }
0x1af: {  	v9 =	vld [tilespmem:s7+$0x7550]  }
0x1b0: {  	v10 =	vld [tilespmem:s7+$0x20]  }
0x1b1: {  	v11 =	vld [tilespmem:s7+$0x7560]  }
0x1b2: {  	v12 =	vld [tilespmem:s7+$0x30]  }
0x1b3: {  	v13 =	vld [tilespmem:s7+$0x7570]  }
0x1b4: {  	v14 =	vld [tilespmem:s7+$0x40];
	v6 =	vadd.f32 v6, v5  }
0x1b5: {  	v8 =	vadd.f32 v8, v7;
	v5 =	vld [tilespmem:s7+$0x7580]  }
0x1b6: {  	v9 =	vadd.f32 v10, v9;
	v7 =	vld [tilespmem:s7+$0x50];
	[tilespmem:s7+$0x75A0] =	vst v6  }
0x1b7: {  	v10 =	vadd.f32 v12, v11;
	[tilespmem:s7+$0x7540] =	vst v8;
	v6 =	vld [tilespmem:s7+$0x7590]  }
0x1b8: {  	[tilespmem:s7+$0x7550] =	vst v9;
	v9 =	vld [tilespmem:s7+$0x60]  }
0x1b9: {  	s8 =	simm.s32 $0x0;
	s9 =	simm.s32 $0x9CC0;
	v8 =	vld [tilespmem:s7+$0x7530];
	[tilespmem:s7+$0x7560] =	vst v10;
	v10 =	vadd.f32 v14, v13  }
.LBB2_19:
0x1ba: {  	v11 =	vld [tilespmem:s9+$0x75A0]  }
0x1bb: {  	s8 =	sadd.s32 $0x8, s8;
	v12 =	vld [tilespmem:s9+$0x70];
	[tilespmem:s7+$0x7570] =	vst v10;
	v5 =	vadd.f32 v7, v5  }
0x1bc: {  	p0 =	slt.u32 s8, $0x268;
	v7 =	vld [tilespmem:s9+$0x0]  }
0x1bd: {  	v10 =	vld [tilespmem:s9+$0x7540];
	[tilespmem:s7+$0x7580] =	vst v5;
	v5 =	vadd.f32 v9, v6  }
0x1be: {  	v6 =	vld [tilespmem:s9+$0x10];
	v13 =	vadd.f32 v4, v8  }
0x1bf: {  	v8 =	vld [tilespmem:s9+$0x7550];
	[tilespmem:s7+$0x7590] =	vst v5  }
0x1c0: {  	v5 =	vld [tilespmem:s9+$0x20];
	v9 =	vadd.f32 v12, v11;
	[tilespmem:s7+$0x7530] =	vst v13;
	s7 =	smov.u32 s9  }
0x1c1: {  	v11 =	vld [tilespmem:s9+$0x7560];
	v4 =	vmov v7  }
0x1c2: {  	v12 =	vld [tilespmem:s9+$0x30];
	[tilespmem:s9+$0x75A0] =	vst v9  }
0x1c3: {  	v6 =	vadd.f32 v6, v10;
	v10 =	vld [tilespmem:s9+$0x7570]  }
0x1c4: {  	v13 =	vld [tilespmem:s9+$0x40]  }
.Ltmp9:
0x1c5: {  	[tilespmem:s9+$0x7540] =	vst v6;
	v6 =	vadd.f32 v5, v8;
	v5 =	vld [tilespmem:s9+$0x7580];
	(pc) =	sbr.rel @p0 .LBB2_19-.Ltmp9, $4  }
0x1c6: {  	v7 =	vld [tilespmem:s9+$0x50]  }
0x1c7: {  	[tilespmem:s9+$0x7550] =	vst v6;
	v11 =	vadd.f32 v12, v11;
	v6 =	vld [tilespmem:s9+$0x7590]  }
0x1c8: {  	v9 =	vld [tilespmem:s9+$0x60]  }
0x1c9: {  	s9 =	sadd.s32 $0x80, s9;
	v8 =	vld [tilespmem:s7+$0x7530];
	[tilespmem:s7+$0x7560] =	vst v11;
	v10 =	vadd.f32 v13, v10  }
0x1ca: {  	_ =	sdelay $0x1  }
0x1cb: {  	v5 =	vadd.f32 v7, v5  }
0x1cc: {  	[tilespmem:s7+$0x7570] =	vst v10;
	v6 =	vadd.f32 v9, v6  }
0x1cd: {  	[tilespmem:s7+$0x7580] =	vst v5;
	v4 =	vadd.f32 v4, v8  }
0x1ce: {  	[tilespmem:s7+$0x7590] =	vst v6  }
0x1cf: {  	[tilespmem:s7+$0x7530] =	vst v4  }
0x1d0: {  	v4 =	vld [tilespmem:$0x13870]  }
0x1d1: {  	v5 =	vld [tilespmem:$0xC340];
	_ =	sdelay $0x4  }
0x1d2: {  	v4 =	vadd.f32 v5, v4;
	_ =	sdelay $0x1  }
0x1d3: {  	s7 =	simm.s32 $0x0;
	s8 =	rddreg [dreg:$0x6];
	[tilespmem:$0x13870] =	vst v4  }
0x1d4: {  	[tilespmem:s1], [sflag:$0x1] =	stream.linear.gather [hbm4b:s8+s7], $0x10, $0x38;
	[tilespmem:$0x17800] =	vst v63  }
0x1d5: {  	_ =	swait.ge [sflag:s28], $0x10  }
0x1d6: {  	[sflag:s28] =	ssyncset.done $0x0  }
0x1d7: {  	[sflag:s28] =	ssyncadd.s32 $0xFFFFFFF0  }
0x1d8: {  	v6 =	vld [tilespmem:s7+$0x111E0]  }
0x1d9: {  	v4 =	vld [tilespmem:$0x17780]  }
0x1da: {  	v5 =	vld [tilespmem:s7+$0x11170]  }
0x1db: {  	v7 =	vld [tilespmem:s7+$0x11180]  }
0x1dc: {  	v8 =	vld [tilespmem:s7+$0x11190]  }
0x1dd: {  	v9 =	vld [tilespmem:s7+$0x111A0];
	(erf) = vrcp.f32 v6  }
0x1de: {  	v10 =	vld [tilespmem:s7+$0x111B0]  }
0x1df: {  	v11 =	vld [tilespmem:s7+$0x111C0]  }
0x1e0: {  	v12 =	vld [tilespmem:s7+$0x111D0];
	(erf) = vrcp.f32 v5  }
0x1e1: {  	v13 =	vld [tilespmem:s7+$0x10];
	(erf) = vrcp.f32 v7  }
0x1e2: {  	v15 =	vld [tilespmem:s7+$0x70];
	(erf) = vrcp.f32 v8  }
0x1e3: {  	v14 =	vld [tilespmem:s7+$0x20];
	(erf) = vrcp.f32 v9  }
0x1e4: {  	v16 =	vld [tilespmem:s7+$0x30];
	(erf) = vrcp.f32 v10  }
0x1e5: {  	v17 =	vld [tilespmem:s7+$0x40];
	(erf) = vrcp.f32 v11  }
0x1e6: {  	vm4 =	vgt.f32 v5, $0.0e+00;
	vm5 =	vgt.f32 v7, $0.0e+00;
	v7 =	vld [tilespmem:s7+$0x0];
	(erf) = vrcp.f32 v12;
	v5 =	vpop (erf)  }
0x1e7: {  	v18 =	vld [tilespmem:s7+$0x50];
	vm6 =	vgt.f32 v8, $0.0e+00;
	v8 =	vmul.f32 v5, v15  }
0x1e8: {  	s8 =	simm.s32 $0x80;
	v19 =	vld [tilespmem:s7+$0x60];
	vm7 =	vgt.f32 v6, $0.0e+00  }
0x1e9: {  	vm3 =	vgt.f32 v9, $0.0e+00;
	v9 =	vpop (erf);
	v5 =	vld [tilespmem:s8+$0x111E0];
	v8 =	vnsel vm7, $0x0, v8  }
0x1ea: {  	vm2 =	vgt.f32 v10, $0.0e+00;
	vm0 =	vgt.f32 v11, $0.0e+00;
	v10 =	vld [tilespmem:s8+$0x11170];
	v6 =	vpop (erf)  }
0x1eb: {  	vm1 =	vgt.f32 v12, $0.0e+00;
	vm4 =	vmmov vm4;
	v12 =	vld [tilespmem:s8+$0x11180];
	v7 =	vmul.f32 v9, v7;
	v11 =	vpop (erf)  }
0x1ec: {  	v6 =	vmul.f32 v6, v13;
	v11 =	vmul.f32 v11, v14;
	v13 =	vadd.f32 v8, v4;
	v14 =	vld [tilespmem:s8+$0x11190];
	v8 =	vpop (erf)  }
0x1ed: {  	v7 =	vnsel vm4, $0x0, v7;
	v8 =	vmul.f32 v8, v16;
	v15 =	vpop (erf);
	v16 =	vld [tilespmem:s8+$0x111A0]  }
0x1ee: {  	v20 =	vnsel vm6, $0x0, v11;
	v11 =	vmul.f32 v15, v17;
	v9 =	vpop (erf);
	v15 =	vld [tilespmem:s8+$0x111B0];
	(erf) = vrcp.f32 v5  }
0x1ef: {  	vm6 =	vgt.f32 v10, $0.0e+00;
	v17 =	vmul.f32 v9, v18;
	v9 =	vpop (erf);
	(erf) = vrcp.f32 v10;
	v10 =	vld [tilespmem:s8+$0x111C0]  }
0x1f0: {  	v21 =	vld [tilespmem:s8+$0x111D0];
	v6 =	vnsel vm5, $0x0, v6;
	vm5 =	vgt.f32 v12, $0.0e+00;
	(erf) = vrcp.f32 v12  }
0x1f1: {  	v22 =	vld [tilespmem:s8+$0x70];
	v7 =	vadd.f32 v7, v4;
	[tilespmem:s7+$0x70] =	vst v13;
	v13 =	vadd.f32 v6, v4;
	(erf) = vrcp.f32 v14  }
0x1f2: {  	v6 =	vld [tilespmem:s8+$0x50];
	v20 =	vadd.f32 v20, v4;
	vm6 =	vmmov vm6;
	(erf) = vrcp.f32 v16  }
0x1f3: {  	[tilespmem:s7+$0x0] =	vst v7;
	v7 =	vld [tilespmem:s8+$0x60];
	v18 =	vnsel vm3, $0x0, v8;
	vm4 =	vgt.f32 v14, $0.0e+00;
	(erf) = vrcp.f32 v15  }
0x1f4: {  	[tilespmem:s7+$0x10] =	vst v13;
	v13 =	vld [tilespmem:s8+$0x0];
	v19 =	vmul.f32 v9, v19;
	v12 =	vnsel vm2, $0x0, v11;
	(erf) = vrcp.f32 v10  }
0x1f5: {  	v9 =	vld [tilespmem:s8+$0x10];
	vm2 =	vgt.f32 v21, $0.0e+00;
	v14 =	vnsel vm0, $0x0, v17;
	(erf) = vrcp.f32 v21  }
0x1f6: {  	v8 =	vld [tilespmem:s8+$0x20];
	v17 =	vadd.f32 v18, v4;
	vm3 =	vgt.f32 v16, $0.0e+00;
	v19 =	vnsel vm1, $0x0, v19  }
0x1f7: {  	v11 =	vld [tilespmem:s8+$0x30];
	v16 =	vadd.f32 v12, v4;
	v12 =	vadd.f32 v14, v4;
	vm0 =	vgt.f32 v15, $0.0e+00;
	v15 =	vpop (erf)  }
0x1f8: {  	s29 =	simm.s32 $0x8;
	s9 =	simm.s32 $0x100;
	[tilespmem:s7+$0x20] =	vst v20;
	v14 =	vadd.f32 v19, v4;
	vm1 =	vgt.f32 v10, $0.0e+00;
	v10 =	vld [tilespmem:s8+$0x40];
	v18 =	vmul.f32 v15, v22;
	v15 =	vpop (erf)  }
.LBB2_21:
0x1f9: {  	s29 =	sadd.s32 $0x8, s29;
	vm7 =	vgt.f32 v5, $0.0e+00;
	v5 =	vld [tilespmem:s9+$0x111E0];
	v19 =	vpop (erf);
	[tilespmem:s7+$0x30] =	vst v17  }
0x1fa: {  	v17 =	vld [tilespmem:s9+$0x11170];
	p0 =	slt.u32 s29, $0x268;
	v9 =	vmul.f32 v19, v9;
	v18 =	vnsel vm7, $0x0, v18;
	v19 =	vpop (erf);
	[tilespmem:s7+$0x40] =	vst v16  }
0x1fb: {  	v16 =	vld [tilespmem:s9+$0x11180];
	v8 =	vmul.f32 v19, v8;
	v18 =	vadd.f32 v18, v4;
	v19 =	vpop (erf);
	[tilespmem:s7+$0x50] =	vst v12  }
0x1fc: {  	v12 =	vld [tilespmem:s9+$0x11190];
	v20 =	vnsel vm5, $0x0, v9;
	v19 =	vmul.f32 v19, v11;
	v11 =	vpop (erf);
	[tilespmem:s7+$0x60] =	vst v14;
	s7 =	smov.u32 s8;
	s8 =	smov.u32 s9  }
0x1fd: {  	v14 =	vld [tilespmem:s9+$0x111A0];
	v13 =	vmul.f32 v15, v13;
	v15 =	vnsel vm4, $0x0, v8;
	v8 =	vmul.f32 v11, v10;
	[tilespmem:s7+$0x70] =	vst v18;
	v10 =	vpop (erf)  }
0x1fe: {  	v11 =	vld [tilespmem:s9+$0x111B0];
	(erf) = vrcp.f32 v5;
	v18 =	vnsel vm3, $0x0, v19;
	v6 =	vmul.f32 v10, v6;
	v9 =	vpop (erf)  }
0x1ff: {  	vm7 =	vgt.f32 v17, $0.0e+00;
	v10 =	vld [tilespmem:s9+$0x111C0];
	(erf) = vrcp.f32 v17;
	v7 =	vmul.f32 v9, v7  }
0x200: {  	v13 =	vnsel vm6, $0x0, v13;
	vm5 =	vgt.f32 v16, $0.0e+00;
	v17 =	vld [tilespmem:s9+$0x111D0];
	(erf) = vrcp.f32 v16  }
0x201: {  	v9 =	vld [tilespmem:s9+$0x10];
	vm4 =	vgt.f32 v12, $0.0e+00;
	(erf) = vrcp.f32 v12;
	v12 =	vnsel vm0, $0x0, v8  }
0x202: {  	v8 =	vld [tilespmem:s9+$0x20];
	vm3 =	vgt.f32 v14, $0.0e+00;
	(erf) = vrcp.f32 v14;
	v14 =	vnsel vm1, $0x0, v6  }
0x203: {  	v21 =	vnsel vm2, $0x0, v7;
	vm0 =	vgt.f32 v11, $0.0e+00;
	v19 =	vld [tilespmem:s9+$0x70];
	(erf) = vrcp.f32 v11  }
.Ltmp10:
0x204: {  	v7 =	vadd.f32 v13, v4;
	v11 =	vld [tilespmem:s9+$0x30];
	vm1 =	vgt.f32 v10, $0.0e+00;
	(erf) = vrcp.f32 v10;
	(pc) =	sbr.rel @p0 .LBB2_21-.Ltmp10, $4  }
0x205: {  	v13 =	vadd.f32 v20, v4;
	v10 =	vld [tilespmem:s9+$0x40];
	vm2 =	vgt.f32 v17, $0.0e+00;
	(erf) = vrcp.f32 v17  }
0x206: {  	vm6 =	vmmov vm7;
	v20 =	vadd.f32 v15, v4;
	v17 =	vadd.f32 v18, v4;
	v6 =	vld [tilespmem:s9+$0x50];
	[tilespmem:s7+$0x0] =	vst v7  }
0x207: {  	v16 =	vadd.f32 v12, v4;
	v12 =	vadd.f32 v14, v4;
	v7 =	vld [tilespmem:s9+$0x60];
	v15 =	vpop (erf);
	[tilespmem:s7+$0x10] =	vst v13  }
0x208: {  	v14 =	vadd.f32 v21, v4;
	s9 =	sadd.s32 $0x80, s9;
	v13 =	vld [tilespmem:s8+$0x0];
	v18 =	vmul.f32 v15, v19;
	v15 =	vpop (erf);
	[tilespmem:s7+$0x20] =	vst v20  }
0x209: {  	_ =	sdelay $0x2  }
0x20a: {  	vm7 =	vgt.f32 v5, $0.0e+00;
	v5 =	vpop (erf)  }
0x20b: {  	v5 =	vmul.f32 v5, v9;
	v9 =	vnsel vm7, $0x0, v18;
	v13 =	vmul.f32 v15, v13  }
0x20c: {  	[tilespmem:s7+$0x30] =	vst v17;
	v9 =	vadd.f32 v9, v4  }
0x20d: {  	[tilespmem:s7+$0x40] =	vst v16;
	v15 =	vpop (erf)  }
0x20e: {  	[tilespmem:s7+$0x50] =	vst v12;
	v5 =	vnsel vm5, $0x0, v5;
	v8 =	vmul.f32 v15, v8;
	v15 =	vpop (erf)  }
0x20f: {  	[tilespmem:s7+$0x60] =	vst v14;
	v5 =	vadd.f32 v5, v4;
	v12 =	vnsel vm6, $0x0, v13;
	v11 =	vmul.f32 v15, v11;
	v13 =	vpop (erf)  }
0x210: {  	[tilespmem:s8+$0x70] =	vst v9;
	v12 =	vadd.f32 v12, v4;
	v8 =	vnsel vm4, $0x0, v8;
	v10 =	vmul.f32 v13, v10;
	v9 =	vpop (erf)  }
0x211: {  	[tilespmem:s8+$0x10] =	vst v5;
	v11 =	vnsel vm3, $0x0, v11;
	v8 =	vadd.f32 v8, v4;
	v6 =	vmul.f32 v9, v6;
	v9 =	vpop (erf)  }
0x212: {  	[tilespmem:s8+$0x0] =	vst v12;
	v7 =	vmul.f32 v9, v7;
	v9 =	vnsel vm0, $0x0, v10;
	v10 =	vadd.f32 v11, v4  }
0x213: {  	[tilespmem:s8+$0x20] =	vst v8;
	v5 =	vnsel vm1, $0x0, v6;
	v6 =	vadd.f32 v9, v4  }
0x214: {  	v7 =	vnsel vm2, $0x0, v7;
	v5 =	vadd.f32 v5, v4;
	[tilespmem:s8+$0x30] =	vst v10  }
0x215: {  	v7 =	vadd.f32 v7, v4;
	[tilespmem:s8+$0x40] =	vst v6  }
0x216: {  	[tilespmem:s8+$0x50] =	vst v5  }
0x217: {  	[tilespmem:s8+$0x60] =	vst v7  }
0x218: {  	v5 =	vld [tilespmem:$0x13870];
	_ =	sdelay $0x4  }
0x219: {  	(erf) = vrcp.f32 v5;
	_ =	sdelay $0x4  }
0x21a: {  	v6 =	vld [tilespmem:$0x2700];
	_ =	sdelay $0x3  }
0x21b: {  	v7 =	vpop (erf)  }
0x21c: {  	v6 =	vmul.f32 v7, v6  }
0x21d: {  	vm0 =	vgt.f32 v5, $0.0e+00  }
0x21e: {  	v5 =	vnsel vm0, $0x0, v6  }
0x21f: {  	v4 =	vadd.f32 v5, v4;
	_ =	sdelay $0x1  }
0x220: {  	s7 =	rddreg [dreg:$0x7];
	[tilespmem:$0x2700] =	vst v4  }
0x221: {  	[tilespmem:s1], [sflag:$0x1] =	stream.linear.gather [hbm4b:s7+s2], $0x10, $0x38;
	[tilespmem:$0x17800] =	vst v63  }
0x222: {  	_ =	swait.ge [sflag:s28], $0x10  }
0x223: {  	[sflag:s28] =	ssyncset.done $0x0  }
0x224: {  	s7 =	simm.s32 $0x11170;
	[sflag:s28] =	ssyncadd.s32 $0xFFFFFFF0  }
0x225: {  	v6 =	vld [tilespmem:s7+$0x70]  }
0x226: {  	v4 =	vld [tilespmem:$0x17780]  }
0x227: {  	v5 =	vld [tilespmem:s7+$0x0]  }
0x228: {  	v7 =	vld [tilespmem:s7+$0x10]  }
0x229: {  	v8 =	vld [tilespmem:s7+$0x20]  }
0x22a: {  	v9 =	vld [tilespmem:s7+$0x30];
	(erf) = vrcp.f32 v6  }
0x22b: {  	v10 =	vld [tilespmem:s7+$0x40]  }
0x22c: {  	v11 =	vld [tilespmem:s7+$0x50]  }
0x22d: {  	v12 =	vld [tilespmem:s7+$0x60];
	(erf) = vrcp.f32 v5  }
0x22e: {  	v13 =	vld [tilespmem:s7+$0xFFFF15B0];
	(erf) = vrcp.f32 v7  }
0x22f: {  	v15 =	vld [tilespmem:s7+$0xFFFF1610];
	(erf) = vrcp.f32 v8  }
0x230: {  	v14 =	vld [tilespmem:s7+$0xFFFF15C0];
	(erf) = vrcp.f32 v9  }
0x231: {  	v16 =	vld [tilespmem:s7+$0xFFFF15D0];
	(erf) = vrcp.f32 v10  }
0x232: {  	v17 =	vld [tilespmem:s7+$0xFFFF15E0];
	(erf) = vrcp.f32 v11  }
0x233: {  	vm4 =	vgt.f32 v5, $0.0e+00;
	vm5 =	vgt.f32 v7, $0.0e+00;
	v7 =	vld [tilespmem:s7+$0xFFFF15A0];
	(erf) = vrcp.f32 v12;
	v5 =	vpop (erf)  }
0x234: {  	v18 =	vld [tilespmem:s7+$0xFFFF15F0];
	vm6 =	vgt.f32 v8, $0.0e+00;
	v8 =	vmul.f32 v5, v15  }
0x235: {  	s8 =	simm.s32 $0x111F0;
	v19 =	vld [tilespmem:s7+$0xFFFF1600];
	vm7 =	vgt.f32 v6, $0.0e+00  }
0x236: {  	vm3 =	vgt.f32 v9, $0.0e+00;
	v9 =	vpop (erf);
	v5 =	vld [tilespmem:s8+$0x70];
	v8 =	vnsel vm7, $0x0, v8  }
0x237: {  	vm2 =	vgt.f32 v10, $0.0e+00;
	vm0 =	vgt.f32 v11, $0.0e+00;
	v10 =	vld [tilespmem:s8+$0x0];
	v6 =	vpop (erf)  }
0x238: {  	vm1 =	vgt.f32 v12, $0.0e+00;
	vm4 =	vmmov vm4;
	v12 =	vld [tilespmem:s8+$0x10];
	v7 =	vmul.f32 v9, v7;
	v11 =	vpop (erf)  }
0x239: {  	v6 =	vmul.f32 v6, v13;
	v11 =	vmul.f32 v11, v14;
	v13 =	vadd.f32 v8, v4;
	v14 =	vld [tilespmem:s8+$0x20];
	v8 =	vpop (erf)  }
0x23a: {  	v7 =	vnsel vm4, $0x0, v7;
	v8 =	vmul.f32 v8, v16;
	v15 =	vpop (erf);
	v16 =	vld [tilespmem:s8+$0x30]  }
0x23b: {  	v20 =	vnsel vm6, $0x0, v11;
	v11 =	vmul.f32 v15, v17;
	v9 =	vpop (erf);
	v15 =	vld [tilespmem:s8+$0x40];
	(erf) = vrcp.f32 v5  }
0x23c: {  	vm6 =	vgt.f32 v10, $0.0e+00;
	v17 =	vmul.f32 v9, v18;
	v9 =	vpop (erf);
	(erf) = vrcp.f32 v10;
	v10 =	vld [tilespmem:s8+$0x50]  }
0x23d: {  	v21 =	vld [tilespmem:s8+$0x60];
	v6 =	vnsel vm5, $0x0, v6;
	vm5 =	vgt.f32 v12, $0.0e+00;
	(erf) = vrcp.f32 v12  }
0x23e: {  	v22 =	vld [tilespmem:s8+$0xFFFF1610];
	v7 =	vadd.f32 v7, v4;
	[tilespmem:s7+$0xFFFF1610] =	vst v13;
	v13 =	vadd.f32 v6, v4;
	(erf) = vrcp.f32 v14  }
0x23f: {  	v6 =	vld [tilespmem:s8+$0xFFFF15F0];
	v20 =	vadd.f32 v20, v4;
	vm6 =	vmmov vm6;
	(erf) = vrcp.f32 v16  }
0x240: {  	[tilespmem:s7+$0xFFFF15A0] =	vst v7;
	v7 =	vld [tilespmem:s8+$0xFFFF1600];
	v18 =	vnsel vm3, $0x0, v8;
	vm4 =	vgt.f32 v14, $0.0e+00;
	(erf) = vrcp.f32 v15  }
0x241: {  	[tilespmem:s7+$0xFFFF15B0] =	vst v13;
	v13 =	vld [tilespmem:s8+$0xFFFF15A0];
	v19 =	vmul.f32 v9, v19;
	v12 =	vnsel vm2, $0x0, v11;
	(erf) = vrcp.f32 v10  }
0x242: {  	v9 =	vld [tilespmem:s8+$0xFFFF15B0];
	vm2 =	vgt.f32 v21, $0.0e+00;
	v14 =	vnsel vm0, $0x0, v17;
	(erf) = vrcp.f32 v21  }
0x243: {  	v8 =	vld [tilespmem:s8+$0xFFFF15C0];
	v17 =	vadd.f32 v18, v4;
	vm3 =	vgt.f32 v16, $0.0e+00;
	v19 =	vnsel vm1, $0x0, v19  }
0x244: {  	v11 =	vld [tilespmem:s8+$0xFFFF15D0];
	v16 =	vadd.f32 v12, v4;
	v12 =	vadd.f32 v14, v4;
	vm0 =	vgt.f32 v15, $0.0e+00;
	v15 =	vpop (erf)  }
0x245: {  	s29 =	simm.s32 $0x8;
	s9 =	simm.s32 $0x11270;
	[tilespmem:s7+$0xFFFF15C0] =	vst v20;
	v14 =	vadd.f32 v19, v4;
	vm1 =	vgt.f32 v10, $0.0e+00;
	v10 =	vld [tilespmem:s8+$0xFFFF15E0];
	v18 =	vmul.f32 v15, v22;
	v15 =	vpop (erf)  }
.LBB2_23:
0x246: {  	s29 =	sadd.s32 $0x8, s29;
	vm7 =	vgt.f32 v5, $0.0e+00;
	v5 =	vld [tilespmem:s9+$0x70];
	v19 =	vpop (erf);
	[tilespmem:s7+$0xFFFF15D0] =	vst v17  }
0x247: {  	v17 =	vld [tilespmem:s9+$0x0];
	p0 =	slt.u32 s29, $0x268;
	v9 =	vmul.f32 v19, v9;
	v18 =	vnsel vm7, $0x0, v18;
	v19 =	vpop (erf);
	[tilespmem:s7+$0xFFFF15E0] =	vst v16  }
0x248: {  	v16 =	vld [tilespmem:s9+$0x10];
	v8 =	vmul.f32 v19, v8;
	v18 =	vadd.f32 v18, v4;
	v19 =	vpop (erf);
	[tilespmem:s7+$0xFFFF15F0] =	vst v12  }
0x249: {  	v12 =	vld [tilespmem:s9+$0x20];
	v20 =	vnsel vm5, $0x0, v9;
	v19 =	vmul.f32 v19, v11;
	v11 =	vpop (erf);
	[tilespmem:s7+$0xFFFF1600] =	vst v14;
	s7 =	smov.u32 s8;
	s8 =	smov.u32 s9  }
0x24a: {  	v14 =	vld [tilespmem:s9+$0x30];
	v13 =	vmul.f32 v15, v13;
	v15 =	vnsel vm4, $0x0, v8;
	v8 =	vmul.f32 v11, v10;
	[tilespmem:s7+$0xFFFF1610] =	vst v18;
	v10 =	vpop (erf)  }
0x24b: {  	v11 =	vld [tilespmem:s9+$0x40];
	(erf) = vrcp.f32 v5;
	v18 =	vnsel vm3, $0x0, v19;
	v6 =	vmul.f32 v10, v6;
	v9 =	vpop (erf)  }
0x24c: {  	vm7 =	vgt.f32 v17, $0.0e+00;
	v10 =	vld [tilespmem:s9+$0x50];
	(erf) = vrcp.f32 v17;
	v7 =	vmul.f32 v9, v7  }
0x24d: {  	v13 =	vnsel vm6, $0x0, v13;
	vm5 =	vgt.f32 v16, $0.0e+00;
	v17 =	vld [tilespmem:s9+$0x60];
	(erf) = vrcp.f32 v16  }
0x24e: {  	v9 =	vld [tilespmem:s9+$0xFFFF15B0];
	vm4 =	vgt.f32 v12, $0.0e+00;
	(erf) = vrcp.f32 v12;
	v12 =	vnsel vm0, $0x0, v8  }
0x24f: {  	v8 =	vld [tilespmem:s9+$0xFFFF15C0];
	vm3 =	vgt.f32 v14, $0.0e+00;
	(erf) = vrcp.f32 v14;
	v14 =	vnsel vm1, $0x0, v6  }
0x250: {  	v21 =	vnsel vm2, $0x0, v7;
	vm0 =	vgt.f32 v11, $0.0e+00;
	v19 =	vld [tilespmem:s9+$0xFFFF1610];
	(erf) = vrcp.f32 v11  }
.Ltmp11:
0x251: {  	v7 =	vadd.f32 v13, v4;
	v11 =	vld [tilespmem:s9+$0xFFFF15D0];
	vm1 =	vgt.f32 v10, $0.0e+00;
	(erf) = vrcp.f32 v10;
	(pc) =	sbr.rel @p0 .LBB2_23-.Ltmp11, $4  }
0x252: {  	v13 =	vadd.f32 v20, v4;
	v10 =	vld [tilespmem:s9+$0xFFFF15E0];
	vm2 =	vgt.f32 v17, $0.0e+00;
	(erf) = vrcp.f32 v17  }
0x253: {  	vm6 =	vmmov vm7;
	v20 =	vadd.f32 v15, v4;
	v17 =	vadd.f32 v18, v4;
	v6 =	vld [tilespmem:s9+$0xFFFF15F0];
	[tilespmem:s7+$0xFFFF15A0] =	vst v7  }
0x254: {  	v16 =	vadd.f32 v12, v4;
	v12 =	vadd.f32 v14, v4;
	v7 =	vld [tilespmem:s9+$0xFFFF1600];
	v15 =	vpop (erf);
	[tilespmem:s7+$0xFFFF15B0] =	vst v13  }
0x255: {  	v14 =	vadd.f32 v21, v4;
	s9 =	sadd.s32 $0x80, s9;
	v13 =	vld [tilespmem:s8+$0xFFFF15A0];
	v18 =	vmul.f32 v15, v19;
	v15 =	vpop (erf);
	[tilespmem:s7+$0xFFFF15C0] =	vst v20  }
0x256: {  	_ =	sdelay $0x2  }
0x257: {  	vm7 =	vgt.f32 v5, $0.0e+00;
	v5 =	vpop (erf)  }
0x258: {  	v5 =	vmul.f32 v5, v9;
	v9 =	vnsel vm7, $0x0, v18;
	v13 =	vmul.f32 v15, v13  }
0x259: {  	[tilespmem:s7+$0xFFFF15D0] =	vst v17;
	v9 =	vadd.f32 v9, v4  }
0x25a: {  	[tilespmem:s7+$0xFFFF15E0] =	vst v16;
	v15 =	vpop (erf)  }
0x25b: {  	[tilespmem:s7+$0xFFFF15F0] =	vst v12;
	v5 =	vnsel vm5, $0x0, v5;
	v8 =	vmul.f32 v15, v8;
	v15 =	vpop (erf)  }
0x25c: {  	[tilespmem:s7+$0xFFFF1600] =	vst v14;
	v5 =	vadd.f32 v5, v4;
	v12 =	vnsel vm6, $0x0, v13;
	v11 =	vmul.f32 v15, v11;
	v13 =	vpop (erf)  }
0x25d: {  	[tilespmem:s8+$0xFFFF1610] =	vst v9;
	v12 =	vadd.f32 v12, v4;
	v8 =	vnsel vm4, $0x0, v8;
	v10 =	vmul.f32 v13, v10;
	v9 =	vpop (erf)  }
0x25e: {  	[tilespmem:s8+$0xFFFF15B0] =	vst v5;
	v11 =	vnsel vm3, $0x0, v11;
	v8 =	vadd.f32 v8, v4;
	v6 =	vmul.f32 v9, v6;
	v9 =	vpop (erf)  }
0x25f: {  	[tilespmem:s8+$0xFFFF15A0] =	vst v12;
	v7 =	vmul.f32 v9, v7;
	v9 =	vnsel vm0, $0x0, v10;
	v10 =	vadd.f32 v11, v4  }
0x260: {  	[tilespmem:s8+$0xFFFF15C0] =	vst v8;
	v5 =	vnsel vm1, $0x0, v6;
	v6 =	vadd.f32 v9, v4  }
0x261: {  	v7 =	vnsel vm2, $0x0, v7;
	v5 =	vadd.f32 v5, v4;
	[tilespmem:s8+$0xFFFF15D0] =	vst v10  }
0x262: {  	v7 =	vadd.f32 v7, v4;
	[tilespmem:s8+$0xFFFF15E0] =	vst v6  }
0x263: {  	[tilespmem:s8+$0xFFFF15F0] =	vst v5  }
0x264: {  	[tilespmem:s8+$0xFFFF1600] =	vst v7  }
0x265: {  	v5 =	vld [tilespmem:$0x13870];
	_ =	sdelay $0x4  }
0x266: {  	(erf) = vrcp.f32 v5;
	_ =	sdelay $0x4  }
0x267: {  	v6 =	vld [tilespmem:$0x4E10];
	_ =	sdelay $0x3  }
0x268: {  	v7 =	vpop (erf)  }
0x269: {  	v6 =	vmul.f32 v7, v6  }
0x26a: {  	vm0 =	vgt.f32 v5, $0.0e+00  }
0x26b: {  	v5 =	vnsel vm0, $0x0, v6  }
0x26c: {  	v4 =	vadd.f32 v5, v4;
	_ =	sdelay $0x1  }
0x26d: {  	s7 =	rddreg [dreg:$0x8];
	[tilespmem:$0x4E10] =	vst v4  }
0x26e: {  	[tilespmem:s1], [sflag:$0x1] =	stream.linear.gather [hbm4b:s7+s2], $0x10, $0x38;
	[tilespmem:$0x17800] =	vst v63  }
0x26f: {  	_ =	swait.ge [sflag:s28], $0x10  }
0x270: {  	[sflag:s28] =	ssyncset.done $0x0  }
0x271: {  	s7 =	simm.s32 $0x11170;
	[sflag:s28] =	ssyncadd.s32 $0xFFFFFFF0  }
0x272: {  	v6 =	vld [tilespmem:s7+$0x70]  }
0x273: {  	v4 =	vld [tilespmem:$0x17780]  }
0x274: {  	v5 =	vld [tilespmem:s7+$0x0]  }
0x275: {  	v7 =	vld [tilespmem:s7+$0x10]  }
0x276: {  	v8 =	vld [tilespmem:s7+$0x20]  }
0x277: {  	v9 =	vld [tilespmem:s7+$0x30];
	(erf) = vrcp.f32 v6  }
0x278: {  	v10 =	vld [tilespmem:s7+$0x40]  }
0x279: {  	v11 =	vld [tilespmem:s7+$0x50]  }
0x27a: {  	v12 =	vld [tilespmem:s7+$0x60];
	(erf) = vrcp.f32 v5  }
0x27b: {  	v13 =	vld [tilespmem:s7+$0xFFFF3CC0];
	(erf) = vrcp.f32 v7  }
0x27c: {  	v15 =	vld [tilespmem:s7+$0xFFFF3D20];
	(erf) = vrcp.f32 v8  }
0x27d: {  	v14 =	vld [tilespmem:s7+$0xFFFF3CD0];
	(erf) = vrcp.f32 v9  }
0x27e: {  	v16 =	vld [tilespmem:s7+$0xFFFF3CE0];
	(erf) = vrcp.f32 v10  }
0x27f: {  	v17 =	vld [tilespmem:s7+$0xFFFF3CF0];
	(erf) = vrcp.f32 v11  }
0x280: {  	vm4 =	vgt.f32 v5, $0.0e+00;
	vm5 =	vgt.f32 v7, $0.0e+00;
	v7 =	vld [tilespmem:s7+$0xFFFF3CB0];
	(erf) = vrcp.f32 v12;
	v5 =	vpop (erf)  }
0x281: {  	v18 =	vld [tilespmem:s7+$0xFFFF3D00];
	vm6 =	vgt.f32 v8, $0.0e+00;
	v8 =	vmul.f32 v5, v15  }
0x282: {  	s8 =	simm.s32 $0x111F0;
	v19 =	vld [tilespmem:s7+$0xFFFF3D10];
	vm7 =	vgt.f32 v6, $0.0e+00  }
0x283: {  	vm3 =	vgt.f32 v9, $0.0e+00;
	v9 =	vpop (erf);
	v5 =	vld [tilespmem:s8+$0x70];
	v8 =	vnsel vm7, $0x0, v8  }
0x284: {  	vm2 =	vgt.f32 v10, $0.0e+00;
	vm0 =	vgt.f32 v11, $0.0e+00;
	v10 =	vld [tilespmem:s8+$0x0];
	v6 =	vpop (erf)  }
0x285: {  	vm1 =	vgt.f32 v12, $0.0e+00;
	vm4 =	vmmov vm4;
	v12 =	vld [tilespmem:s8+$0x10];
	v7 =	vmul.f32 v9, v7;
	v11 =	vpop (erf)  }
0x286: {  	v6 =	vmul.f32 v6, v13;
	v11 =	vmul.f32 v11, v14;
	v13 =	vadd.f32 v8, v4;
	v14 =	vld [tilespmem:s8+$0x20];
	v8 =	vpop (erf)  }
0x287: {  	v7 =	vnsel vm4, $0x0, v7;
	v8 =	vmul.f32 v8, v16;
	v15 =	vpop (erf);
	v16 =	vld [tilespmem:s8+$0x30]  }
0x288: {  	v20 =	vnsel vm6, $0x0, v11;
	v11 =	vmul.f32 v15, v17;
	v9 =	vpop (erf);
	v15 =	vld [tilespmem:s8+$0x40];
	(erf) = vrcp.f32 v5  }
0x289: {  	vm6 =	vgt.f32 v10, $0.0e+00;
	v17 =	vmul.f32 v9, v18;
	v9 =	vpop (erf);
	(erf) = vrcp.f32 v10;
	v10 =	vld [tilespmem:s8+$0x50]  }
0x28a: {  	v21 =	vld [tilespmem:s8+$0x60];
	v6 =	vnsel vm5, $0x0, v6;
	vm5 =	vgt.f32 v12, $0.0e+00;
	(erf) = vrcp.f32 v12  }
0x28b: {  	v22 =	vld [tilespmem:s8+$0xFFFF3D20];
	v7 =	vadd.f32 v7, v4;
	[tilespmem:s7+$0xFFFF3D20] =	vst v13;
	v13 =	vadd.f32 v6, v4;
	(erf) = vrcp.f32 v14  }
0x28c: {  	v6 =	vld [tilespmem:s8+$0xFFFF3D00];
	v20 =	vadd.f32 v20, v4;
	vm6 =	vmmov vm6;
	(erf) = vrcp.f32 v16  }
0x28d: {  	[tilespmem:s7+$0xFFFF3CB0] =	vst v7;
	v7 =	vld [tilespmem:s8+$0xFFFF3D10];
	v18 =	vnsel vm3, $0x0, v8;
	vm4 =	vgt.f32 v14, $0.0e+00;
	(erf) = vrcp.f32 v15  }
0x28e: {  	[tilespmem:s7+$0xFFFF3CC0] =	vst v13;
	v13 =	vld [tilespmem:s8+$0xFFFF3CB0];
	v19 =	vmul.f32 v9, v19;
	v12 =	vnsel vm2, $0x0, v11;
	(erf) = vrcp.f32 v10  }
0x28f: {  	v9 =	vld [tilespmem:s8+$0xFFFF3CC0];
	vm2 =	vgt.f32 v21, $0.0e+00;
	v14 =	vnsel vm0, $0x0, v17;
	(erf) = vrcp.f32 v21  }
0x290: {  	v8 =	vld [tilespmem:s8+$0xFFFF3CD0];
	v17 =	vadd.f32 v18, v4;
	vm3 =	vgt.f32 v16, $0.0e+00;
	v19 =	vnsel vm1, $0x0, v19  }
0x291: {  	v11 =	vld [tilespmem:s8+$0xFFFF3CE0];
	v16 =	vadd.f32 v12, v4;
	v12 =	vadd.f32 v14, v4;
	vm0 =	vgt.f32 v15, $0.0e+00;
	v15 =	vpop (erf)  }
0x292: {  	s29 =	simm.s32 $0x8;
	s9 =	simm.s32 $0x11270;
	[tilespmem:s7+$0xFFFF3CD0] =	vst v20;
	v14 =	vadd.f32 v19, v4;
	vm1 =	vgt.f32 v10, $0.0e+00;
	v10 =	vld [tilespmem:s8+$0xFFFF3CF0];
	v18 =	vmul.f32 v15, v22;
	v15 =	vpop (erf)  }
.LBB2_25:
0x293: {  	s29 =	sadd.s32 $0x8, s29;
	vm7 =	vgt.f32 v5, $0.0e+00;
	v5 =	vld [tilespmem:s9+$0x70];
	v19 =	vpop (erf);
	[tilespmem:s7+$0xFFFF3CE0] =	vst v17  }
0x294: {  	v17 =	vld [tilespmem:s9+$0x0];
	p0 =	slt.u32 s29, $0x268;
	v9 =	vmul.f32 v19, v9;
	v18 =	vnsel vm7, $0x0, v18;
	v19 =	vpop (erf);
	[tilespmem:s7+$0xFFFF3CF0] =	vst v16  }
0x295: {  	v16 =	vld [tilespmem:s9+$0x10];
	v8 =	vmul.f32 v19, v8;
	v18 =	vadd.f32 v18, v4;
	v19 =	vpop (erf);
	[tilespmem:s7+$0xFFFF3D00] =	vst v12  }
0x296: {  	v12 =	vld [tilespmem:s9+$0x20];
	v20 =	vnsel vm5, $0x0, v9;
	v19 =	vmul.f32 v19, v11;
	v11 =	vpop (erf);
	[tilespmem:s7+$0xFFFF3D10] =	vst v14;
	s7 =	smov.u32 s8;
	s8 =	smov.u32 s9  }
0x297: {  	v14 =	vld [tilespmem:s9+$0x30];
	v13 =	vmul.f32 v15, v13;
	v15 =	vnsel vm4, $0x0, v8;
	v8 =	vmul.f32 v11, v10;
	[tilespmem:s7+$0xFFFF3D20] =	vst v18;
	v10 =	vpop (erf)  }
0x298: {  	v11 =	vld [tilespmem:s9+$0x40];
	(erf) = vrcp.f32 v5;
	v18 =	vnsel vm3, $0x0, v19;
	v6 =	vmul.f32 v10, v6;
	v9 =	vpop (erf)  }
0x299: {  	vm7 =	vgt.f32 v17, $0.0e+00;
	v10 =	vld [tilespmem:s9+$0x50];
	(erf) = vrcp.f32 v17;
	v7 =	vmul.f32 v9, v7  }
0x29a: {  	v13 =	vnsel vm6, $0x0, v13;
	vm5 =	vgt.f32 v16, $0.0e+00;
	v17 =	vld [tilespmem:s9+$0x60];
	(erf) = vrcp.f32 v16  }
0x29b: {  	v9 =	vld [tilespmem:s9+$0xFFFF3CC0];
	vm4 =	vgt.f32 v12, $0.0e+00;
	(erf) = vrcp.f32 v12;
	v12 =	vnsel vm0, $0x0, v8  }
0x29c: {  	v8 =	vld [tilespmem:s9+$0xFFFF3CD0];
	vm3 =	vgt.f32 v14, $0.0e+00;
	(erf) = vrcp.f32 v14;
	v14 =	vnsel vm1, $0x0, v6  }
0x29d: {  	v21 =	vnsel vm2, $0x0, v7;
	vm0 =	vgt.f32 v11, $0.0e+00;
	v19 =	vld [tilespmem:s9+$0xFFFF3D20];
	(erf) = vrcp.f32 v11  }
.Ltmp12:
0x29e: {  	v7 =	vadd.f32 v13, v4;
	v11 =	vld [tilespmem:s9+$0xFFFF3CE0];
	vm1 =	vgt.f32 v10, $0.0e+00;
	(erf) = vrcp.f32 v10;
	(pc) =	sbr.rel @p0 .LBB2_25-.Ltmp12, $4  }
0x29f: {  	v13 =	vadd.f32 v20, v4;
	v10 =	vld [tilespmem:s9+$0xFFFF3CF0];
	vm2 =	vgt.f32 v17, $0.0e+00;
	(erf) = vrcp.f32 v17  }
0x2a0: {  	vm6 =	vmmov vm7;
	v20 =	vadd.f32 v15, v4;
	v17 =	vadd.f32 v18, v4;
	v6 =	vld [tilespmem:s9+$0xFFFF3D00];
	[tilespmem:s7+$0xFFFF3CB0] =	vst v7  }
0x2a1: {  	v16 =	vadd.f32 v12, v4;
	v12 =	vadd.f32 v14, v4;
	v7 =	vld [tilespmem:s9+$0xFFFF3D10];
	v15 =	vpop (erf);
	[tilespmem:s7+$0xFFFF3CC0] =	vst v13  }
0x2a2: {  	v14 =	vadd.f32 v21, v4;
	s9 =	sadd.s32 $0x80, s9;
	v13 =	vld [tilespmem:s8+$0xFFFF3CB0];
	v18 =	vmul.f32 v15, v19;
	v15 =	vpop (erf);
	[tilespmem:s7+$0xFFFF3CD0] =	vst v20  }
0x2a3: {  	_ =	sdelay $0x2  }
0x2a4: {  	vm7 =	vgt.f32 v5, $0.0e+00;
	v5 =	vpop (erf)  }
0x2a5: {  	v5 =	vmul.f32 v5, v9;
	v9 =	vnsel vm7, $0x0, v18;
	v13 =	vmul.f32 v15, v13  }
0x2a6: {  	[tilespmem:s7+$0xFFFF3CE0] =	vst v17;
	v9 =	vadd.f32 v9, v4  }
0x2a7: {  	[tilespmem:s7+$0xFFFF3CF0] =	vst v16;
	v15 =	vpop (erf)  }
0x2a8: {  	[tilespmem:s7+$0xFFFF3D00] =	vst v12;
	v5 =	vnsel vm5, $0x0, v5;
	v8 =	vmul.f32 v15, v8;
	v15 =	vpop (erf)  }
0x2a9: {  	[tilespmem:s7+$0xFFFF3D10] =	vst v14;
	v5 =	vadd.f32 v5, v4;
	v12 =	vnsel vm6, $0x0, v13;
	v11 =	vmul.f32 v15, v11;
	v13 =	vpop (erf)  }
0x2aa: {  	[tilespmem:s8+$0xFFFF3D20] =	vst v9;
	v12 =	vadd.f32 v12, v4;
	v8 =	vnsel vm4, $0x0, v8;
	v10 =	vmul.f32 v13, v10;
	v9 =	vpop (erf)  }
0x2ab: {  	[tilespmem:s8+$0xFFFF3CC0] =	vst v5;
	v11 =	vnsel vm3, $0x0, v11;
	v8 =	vadd.f32 v8, v4;
	v6 =	vmul.f32 v9, v6;
	v9 =	vpop (erf)  }
0x2ac: {  	[tilespmem:s8+$0xFFFF3CB0] =	vst v12;
	v7 =	vmul.f32 v9, v7;
	v9 =	vnsel vm0, $0x0, v10;
	v10 =	vadd.f32 v11, v4  }
0x2ad: {  	[tilespmem:s8+$0xFFFF3CD0] =	vst v8;
	v5 =	vnsel vm1, $0x0, v6;
	v6 =	vadd.f32 v9, v4  }
0x2ae: {  	v7 =	vnsel vm2, $0x0, v7;
	v5 =	vadd.f32 v5, v4;
	[tilespmem:s8+$0xFFFF3CE0] =	vst v10  }
0x2af: {  	v7 =	vadd.f32 v7, v4;
	[tilespmem:s8+$0xFFFF3CF0] =	vst v6  }
0x2b0: {  	[tilespmem:s8+$0xFFFF3D00] =	vst v5  }
0x2b1: {  	[tilespmem:s8+$0xFFFF3D10] =	vst v7  }
0x2b2: {  	v5 =	vld [tilespmem:$0x13870];
	_ =	sdelay $0x4  }
0x2b3: {  	(erf) = vrcp.f32 v5;
	_ =	sdelay $0x4  }
0x2b4: {  	v6 =	vld [tilespmem:$0x7520];
	_ =	sdelay $0x3  }
0x2b5: {  	v7 =	vpop (erf)  }
0x2b6: {  	v6 =	vmul.f32 v7, v6  }
0x2b7: {  	vm0 =	vgt.f32 v5, $0.0e+00  }
0x2b8: {  	v5 =	vnsel vm0, $0x0, v6  }
0x2b9: {  	v4 =	vadd.f32 v5, v4;
	_ =	sdelay $0x1  }
0x2ba: {  	[tilespmem:$0x7520] =	vst v4  }
0x2bb: {  	[tilespmem:s1], [sflag:$0x1] =	stream.linear.gather [hbm4b:s14+s2], $0x10, $0x38;
	[tilespmem:$0x17800] =	vst v63  }
0x2bc: {  	_ =	swait.ge [sflag:s28], $0x10  }
0x2bd: {  	[sflag:s28] =	ssyncset.done $0x0  }
0x2be: {  	s7 =	simm.s32 $0x11170;
	[sflag:s28] =	ssyncadd.s32 $0xFFFFFFF0  }
0x2bf: {  	v6 =	vld [tilespmem:s7+$0x70]  }
0x2c0: {  	v4 =	vld [tilespmem:$0x17780]  }
0x2c1: {  	v5 =	vld [tilespmem:s7+$0x0]  }
0x2c2: {  	v7 =	vld [tilespmem:s7+$0x10]  }
0x2c3: {  	v8 =	vld [tilespmem:s7+$0x20]  }
0x2c4: {  	v9 =	vld [tilespmem:s7+$0x30];
	(erf) = vrcp.f32 v6  }
0x2c5: {  	v10 =	vld [tilespmem:s7+$0x40]  }
0x2c6: {  	v11 =	vld [tilespmem:s7+$0x50]  }
0x2c7: {  	v12 =	vld [tilespmem:s7+$0x60];
	(erf) = vrcp.f32 v5  }
0x2c8: {  	v13 =	vld [tilespmem:s7+$0xFFFF63D0];
	(erf) = vrcp.f32 v7  }
0x2c9: {  	v15 =	vld [tilespmem:s7+$0xFFFF6430];
	(erf) = vrcp.f32 v8  }
0x2ca: {  	v14 =	vld [tilespmem:s7+$0xFFFF63E0];
	(erf) = vrcp.f32 v9  }
0x2cb: {  	v16 =	vld [tilespmem:s7+$0xFFFF63F0];
	(erf) = vrcp.f32 v10  }
0x2cc: {  	v17 =	vld [tilespmem:s7+$0xFFFF6400];
	(erf) = vrcp.f32 v11  }
0x2cd: {  	vm4 =	vgt.f32 v5, $0.0e+00;
	vm5 =	vgt.f32 v7, $0.0e+00;
	v7 =	vld [tilespmem:s7+$0xFFFF63C0];
	(erf) = vrcp.f32 v12;
	v5 =	vpop (erf)  }
0x2ce: {  	v18 =	vld [tilespmem:s7+$0xFFFF6410];
	vm6 =	vgt.f32 v8, $0.0e+00;
	v8 =	vmul.f32 v5, v15  }
0x2cf: {  	s8 =	simm.s32 $0x111F0;
	v19 =	vld [tilespmem:s7+$0xFFFF6420];
	vm7 =	vgt.f32 v6, $0.0e+00  }
0x2d0: {  	vm3 =	vgt.f32 v9, $0.0e+00;
	v9 =	vpop (erf);
	v5 =	vld [tilespmem:s8+$0x70];
	v8 =	vnsel vm7, $0x0, v8  }
0x2d1: {  	vm2 =	vgt.f32 v10, $0.0e+00;
	vm0 =	vgt.f32 v11, $0.0e+00;
	v10 =	vld [tilespmem:s8+$0x0];
	v6 =	vpop (erf)  }
0x2d2: {  	vm1 =	vgt.f32 v12, $0.0e+00;
	vm4 =	vmmov vm4;
	v12 =	vld [tilespmem:s8+$0x10];
	v7 =	vmul.f32 v9, v7;
	v11 =	vpop (erf)  }
0x2d3: {  	v6 =	vmul.f32 v6, v13;
	v11 =	vmul.f32 v11, v14;
	v13 =	vadd.f32 v8, v4;
	v14 =	vld [tilespmem:s8+$0x20];
	v8 =	vpop (erf)  }
0x2d4: {  	v7 =	vnsel vm4, $0x0, v7;
	v8 =	vmul.f32 v8, v16;
	v15 =	vpop (erf);
	v16 =	vld [tilespmem:s8+$0x30]  }
0x2d5: {  	v20 =	vnsel vm6, $0x0, v11;
	v11 =	vmul.f32 v15, v17;
	v9 =	vpop (erf);
	v15 =	vld [tilespmem:s8+$0x40];
	(erf) = vrcp.f32 v5  }
0x2d6: {  	vm6 =	vgt.f32 v10, $0.0e+00;
	v17 =	vmul.f32 v9, v18;
	v9 =	vpop (erf);
	(erf) = vrcp.f32 v10;
	v10 =	vld [tilespmem:s8+$0x50]  }
0x2d7: {  	v21 =	vld [tilespmem:s8+$0x60];
	v6 =	vnsel vm5, $0x0, v6;
	vm5 =	vgt.f32 v12, $0.0e+00;
	(erf) = vrcp.f32 v12  }
0x2d8: {  	v22 =	vld [tilespmem:s8+$0xFFFF6430];
	v7 =	vadd.f32 v7, v4;
	[tilespmem:s7+$0xFFFF6430] =	vst v13;
	v13 =	vadd.f32 v6, v4;
	(erf) = vrcp.f32 v14  }
0x2d9: {  	v6 =	vld [tilespmem:s8+$0xFFFF6410];
	v20 =	vadd.f32 v20, v4;
	vm6 =	vmmov vm6;
	(erf) = vrcp.f32 v16  }
0x2da: {  	[tilespmem:s7+$0xFFFF63C0] =	vst v7;
	v7 =	vld [tilespmem:s8+$0xFFFF6420];
	v18 =	vnsel vm3, $0x0, v8;
	vm4 =	vgt.f32 v14, $0.0e+00;
	(erf) = vrcp.f32 v15  }
0x2db: {  	[tilespmem:s7+$0xFFFF63D0] =	vst v13;
	v13 =	vld [tilespmem:s8+$0xFFFF63C0];
	v19 =	vmul.f32 v9, v19;
	v12 =	vnsel vm2, $0x0, v11;
	(erf) = vrcp.f32 v10  }
0x2dc: {  	v9 =	vld [tilespmem:s8+$0xFFFF63D0];
	vm2 =	vgt.f32 v21, $0.0e+00;
	v14 =	vnsel vm0, $0x0, v17;
	(erf) = vrcp.f32 v21  }
0x2dd: {  	v8 =	vld [tilespmem:s8+$0xFFFF63E0];
	v17 =	vadd.f32 v18, v4;
	vm3 =	vgt.f32 v16, $0.0e+00;
	v19 =	vnsel vm1, $0x0, v19  }
0x2de: {  	v11 =	vld [tilespmem:s8+$0xFFFF63F0];
	v16 =	vadd.f32 v12, v4;
	v12 =	vadd.f32 v14, v4;
	vm0 =	vgt.f32 v15, $0.0e+00;
	v15 =	vpop (erf)  }
0x2df: {  	s29 =	simm.s32 $0x8;
	s9 =	simm.s32 $0x11270;
	[tilespmem:s7+$0xFFFF63E0] =	vst v20;
	v14 =	vadd.f32 v19, v4;
	vm1 =	vgt.f32 v10, $0.0e+00;
	v10 =	vld [tilespmem:s8+$0xFFFF6400];
	v18 =	vmul.f32 v15, v22;
	v15 =	vpop (erf)  }
.LBB2_27:
0x2e0: {  	s29 =	sadd.s32 $0x8, s29;
	vm7 =	vgt.f32 v5, $0.0e+00;
	v5 =	vld [tilespmem:s9+$0x70];
	v19 =	vpop (erf);
	[tilespmem:s7+$0xFFFF63F0] =	vst v17  }
0x2e1: {  	v17 =	vld [tilespmem:s9+$0x0];
	p0 =	slt.u32 s29, $0x268;
	v9 =	vmul.f32 v19, v9;
	v18 =	vnsel vm7, $0x0, v18;
	v19 =	vpop (erf);
	[tilespmem:s7+$0xFFFF6400] =	vst v16  }
0x2e2: {  	v16 =	vld [tilespmem:s9+$0x10];
	v8 =	vmul.f32 v19, v8;
	v18 =	vadd.f32 v18, v4;
	v19 =	vpop (erf);
	[tilespmem:s7+$0xFFFF6410] =	vst v12  }
0x2e3: {  	v12 =	vld [tilespmem:s9+$0x20];
	v20 =	vnsel vm5, $0x0, v9;
	v19 =	vmul.f32 v19, v11;
	v11 =	vpop (erf);
	[tilespmem:s7+$0xFFFF6420] =	vst v14;
	s7 =	smov.u32 s8;
	s8 =	smov.u32 s9  }
0x2e4: {  	v14 =	vld [tilespmem:s9+$0x30];
	v13 =	vmul.f32 v15, v13;
	v15 =	vnsel vm4, $0x0, v8;
	v8 =	vmul.f32 v11, v10;
	[tilespmem:s7+$0xFFFF6430] =	vst v18;
	v10 =	vpop (erf)  }
0x2e5: {  	v11 =	vld [tilespmem:s9+$0x40];
	(erf) = vrcp.f32 v5;
	v18 =	vnsel vm3, $0x0, v19;
	v6 =	vmul.f32 v10, v6;
	v9 =	vpop (erf)  }
0x2e6: {  	vm7 =	vgt.f32 v17, $0.0e+00;
	v10 =	vld [tilespmem:s9+$0x50];
	(erf) = vrcp.f32 v17;
	v7 =	vmul.f32 v9, v7  }
0x2e7: {  	v13 =	vnsel vm6, $0x0, v13;
	vm5 =	vgt.f32 v16, $0.0e+00;
	v17 =	vld [tilespmem:s9+$0x60];
	(erf) = vrcp.f32 v16  }
0x2e8: {  	v9 =	vld [tilespmem:s9+$0xFFFF63D0];
	vm4 =	vgt.f32 v12, $0.0e+00;
	(erf) = vrcp.f32 v12;
	v12 =	vnsel vm0, $0x0, v8  }
0x2e9: {  	v8 =	vld [tilespmem:s9+$0xFFFF63E0];
	vm3 =	vgt.f32 v14, $0.0e+00;
	(erf) = vrcp.f32 v14;
	v14 =	vnsel vm1, $0x0, v6  }
0x2ea: {  	v21 =	vnsel vm2, $0x0, v7;
	vm0 =	vgt.f32 v11, $0.0e+00;
	v19 =	vld [tilespmem:s9+$0xFFFF6430];
	(erf) = vrcp.f32 v11  }
.Ltmp13:
0x2eb: {  	v7 =	vadd.f32 v13, v4;
	v11 =	vld [tilespmem:s9+$0xFFFF63F0];
	vm1 =	vgt.f32 v10, $0.0e+00;
	(erf) = vrcp.f32 v10;
	(pc) =	sbr.rel @p0 .LBB2_27-.Ltmp13, $4  }
0x2ec: {  	v13 =	vadd.f32 v20, v4;
	v10 =	vld [tilespmem:s9+$0xFFFF6400];
	vm2 =	vgt.f32 v17, $0.0e+00;
	(erf) = vrcp.f32 v17  }
0x2ed: {  	vm6 =	vmmov vm7;
	v20 =	vadd.f32 v15, v4;
	v17 =	vadd.f32 v18, v4;
	v6 =	vld [tilespmem:s9+$0xFFFF6410];
	[tilespmem:s7+$0xFFFF63C0] =	vst v7  }
0x2ee: {  	v16 =	vadd.f32 v12, v4;
	v12 =	vadd.f32 v14, v4;
	v7 =	vld [tilespmem:s9+$0xFFFF6420];
	v15 =	vpop (erf);
	[tilespmem:s7+$0xFFFF63D0] =	vst v13  }
0x2ef: {  	v14 =	vadd.f32 v21, v4;
	s9 =	sadd.s32 $0x80, s9;
	v13 =	vld [tilespmem:s8+$0xFFFF63C0];
	v18 =	vmul.f32 v15, v19;
	v15 =	vpop (erf);
	[tilespmem:s7+$0xFFFF63E0] =	vst v20  }
0x2f0: {  	vm7 =	vgt.f32 v5, $0.0e+00;
	v5 =	vpop (erf)  }
0x2f1: {  	[tilespmem:s7+$0xFFFF63F0] =	vst v17;
	v5 =	vmul.f32 v5, v9;
	v54 =	vpop (erf)  }
0x2f2: {  	[tilespmem:s7+$0xFFFF6400] =	vst v16;
	v53 =	vnsel vm7, $0x0, v18;
	v8 =	vmul.f32 v54, v8;
	v55 =	vpop (erf)  }
0x2f3: {  	[tilespmem:s7+$0xFFFF6410] =	vst v12;
	v9 =	vadd.f32 v53, v4;
	v5 =	vnsel vm5, $0x0, v5;
	v11 =	vmul.f32 v55, v11  }
0x2f4: {  	[tilespmem:s7+$0xFFFF6420] =	vst v14;
	v57 =	vpop (erf);
	v13 =	vmul.f32 v15, v13;
	v8 =	vnsel vm4, $0x0, v8;
	v5 =	vadd.f32 v5, v4  }
0x2f5: {  	v10 =	vmul.f32 v57, v10;
	[tilespmem:s8+$0xFFFF6430] =	vst v9;
	v58 =	vpop (erf);
	v11 =	vnsel vm3, $0x0, v11;
	v8 =	vadd.f32 v8, v4  }
0x2f6: {  	v6 =	vmul.f32 v58, v6;
	v59 =	vpop (erf);
	v56 =	vnsel vm6, $0x0, v13;
	v61 =	vadd.f32 v11, v4;
	[tilespmem:s8+$0xFFFF63D0] =	vst v5  }
0x2f7: {  	v7 =	vmul.f32 v59, v7;
	v60 =	vnsel vm0, $0x0, v10;
	v12 =	vadd.f32 v56, v4;
	[tilespmem:s8+$0xFFFF63E0] =	vst v8  }
0x2f8: {  	v5 =	vnsel vm1, $0x0, v6;
	v62 =	vadd.f32 v60, v4;
	[tilespmem:s8+$0xFFFF63F0] =	vst v61  }
0x2f9: {  	v7 =	vnsel vm2, $0x0, v7;
	v5 =	vadd.f32 v5, v4;
	[tilespmem:s8+$0xFFFF63C0] =	vst v12  }
0x2fa: {  	v7 =	vadd.f32 v7, v4;
	[tilespmem:s8+$0xFFFF6400] =	vst v62  }
0x2fb: {  	[tilespmem:s8+$0xFFFF6410] =	vst v5  }
0x2fc: {  	[tilespmem:s8+$0xFFFF6420] =	vst v7  }
0x2fd: {  	v5 =	vld [tilespmem:$0x13870];
	_ =	sdelay $0x4  }
0x2fe: {  	(erf) = vrcp.f32 v5;
	_ =	sdelay $0x4  }
0x2ff: {  	v6 =	vld [tilespmem:$0x9C30];
	_ =	sdelay $0x3  }
0x300: {  	v63 =	vpop (erf)  }
0x301: {  	v6 =	vmul.f32 v63, v6  }
0x302: {  	vm15 =	vgt.f32 v5, $0.0e+00  }
0x303: {  	v5 =	vnsel vm15, $0x0, v6  }
0x304: {  	v4 =	vadd.f32 v5, v4;
	_ =	sdelay $0x1  }
0x305: {  	[tilespmem:$0x9C30] =	vst v4  }
0x306: {  	[hbm4b:s20+s2] =	stream.linear.scatter [tilespmem:s2], [sflag:$0x1], $0x9C40, $0x38;
	[tilespmem:$0x17800] =	vst v63  }
0x307: {  	_ =	swait.ge [sflag:s28], $0x9C40  }
0x308: {  	[sflag:s28] =	ssyncset.done $0x0  }
0x309: {  	s29 =	simm.s32 $0x9C40;
	[sflag:s28] =	ssyncadd.s32 $0xFFFF63C0  }
0x30a: {  	[tilespmem:s29], [sflag:$0x1] =	stream.linear.gather [hbm4b:s21+s2], $0x9C40, $0x38;
	[tilespmem:$0x17800] =	vst v63  }
0x30b: {  	_ =	swait.ge [sflag:s28], $0x9C40  }
0x30c: {  	[sflag:s28] =	ssyncset.done $0x0  }
0x30d: {  	s7 =	simm.s32 $0x40;
	[sflag:s28] =	ssyncadd.s32 $0xFFFF63C0  }
0x30e: {  	[tilespmem:s7+$0xFFFFFFC0] =	vst v1  }
0x30f: {  	[tilespmem:s7+$0x30] =	vst v1  }
0x310: {  	[tilespmem:s7+$0x20] =	vst v1  }
0x311: {  	[tilespmem:s7+$0x10] =	vst v1  }
0x312: {  	[tilespmem:s7+$0x0] =	vst v1  }
0x313: {  	[tilespmem:s7+$0xFFFFFFF0] =	vst v1  }
0x314: {  	s8 =	simm.s32 $0x0;
	[tilespmem:s7+$0xFFFFFFE0] =	vst v1  }
.LBB2_29:
0x315: {  	s8 =	sadd.s32 $0x8, s8;
	[tilespmem:s7+$0xFFFFFFD0] =	vst v1;
	s7 =	sadd.s32 $0x80, s7  }
0x316: {  	[tilespmem:s7+$0xFFFFFFC0] =	vst v1;
	p0 =	slt.u32 s8, $0x9B8  }
0x317: {  	[tilespmem:s7+$0x30] =	vst v1  }
.Ltmp14:
0x318: {  	[tilespmem:s7+$0x20] =	vst v1;
	(pc) =	sbr.rel @p0 .LBB2_29-.Ltmp14, $4  }
0x319: {  	[tilespmem:s7+$0x10] =	vst v1  }
0x31a: {  	[tilespmem:s7+$0x0] =	vst v1  }
0x31b: {  	[tilespmem:s7+$0xFFFFFFF0] =	vst v1  }
0x31c: {  	[tilespmem:s7+$0xFFFFFFE0] =	vst v1  }
0x31d: {  	[tilespmem:s7+$0xFFFFFFD0] =	vst v1;
	s29 =	simm.s32 $0x0;
	s7 =	simm.s32 $0x0  }
.LBB2_31:
0x31e: {  	p0 =	sne.s32 s7, $0xC0  }
.Ltmp15:
0x31f: {  	_ = 	snop;
	(pc) =	sbr.rel @p0 .LBB2_31-.Ltmp15, $3  }
0x320: {  	_ =	sdelay $0x1  }
0x321: {  	s8 =	sshra.s32 s7, $0x2  }
0x322: {  	s7 =	sadd.s32 $0x40, s7;
	[tilespmem:s8+$0x9C00] =	vst v1  }
.LBB2_32:
0x323: {  	s7 =	smul.u32 $0x1F40, s29;
	_ =	sdelay $0x1  }
0x324: {  	s8 =	sshrl.u32 s7, $0x3  }
0x325: {  	s8 =	sadd.s32 s3, s8  }
0x326: {  	[tilespmem:s30], [sflag:$0x1] =	stream.linear.gather [hbm4b:s8+s2], $0x1F40, $0x38;
	[tilespmem:$0x17800] =	vst v63  }
0x327: {  	s11 =	simm.s32 $0x3C;
	s7 =	sadd.s32 s6, s7;
	_ =	swait.ge [sflag:s28], $0x1F40  }
0x328: {  	s12 =	simm.s32 $0x38;
	s7 =	sshrl.u32 s7, $0x3;
	[sflag:s28] =	ssyncset.done $0x0  }
0x329: {  	s13 =	simm.s32 $0x4;
	v5 =	vor.u32 s11, v2;
	s7 =	sadd.s32 s4, s7;
	[sflag:s28] =	ssyncadd.s32 $0xFFFFE0C0  }
0x32a: {  	v4 =	vor.u32 s12, v2;
	[tilespmem:s31], [sflag:$0x1] =	stream.linear.gather [hbm4b:s7+s2], $0x1F40, $0x38;
	[tilespmem:$0x17800] =	vst v63  }
0x32b: {  	v6 =	vor.u32 s13, v2;
	s8 =	simm.s32 $0x8;
	_ =	swait.ge [sflag:s28], $0x1F40  }
0x32c: {  	s9 =	simm.s32 $0xC;
	v7 =	vor.u32 s8, v2;
	[sflag:s28] =	ssyncset.done $0x0  }
0x32d: {  	v8 =	vor.u32 s9, v2;
	s11 =	simm.s32 $0x10;
	[sflag:s28] =	ssyncadd.s32 $0xFFFFE0C0  }
0x32e: {  	s12 =	simm.s32 $0x0;
	v9 =	vor.u32 s11, v2;
	v10 =	vld.idx.msk [tilespmem:v5+s30+$0x0], $0xffff  }
0x32f: {  	s13 =	simm.s32 $0x14;
	v11 =	vor.u32 s12, v2;
	v12 =	vld.idx.msk [tilespmem:v4+s30+$0x0], $0xffff  }
0x330: {  	s9 =	simm.s32 $0x18;
	v13 =	vor.u32 s13, v2;
	v14 =	vld.idx.msk [tilespmem:v6+s30+$0x0], $0xffff  }
0x331: {  	v15 =	vor.u32 s9, v2;
	s11 =	simm.s32 $0x1C;
	v16 =	vld.idx.msk [tilespmem:v7+s30+$0x0], $0xffff  }
0x332: {  	s12 =	simm.s32 $0x20;
	v17 =	vor.u32 s11, v2;
	v18 =	vld.idx.msk [tilespmem:v8+s30+$0x0], $0xffff  }
0x333: {  	s13 =	simm.s32 $0x24;
	v19 =	vor.u32 s12, v2;
	v20 =	vld.idx.msk [tilespmem:v9+s30+$0x0], $0xffff  }
0x334: {  	v21 =	vor.u32 s13, v2;
	v22 =	vld.idx.msk [tilespmem:v11+s30+$0x0], $0xffff  }
0x335: {  	s9 =	simm.s32 $0x28;
	v23 =	vld.idx.msk [tilespmem:v13+s30+$0x0], $0xffff  }
0x336: {  	s11 =	simm.s32 $0x2C;
	v26 =	vor.u32 s9, v2;
	v25 =	vld.idx.msk [tilespmem:v15+s30+$0x0], $0xffff  }
0x337: {  	s12 =	simm.s32 $0x30;
	v28 =	vor.u32 s11, v2;
	v27 =	vld.idx.msk [tilespmem:v17+s30+$0x0], $0xffff  }
0x338: {  	s13 =	simm.s32 $0x34;
	v30 =	vor.u32 s12, v2;
	v29 =	vld.idx.msk [tilespmem:v19+s30+$0x0], $0xffff  }
0x339: {  	v32 =	vor.u32 s13, v2;
	v31 =	vld.idx.msk [tilespmem:v21+s30+$0x0], $0xffff  }
0x33a: {  	v4 =	vld.idx.msk [tilespmem:v4+s31+$0x0], $0xffff  }
0x33b: {  	v36 =	vld.idx.msk [tilespmem:v26+s30+$0x0], $0xffff  }
0x33c: {  	v37 =	vld.idx.msk [tilespmem:v28+s30+$0x0], $0xffff  }
0x33d: {  	v39 =	vld.idx.msk [tilespmem:v30+s30+$0x0], $0xffff  }
0x33e: {  	v41 =	vld.idx.msk [tilespmem:v32+s30+$0x0], $0xffff  }
0x33f: {  	v11 =	vld.idx.msk [tilespmem:v11+s31+$0x0], $0xffff  }
0x340: {  	v6 =	vld.idx.msk [tilespmem:v6+s31+$0x0], $0xffff  }
0x341: {  	v7 =	vld.idx.msk [tilespmem:v7+s31+$0x0], $0xffff  }
0x342: {  	v8 =	vld.idx.msk [tilespmem:v8+s31+$0x0], $0xffff  }
0x343: {  	v9 =	vld.idx.msk [tilespmem:v9+s31+$0x0], $0xffff  }
0x344: {  	v13 =	vld.idx.msk [tilespmem:v13+s31+$0x0], $0xffff;
	v24 =	vshra.s32 v12, $0xE  }
0x345: {  	v15 =	vld.idx.msk [tilespmem:v15+s31+$0x0], $0xffff;
	v24 =	vadd.s32 v3, v24  }
0x346: {  	v17 =	vld.idx.msk [tilespmem:v17+s31+$0x0], $0xffff  }
0x347: {  	v50 =	vld.idx.msk [tilespmem:v21+s31+$0x0], $0xffff  }
0x348: {  	v26 =	vld.idx.msk [tilespmem:v26+s31+$0x0], $0xffff;
	v33 =	vshra.s32 v22, $0xE  }
0x349: {  	v28 =	vld.idx.msk [tilespmem:v28+s31+$0x0], $0xffff;
	v34 =	vshra.s32 v14, $0xE;
	v33 =	vadd.s32 v3, v33  }
0x34a: {  	v35 =	vshra.s32 v16, $0xE;
	v34 =	vadd.s32 v3, v34;
	v24 =	vld.idx.msk [tilespmem:v24+s2+$0x0], $0xffff  }
0x34b: {  	v58 =	vld.idx.msk [tilespmem:v30+s31+$0x0], $0xffff;
	v12 =	vand.u32 $0x3FFF, v12;
	v35 =	vadd.s32 v3, v35  }
0x34c: {  	v59 =	vld.idx.msk [tilespmem:v32+s31+$0x0], $0xffff;
	v38 =	vshra.s32 v18, $0xE;
	v12 =	vadd.s32 v0, v12  }
0x34d: {  	v5 =	vld.idx.msk [tilespmem:v5+s31+$0x0], $0xffff;
	v40 =	vshra.s32 v20, $0xE;
	v38 =	vadd.s32 v3, v38  }
0x34e: {  	v42 =	vshra.s32 v23, $0xE;
	v43 =	vshra.s32 v25, $0xE;
	v40 =	vadd.s32 v3, v40;
	v33 =	vld.idx.msk [tilespmem:v33+s2+$0x0], $0xffff  }
0x34f: {  	v55 =	vshra.s32 v27, $0xE;
	v42 =	vadd.s32 v3, v42;
	v34 =	vld.idx.msk [tilespmem:v34+s2+$0x0], $0xffff;
	v4 =	vmul.f32 v24, v4  }
0x350: {  	v44 =	vshra.s32 v29, $0xE;
	v54 =	vadd.s32 v3, v43;
	v43 =	vadd.s32 v3, v55;
	v35 =	vld.idx.msk [tilespmem:v35+s2+$0x0], $0xffff  }
0x351: {  	v45 =	vshra.s32 v37, $0xE;
	[tilespmem:v12+s2+$0x0] =	vst.idx.add.f32.msk $0xffff, v4;
	v4 =	vadd.s32 v3, v44  }
0x352: {  	v46 =	vshra.s32 v39, $0xE;
	v45 =	vadd.s32 v3, v45;
	v38 =	vld.idx.msk [tilespmem:v38+s2+$0x0], $0xffff  }
0x353: {  	v46 =	vadd.s32 v3, v46;
	v40 =	vld.idx.msk [tilespmem:v40+s2+$0x0], $0xffff  }
0x354: {  	v14 =	vand.u32 $0x3FFF, v14;
	v42 =	vld.idx.msk [tilespmem:v42+s2+$0x0], $0xffff  }
0x355: {  	v48 =	vshra.s32 v10, $0xE;
	v14 =	vadd.s32 v0, v14;
	v43 =	vld.idx.msk [tilespmem:v43+s2+$0x0], $0xffff  }
0x356: {  	v49 =	vld.idx.msk [tilespmem:v4+s2+$0x0], $0xffff;
	v4 =	vadd.s32 v3, v48  }
0x357: {  	v56 =	vshra.s32 v31, $0xE;
	v57 =	vshra.s32 v36, $0xE;
	v16 =	vand.u32 $0x3FFF, v16;
	v45 =	vld.idx.msk [tilespmem:v45+s2+$0x0], $0xffff  }
0x358: {  	v18 =	vand.u32 $0x3FFF, v18;
	v16 =	vadd.s32 v0, v16;
	v46 =	vld.idx.msk [tilespmem:v46+s2+$0x0], $0xffff;
	v6 =	vmul.f32 v34, v6  }
0x359: {  	v47 =	vshra.s32 v41, $0xE;
	v20 =	vand.u32 $0x3FFF, v20;
	v18 =	vadd.s32 v0, v18;
	v24 =	vld.idx.msk [tilespmem:v54+s2+$0x0], $0xffff  }
0x35a: {  	v21 =	vand.u32 $0x3FFF, v23;
	v47 =	vadd.s32 v3, v47;
	v20 =	vadd.s32 v0, v20;
	[tilespmem:v14+s2+$0x0] =	vst.idx.add.f32.msk $0xffff, v6  }
0x35b: {  	v7 =	vmul.f32 v35, v7;
	v8 =	vmul.f32 v38, v8;
	v44 =	vadd.s32 v3, v57;
	v48 =	vld.idx.msk [tilespmem:v4+s2+$0x0], $0xffff  }
0x35c: {  	v12 =	vadd.s32 v3, v56;
	v4 =	vand.u32 $0x3FFF, v10;
	v10 =	vld.idx.msk [tilespmem:v19+s31+$0x0], $0xffff;
	v19 =	vand.u32 $0x3FFF, v22  }
0x35d: {  	v23 =	vand.u32 $0x3FFF, v27;
	v9 =	vmul.f32 v40, v9;
	[tilespmem:v16+s2+$0x0] =	vst.idx.add.f32.msk $0xffff, v7;
	v19 =	vadd.s32 v0, v19  }
0x35e: {  	v60 =	vadd.s32 v0, v21;
	v21 =	vand.u32 $0x3FFF, v29;
	v62 =	vadd.s32 v0, v23;
	[tilespmem:v18+s2+$0x0] =	vst.idx.add.f32.msk $0xffff, v8  }
0x35f: {  	v11 =	vmul.f32 v33, v11;
	v6 =	vand.u32 $0x3FFF, v36;
	[tilespmem:v20+s2+$0x0] =	vst.idx.add.f32.msk $0xffff, v9;
	v22 =	vand.u32 $0x3FFF, v25  }
0x360: {  	v7 =	vand.u32 $0x3FFF, v37;
	v8 =	vand.u32 $0x3FFF, v39;
	v44 =	vld.idx.msk [tilespmem:v44+s2+$0x0], $0xffff;
	v61 =	vadd.s32 v0, v22  }
0x361: {  	v9 =	vand.u32 $0x3FFF, v41;
	v23 =	vadd.s32 v0, v6;
	v6 =	vmul.f32 v42, v13;
	v12 =	vld.idx.msk [tilespmem:v12+s2+$0x0], $0xffff  }
0x362: {  	v20 =	vadd.s32 v0, v9;
	[tilespmem:v19+s2+$0x0] =	vst.idx.add.f32.msk $0xffff, v11;
	v11 =	vand.u32 $0x3FFF, v31;
	v19 =	vadd.s32 v0, v21  }
0x363: {  	v47 =	vld.idx.msk [tilespmem:v47+s2+$0x0], $0xffff;
	v22 =	vadd.s32 v0, v7;
	v7 =	vmul.f32 v24, v15;
	v63 =	vadd.s32 v0, v11  }
0x364: {  	[tilespmem:v60+s2+$0x0] =	vst.idx.add.f32.msk $0xffff, v6;
	v21 =	vadd.s32 v0, v8;
	v8 =	vmul.f32 v43, v17  }
0x365: {  	v6 =	vmul.f32 v44, v26;
	v9 =	vmul.f32 v49, v10;
	[tilespmem:v61+s2+$0x0] =	vst.idx.add.f32.msk $0xffff, v7  }
0x366: {  	v4 =	vadd.s32 v0, v4;
	v10 =	vmul.f32 v12, v50;
	[tilespmem:v62+s2+$0x0] =	vst.idx.add.f32.msk $0xffff, v8  }
0x367: {  	v7 =	vmul.f32 v45, v28;
	v11 =	vmul.f32 v46, v58;
	[tilespmem:v19+s2+$0x0] =	vst.idx.add.f32.msk $0xffff, v9  }
0x368: {  	s8 =	simm.s32 $0x7C;
	s7 =	simm.s32 $0x0;
	v8 =	vmul.f32 v47, v59;
	v9 =	vmul.f32 v48, v5;
	[tilespmem:v63+s2+$0x0] =	vst.idx.add.f32.msk $0xffff, v10  }
.LBB2_33:
0x369: {  	s9 =	sadd.s32 $0xFFFFFFC8, s8;
	s11 =	sadd.s32 $0xFFFFFFFC, s8;
	v5 =	vor.u32 s8, v2;
	s7 =	sadd.s32 $0x10, s7;
	[tilespmem:v23+s2+$0x0] =	vst.idx.add.f32.msk $0xffff, v6  }
0x36a: {  	s12 =	sadd.s32 $0xFFFFFFD0, s8;
	v6 =	vor.u32 s9, v2;
	s9 =	sadd.s32 $0xFFFFFFCC, s8;
	v23 =	vor.u32 s11, v2;
	p0 =	slt.u32 s7, $0x7C0;
	[tilespmem:v22+s2+$0x0] =	vst.idx.add.f32.msk $0xffff, v7  }
0x36b: {  	v7 =	vor.u32 s12, v2;
	s11 =	sadd.s32 $0xFFFFFFD8, s8;
	s12 =	sadd.s32 $0xFFFFFFDC, s8;
	v10 =	vor.u32 s9, v2;
	s9 =	sadd.s32 $0xFFFFFFD4, s8;
	[tilespmem:v21+s2+$0x0] =	vst.idx.add.f32.msk $0xffff, v11  }
0x36c: {  	v15 =	vor.u32 s11, v2;
	v11 =	vor.u32 s12, v2;
	s11 =	sadd.s32 $0xFFFFFFE4, s8;
	s12 =	sadd.s32 $0xFFFFFFE8, s8;
	v16 =	vor.u32 s9, v2;
	s9 =	sadd.s32 $0xFFFFFFE0, s8;
	[tilespmem:v20+s2+$0x0] =	vst.idx.add.f32.msk $0xffff, v8  }
0x36d: {  	v12 =	vor.u32 s11, v2;
	v8 =	vor.u32 s12, v2;
	s11 =	sadd.s32 $0xFFFFFFF0, s8;
	s12 =	sadd.s32 $0xFFFFFFF4, s8;
	v17 =	vor.u32 s9, v2;
	s9 =	sadd.s32 $0xFFFFFFEC, s8;
	[tilespmem:v4+s2+$0x0] =	vst.idx.add.f32.msk $0xffff, v9  }
0x36e: {  	s13 =	sadd.s32 $0xFFFFFFC4, s8;
	v13 =	vor.u32 s11, v2;
	v9 =	vor.u32 s12, v2;
	v18 =	vor.u32 s9, v2;
	s9 =	sadd.s32 $0xFFFFFFF8, s8;
	v4 =	vld.idx.msk [tilespmem:v5+s30+$0x0], $0xffff  }
0x36f: {  	v19 =	vor.u32 s13, v2;
	v14 =	vor.u32 s9, v2;
	v20 =	vld.idx.msk [tilespmem:v23+s30+$0x0], $0xffff  }
0x370: {  	v21 =	vld.idx.msk [tilespmem:v6+s30+$0x0], $0xffff  }
0x371: {  	v22 =	vld.idx.msk [tilespmem:v10+s30+$0x0], $0xffff  }
0x372: {  	v24 =	vld.idx.msk [tilespmem:v7+s30+$0x0], $0xffff  }
0x373: {  	v25 =	vld.idx.msk [tilespmem:v16+s30+$0x0], $0xffff  }
0x374: {  	v27 =	vshra.s32 v4, $0xE;
	v4 =	vand.u32 $0x3FFF, v4;
	v26 =	vld.idx.msk [tilespmem:v19+s30+$0x0], $0xffff  }
0x375: {  	v29 =	vshra.s32 v20, $0xE;
	v27 =	vadd.s32 v3, v27;
	v4 =	vadd.s32 v0, v4;
	v28 =	vld.idx.msk [tilespmem:v15+s30+$0x0], $0xffff  }
0x376: {  	v30 =	vshra.s32 v21, $0xE;
	v21 =	vand.u32 $0x3FFF, v21;
	v29 =	vadd.s32 v3, v29;
	v31 =	vld.idx.msk [tilespmem:v11+s30+$0x0], $0xffff  }
0x377: {  	v30 =	vadd.s32 v3, v30;
	v32 =	vshra.s32 v22, $0xE;
	v22 =	vand.u32 $0x3FFF, v22;
	v33 =	vld.idx.msk [tilespmem:v17+s30+$0x0], $0xffff  }
0x378: {  	v32 =	vadd.s32 v3, v32;
	v34 =	vshra.s32 v24, $0xE;
	v24 =	vand.u32 $0x3FFF, v24;
	v35 =	vld.idx.msk [tilespmem:v12+s30+$0x0], $0xffff  }
0x379: {  	v34 =	vadd.s32 v3, v34;
	v36 =	vshra.s32 v25, $0xE;
	v25 =	vand.u32 $0x3FFF, v25;
	v37 =	vld.idx.msk [tilespmem:v8+s30+$0x0], $0xffff  }
0x37a: {  	v38 =	vshra.s32 v26, $0xE;
	v26 =	vand.u32 $0x3FFF, v26;
	v36 =	vadd.s32 v3, v36;
	v23 =	vld.idx.msk [tilespmem:v23+s31+$0x0], $0xffff  }
0x37b: {  	v38 =	vadd.s32 v3, v38;
	v39 =	vshra.s32 v28, $0xE;
	v28 =	vand.u32 $0x3FFF, v28;
	v29 =	vld.idx.msk [tilespmem:v29+s2+$0x0], $0xffff  }
0x37c: {  	v39 =	vadd.s32 v3, v39;
	v40 =	vshra.s32 v31, $0xE;
	v31 =	vand.u32 $0x3FFF, v31;
	v41 =	vld.idx.msk [tilespmem:v18+s30+$0x0], $0xffff  }
0x37d: {  	v20 =	vand.u32 $0x3FFF, v20;
	v40 =	vadd.s32 v3, v40;
	v42 =	vshra.s32 v33, $0xE;
	v43 =	vld.idx.msk [tilespmem:v13+s30+$0x0], $0xffff  }
0x37e: {  	v20 =	vadd.s32 v0, v20;
	v42 =	vadd.s32 v3, v42;
	v44 =	vshra.s32 v35, $0xE;
	v45 =	vld.idx.msk [tilespmem:v9+s30+$0x0], $0xffff  }
0x37f: {  	v33 =	vand.u32 $0x3FFF, v33;
	v44 =	vadd.s32 v3, v44;
	v46 =	vshra.s32 v37, $0xE;
	v47 =	vld.idx.msk [tilespmem:v14+s30+$0x0], $0xffff  }
0x380: {  	v35 =	vand.u32 $0x3FFF, v35;
	v37 =	vand.u32 $0x3FFF, v37;
	v46 =	vadd.s32 v3, v46;
	v38 =	vld.idx.msk [tilespmem:v38+s2+$0x0], $0xffff  }
0x381: {  	v48 =	vadd.s32 v0, v21;
	v26 =	vadd.s32 v0, v26;
	v21 =	vmul.f32 v29, v23;
	v30 =	vld.idx.msk [tilespmem:v30+s2+$0x0], $0xffff  }
0x382: {  	v23 =	vand.u32 $0x3FFF, v41;
	v29 =	vld.idx.msk [tilespmem:v32+s2+$0x0], $0xffff;
	v32 =	vadd.s32 v0, v22;
	v22 =	vshra.s32 v41, $0xE  }
0x383: {  	v41 =	vadd.s32 v3, v22;
	v22 =	vshra.s32 v43, $0xE;
	v43 =	vand.u32 $0x3FFF, v43;
	[tilespmem:v20+s2+$0x0] =	vst.idx.add.f32.msk $0xffff, v21  }
0x384: {  	v20 =	vshra.s32 v45, $0xE;
	v21 =	vand.u32 $0x3FFF, v45;
	v34 =	vld.idx.msk [tilespmem:v34+s2+$0x0], $0xffff;
	v49 =	vadd.s32 v3, v22  }
0x385: {  	v45 =	vadd.s32 v3, v20;
	v20 =	vshra.s32 v47, $0xE;
	v47 =	vand.u32 $0x3FFF, v47;
	v36 =	vld.idx.msk [tilespmem:v36+s2+$0x0], $0xffff  }
0x386: {  	v24 =	vadd.s32 v0, v24;
	v25 =	vadd.s32 v0, v25;
	v50 =	vadd.s32 v3, v20;
	v39 =	vld.idx.msk [tilespmem:v39+s2+$0x0], $0xffff  }
0x387: {  	v28 =	vadd.s32 v0, v28;
	v31 =	vadd.s32 v0, v31;
	v33 =	vadd.s32 v0, v33;
	v40 =	vld.idx.msk [tilespmem:v40+s2+$0x0], $0xffff  }
0x388: {  	v35 =	vadd.s32 v0, v35;
	v37 =	vadd.s32 v0, v37;
	v23 =	vadd.s32 v0, v23;
	v42 =	vld.idx.msk [tilespmem:v42+s2+$0x0], $0xffff  }
0x389: {  	v22 =	vadd.s32 v0, v43;
	v21 =	vadd.s32 v0, v21;
	v20 =	vadd.s32 v0, v47;
	v44 =	vld.idx.msk [tilespmem:v44+s2+$0x0], $0xffff  }
0x38a: {  	v43 =	vld.idx.msk [tilespmem:v46+s2+$0x0], $0xffff  }
0x38b: {  	v41 =	vld.idx.msk [tilespmem:v41+s2+$0x0], $0xffff  }
0x38c: {  	v46 =	vld.idx.msk [tilespmem:v49+s2+$0x0], $0xffff  }
0x38d: {  	v45 =	vld.idx.msk [tilespmem:v45+s2+$0x0], $0xffff  }
0x38e: {  	v47 =	vld.idx.msk [tilespmem:v50+s2+$0x0], $0xffff  }
0x38f: {  	v27 =	vld.idx.msk [tilespmem:v27+s2+$0x0], $0xffff  }
0x390: {  	v19 =	vld.idx.msk [tilespmem:v19+s31+$0x0], $0xffff  }
0x391: {  	v6 =	vld.idx.msk [tilespmem:v6+s31+$0x0], $0xffff  }
0x392: {  	v10 =	vld.idx.msk [tilespmem:v10+s31+$0x0], $0xffff  }
0x393: {  	v7 =	vld.idx.msk [tilespmem:v7+s31+$0x0], $0xffff  }
0x394: {  	v16 =	vld.idx.msk [tilespmem:v16+s31+$0x0], $0xffff  }
0x395: {  	v15 =	vld.idx.msk [tilespmem:v15+s31+$0x0], $0xffff  }
0x396: {  	v19 =	vmul.f32 v38, v19;
	v11 =	vld.idx.msk [tilespmem:v11+s31+$0x0], $0xffff  }
0x397: {  	v6 =	vmul.f32 v30, v6;
	v17 =	vld.idx.msk [tilespmem:v17+s31+$0x0], $0xffff  }
0x398: {  	v10 =	vmul.f32 v29, v10;
	v12 =	vld.idx.msk [tilespmem:v12+s31+$0x0], $0xffff  }
0x399: {  	v29 =	vmul.f32 v34, v7;
	v7 =	vld.idx.msk [tilespmem:v8+s31+$0x0], $0xffff  }
0x39a: {  	v8 =	vmul.f32 v36, v16;
	v16 =	vld.idx.msk [tilespmem:v18+s31+$0x0], $0xffff  }
0x39b: {  	v15 =	vmul.f32 v39, v15;
	v13 =	vld.idx.msk [tilespmem:v13+s31+$0x0], $0xffff  }
0x39c: {  	v18 =	vmul.f32 v40, v11;
	v9 =	vld.idx.msk [tilespmem:v9+s31+$0x0], $0xffff  }
0x39d: {  	v17 =	vmul.f32 v42, v17;
	v14 =	vld.idx.msk [tilespmem:v14+s31+$0x0], $0xffff  }
0x39e: {  	v12 =	vmul.f32 v44, v12;
	v5 =	vld.idx.msk [tilespmem:v5+s31+$0x0], $0xffff  }
0x39f: {  	[tilespmem:v26+s2+$0x0] =	vst.idx.add.f32.msk $0xffff, v19;
	v19 =	vmul.f32 v43, v7  }
0x3a0: {  	[tilespmem:v48+s2+$0x0] =	vst.idx.add.f32.msk $0xffff, v6;
	v6 =	vmul.f32 v41, v16  }
0x3a1: {  	v7 =	vmul.f32 v46, v13;
	[tilespmem:v32+s2+$0x0] =	vst.idx.add.f32.msk $0xffff, v10  }
0x3a2: {  	v11 =	vmul.f32 v45, v9;
	[tilespmem:v24+s2+$0x0] =	vst.idx.add.f32.msk $0xffff, v29  }
0x3a3: {  	[tilespmem:v25+s2+$0x0] =	vst.idx.add.f32.msk $0xffff, v8;
	v8 =	vmul.f32 v47, v14  }
.Ltmp16:
0x3a4: {  	v9 =	vmul.f32 v27, v5;
	[tilespmem:v28+s2+$0x0] =	vst.idx.add.f32.msk $0xffff, v15;
	(pc) =	sbr.rel @p0 .LBB2_33-.Ltmp16, $4  }
0x3a5: {  	[tilespmem:v31+s2+$0x0] =	vst.idx.add.f32.msk $0xffff, v18  }
0x3a6: {  	[tilespmem:v33+s2+$0x0] =	vst.idx.add.f32.msk $0xffff, v17  }
0x3a7: {  	[tilespmem:v35+s2+$0x0] =	vst.idx.add.f32.msk $0xffff, v12  }
0x3a8: {  	s8 =	sadd.s32 $0x40, s8;
	[tilespmem:v37+s2+$0x0] =	vst.idx.add.f32.msk $0xffff, v19  }
0x3a9: {  	_ =	sdelay $0x1  }
0x3aa: {  	s29 =	sadd.s32 $0x1, s29  }
0x3ab: {  	p0 =	sne.s32 s29, $0x14  }
.Ltmp17:
0x3ac: {  	[tilespmem:v23+s2+$0x0] =	vst.idx.add.f32.msk $0xffff, v6;
	(pc) =	sbr.rel @p0 .LBB2_32-.Ltmp17, $4  }
0x3ad: {  	[tilespmem:v22+s2+$0x0] =	vst.idx.add.f32.msk $0xffff, v7  }
0x3ae: {  	[tilespmem:v21+s2+$0x0] =	vst.idx.add.f32.msk $0xffff, v11  }
0x3af: {  	[tilespmem:v20+s2+$0x0] =	vst.idx.add.f32.msk $0xffff, v8  }
0x3b0: {  	[tilespmem:v4+s2+$0x0] =	vst.idx.add.f32.msk $0xffff, v9  }
0x3b1: {  	s7 =	simm.s32 $0x11170  }
0x3b2: {  	[tilespmem:s7], [sflag:$0x1] =	stream.linear.gather [hbm4b:s10+s2], $0x2710, $0x38;
	[tilespmem:$0x17800] =	vst v63  }
0x3b3: {  	_ =	swait.ge [sflag:s28], $0x2710  }
0x3b4: {  	[sflag:s28] =	ssyncset.done $0x0  }
0x3b5: {  	s7 =	simm.s32 $0x9C40;
	[sflag:s28] =	ssyncadd.s32 $0xFFFFD8F0  }
0x3b6: {  	[tilespmem:s7], [sflag:$0x1] =	stream.linear.gather [hbm4b:s23+s2], $0x2710, $0x38;
	[tilespmem:$0x17800] =	vst v63  }
0x3b7: {  	_ =	swait.ge [sflag:s28], $0x2710  }
0x3b8: {  	[sflag:s28] =	ssyncset.done $0x0  }
0x3b9: {  	[sflag:s28] =	ssyncadd.s32 $0xFFFFD8F0  }
0x3ba: {  	v5 =	vld [tilespmem:s7+$0x75A0]  }
0x3bb: {  	v6 =	vld [tilespmem:s7+$0x70]  }
0x3bc: {  	v4 =	vld [tilespmem:s7+$0x0]  }
0x3bd: {  	v7 =	vld [tilespmem:s7+$0x7540]  }
0x3be: {  	v8 =	vld [tilespmem:s7+$0x10]  }
0x3bf: {  	v9 =	vld [tilespmem:s7+$0x7550]  }
0x3c0: {  	v10 =	vld [tilespmem:s7+$0x20]  }
0x3c1: {  	v11 =	vld [tilespmem:s7+$0x7560]  }
0x3c2: {  	v12 =	vld [tilespmem:s7+$0x30]  }
0x3c3: {  	v13 =	vld [tilespmem:s7+$0x7570]  }
0x3c4: {  	v14 =	vld [tilespmem:s7+$0x40];
	v6 =	vadd.f32 v6, v5  }
0x3c5: {  	v8 =	vadd.f32 v8, v7;
	v5 =	vld [tilespmem:s7+$0x7580]  }
0x3c6: {  	v9 =	vadd.f32 v10, v9;
	v7 =	vld [tilespmem:s7+$0x50];
	[tilespmem:s7+$0x75A0] =	vst v6  }
0x3c7: {  	v10 =	vadd.f32 v12, v11;
	[tilespmem:s7+$0x7540] =	vst v8;
	v6 =	vld [tilespmem:s7+$0x7590]  }
0x3c8: {  	[tilespmem:s7+$0x7550] =	vst v9;
	v9 =	vld [tilespmem:s7+$0x60]  }
0x3c9: {  	s8 =	simm.s32 $0x0;
	s9 =	simm.s32 $0x9CC0;
	v8 =	vld [tilespmem:s7+$0x7530];
	[tilespmem:s7+$0x7560] =	vst v10;
	v10 =	vadd.f32 v14, v13  }
.LBB2_36:
0x3ca: {  	v11 =	vld [tilespmem:s9+$0x75A0]  }
0x3cb: {  	s8 =	sadd.s32 $0x8, s8;
	v12 =	vld [tilespmem:s9+$0x70];
	[tilespmem:s7+$0x7570] =	vst v10;
	v5 =	vadd.f32 v7, v5  }
0x3cc: {  	p0 =	slt.u32 s8, $0x268;
	v7 =	vld [tilespmem:s9+$0x0]  }
0x3cd: {  	v10 =	vld [tilespmem:s9+$0x7540];
	[tilespmem:s7+$0x7580] =	vst v5;
	v5 =	vadd.f32 v9, v6  }
0x3ce: {  	v6 =	vld [tilespmem:s9+$0x10];
	v13 =	vadd.f32 v4, v8  }
0x3cf: {  	v8 =	vld [tilespmem:s9+$0x7550];
	[tilespmem:s7+$0x7590] =	vst v5  }
0x3d0: {  	v5 =	vld [tilespmem:s9+$0x20];
	v9 =	vadd.f32 v12, v11;
	[tilespmem:s7+$0x7530] =	vst v13;
	s7 =	smov.u32 s9  }
0x3d1: {  	v11 =	vld [tilespmem:s9+$0x7560];
	v4 =	vmov v7  }
0x3d2: {  	v12 =	vld [tilespmem:s9+$0x30];
	[tilespmem:s9+$0x75A0] =	vst v9  }
0x3d3: {  	v6 =	vadd.f32 v6, v10;
	v10 =	vld [tilespmem:s9+$0x7570]  }
0x3d4: {  	v13 =	vld [tilespmem:s9+$0x40]  }
.Ltmp18:
0x3d5: {  	[tilespmem:s9+$0x7540] =	vst v6;
	v6 =	vadd.f32 v5, v8;
	v5 =	vld [tilespmem:s9+$0x7580];
	(pc) =	sbr.rel @p0 .LBB2_36-.Ltmp18, $4  }
0x3d6: {  	v7 =	vld [tilespmem:s9+$0x50]  }
0x3d7: {  	[tilespmem:s9+$0x7550] =	vst v6;
	v11 =	vadd.f32 v12, v11;
	v6 =	vld [tilespmem:s9+$0x7590]  }
0x3d8: {  	v9 =	vld [tilespmem:s9+$0x60]  }
0x3d9: {  	s9 =	sadd.s32 $0x80, s9;
	v8 =	vld [tilespmem:s7+$0x7530];
	[tilespmem:s7+$0x7560] =	vst v11;
	v10 =	vadd.f32 v13, v10  }
0x3da: {  	_ =	sdelay $0x1  }
0x3db: {  	v5 =	vadd.f32 v7, v5  }
0x3dc: {  	[tilespmem:s7+$0x7570] =	vst v10;
	v6 =	vadd.f32 v9, v6  }
0x3dd: {  	[tilespmem:s7+$0x7580] =	vst v5;
	v4 =	vadd.f32 v4, v8  }
0x3de: {  	[tilespmem:s7+$0x7590] =	vst v6  }
0x3df: {  	[tilespmem:s7+$0x7530] =	vst v4  }
0x3e0: {  	v4 =	vld [tilespmem:$0x13870]  }
0x3e1: {  	v5 =	vld [tilespmem:$0xC340];
	_ =	sdelay $0x4  }
0x3e2: {  	v4 =	vadd.f32 v5, v4;
	_ =	sdelay $0x1  }
0x3e3: {  	s7 =	simm.s32 $0x9C40;
	[tilespmem:$0x13870] =	vst v4  }
0x3e4: {  	[tilespmem:s7], [sflag:$0x1] =	stream.linear.gather [hbm4b:s24+s2], $0x2710, $0x38;
	[tilespmem:$0x17800] =	vst v63  }
0x3e5: {  	_ =	swait.ge [sflag:s28], $0x2710  }
0x3e6: {  	[sflag:s28] =	ssyncset.done $0x0  }
0x3e7: {  	[sflag:s28] =	ssyncadd.s32 $0xFFFFD8F0  }
0x3e8: {  	v5 =	vld [tilespmem:s7+$0x75A0]  }
0x3e9: {  	v6 =	vld [tilespmem:s7+$0x70]  }
0x3ea: {  	v4 =	vld [tilespmem:s7+$0x0]  }
0x3eb: {  	v7 =	vld [tilespmem:s7+$0x7540]  }
0x3ec: {  	v8 =	vld [tilespmem:s7+$0x10]  }
0x3ed: {  	v9 =	vld [tilespmem:s7+$0x7550]  }
0x3ee: {  	v10 =	vld [tilespmem:s7+$0x20]  }
0x3ef: {  	v11 =	vld [tilespmem:s7+$0x7560]  }
0x3f0: {  	v12 =	vld [tilespmem:s7+$0x30]  }
0x3f1: {  	v13 =	vld [tilespmem:s7+$0x7570]  }
0x3f2: {  	v14 =	vld [tilespmem:s7+$0x40];
	v6 =	vadd.f32 v6, v5  }
0x3f3: {  	v8 =	vadd.f32 v8, v7;
	v5 =	vld [tilespmem:s7+$0x7580]  }
0x3f4: {  	v9 =	vadd.f32 v10, v9;
	v7 =	vld [tilespmem:s7+$0x50];
	[tilespmem:s7+$0x75A0] =	vst v6  }
0x3f5: {  	v10 =	vadd.f32 v12, v11;
	[tilespmem:s7+$0x7540] =	vst v8;
	v6 =	vld [tilespmem:s7+$0x7590]  }
0x3f6: {  	[tilespmem:s7+$0x7550] =	vst v9;
	v9 =	vld [tilespmem:s7+$0x60]  }
0x3f7: {  	s8 =	simm.s32 $0x0;
	s9 =	simm.s32 $0x9CC0;
	v8 =	vld [tilespmem:s7+$0x7530];
	[tilespmem:s7+$0x7560] =	vst v10;
	v10 =	vadd.f32 v14, v13  }
.LBB2_38:
0x3f8: {  	v11 =	vld [tilespmem:s9+$0x75A0]  }
0x3f9: {  	s8 =	sadd.s32 $0x8, s8;
	v12 =	vld [tilespmem:s9+$0x70];
	[tilespmem:s7+$0x7570] =	vst v10;
	v5 =	vadd.f32 v7, v5  }
0x3fa: {  	p0 =	slt.u32 s8, $0x268;
	v7 =	vld [tilespmem:s9+$0x0]  }
0x3fb: {  	v10 =	vld [tilespmem:s9+$0x7540];
	[tilespmem:s7+$0x7580] =	vst v5;
	v5 =	vadd.f32 v9, v6  }
0x3fc: {  	v6 =	vld [tilespmem:s9+$0x10];
	v13 =	vadd.f32 v4, v8  }
0x3fd: {  	v8 =	vld [tilespmem:s9+$0x7550];
	[tilespmem:s7+$0x7590] =	vst v5  }
0x3fe: {  	v5 =	vld [tilespmem:s9+$0x20];
	v9 =	vadd.f32 v12, v11;
	[tilespmem:s7+$0x7530] =	vst v13;
	s7 =	smov.u32 s9  }
0x3ff: {  	v11 =	vld [tilespmem:s9+$0x7560];
	v4 =	vmov v7  }
0x400: {  	v12 =	vld [tilespmem:s9+$0x30];
	[tilespmem:s9+$0x75A0] =	vst v9  }
0x401: {  	v6 =	vadd.f32 v6, v10;
	v10 =	vld [tilespmem:s9+$0x7570]  }
0x402: {  	v13 =	vld [tilespmem:s9+$0x40]  }
.Ltmp19:
0x403: {  	[tilespmem:s9+$0x7540] =	vst v6;
	v6 =	vadd.f32 v5, v8;
	v5 =	vld [tilespmem:s9+$0x7580];
	(pc) =	sbr.rel @p0 .LBB2_38-.Ltmp19, $4  }
0x404: {  	v7 =	vld [tilespmem:s9+$0x50]  }
0x405: {  	[tilespmem:s9+$0x7550] =	vst v6;
	v11 =	vadd.f32 v12, v11;
	v6 =	vld [tilespmem:s9+$0x7590]  }
0x406: {  	v9 =	vld [tilespmem:s9+$0x60]  }
0x407: {  	s9 =	sadd.s32 $0x80, s9;
	v8 =	vld [tilespmem:s7+$0x7530];
	[tilespmem:s7+$0x7560] =	vst v11;
	v10 =	vadd.f32 v13, v10  }
0x408: {  	_ =	sdelay $0x1  }
0x409: {  	v5 =	vadd.f32 v7, v5  }
0x40a: {  	[tilespmem:s7+$0x7570] =	vst v10;
	v6 =	vadd.f32 v9, v6  }
0x40b: {  	[tilespmem:s7+$0x7580] =	vst v5;
	v4 =	vadd.f32 v4, v8  }
0x40c: {  	[tilespmem:s7+$0x7590] =	vst v6  }
0x40d: {  	[tilespmem:s7+$0x7530] =	vst v4  }
0x40e: {  	v4 =	vld [tilespmem:$0x13870]  }
0x40f: {  	v5 =	vld [tilespmem:$0xC340];
	_ =	sdelay $0x4  }
0x410: {  	v4 =	vadd.f32 v5, v4;
	_ =	sdelay $0x1  }
0x411: {  	s7 =	simm.s32 $0x9C40;
	[tilespmem:$0x13870] =	vst v4  }
0x412: {  	[tilespmem:s7], [sflag:$0x1] =	stream.linear.gather [hbm4b:s25+s2], $0x2710, $0x38;
	[tilespmem:$0x17800] =	vst v63  }
0x413: {  	_ =	swait.ge [sflag:s28], $0x2710  }
0x414: {  	[sflag:s28] =	ssyncset.done $0x0  }
0x415: {  	[sflag:s28] =	ssyncadd.s32 $0xFFFFD8F0  }
0x416: {  	v5 =	vld [tilespmem:s7+$0x75A0]  }
0x417: {  	v6 =	vld [tilespmem:s7+$0x70]  }
0x418: {  	v4 =	vld [tilespmem:s7+$0x0]  }
0x419: {  	v7 =	vld [tilespmem:s7+$0x7540]  }
0x41a: {  	v8 =	vld [tilespmem:s7+$0x10]  }
0x41b: {  	v9 =	vld [tilespmem:s7+$0x7550]  }
0x41c: {  	v10 =	vld [tilespmem:s7+$0x20]  }
0x41d: {  	v11 =	vld [tilespmem:s7+$0x7560]  }
0x41e: {  	v12 =	vld [tilespmem:s7+$0x30]  }
0x41f: {  	v13 =	vld [tilespmem:s7+$0x7570]  }
0x420: {  	v14 =	vld [tilespmem:s7+$0x40];
	v6 =	vadd.f32 v6, v5  }
0x421: {  	v8 =	vadd.f32 v8, v7;
	v5 =	vld [tilespmem:s7+$0x7580]  }
0x422: {  	v9 =	vadd.f32 v10, v9;
	v7 =	vld [tilespmem:s7+$0x50];
	[tilespmem:s7+$0x75A0] =	vst v6  }
0x423: {  	v10 =	vadd.f32 v12, v11;
	[tilespmem:s7+$0x7540] =	vst v8;
	v6 =	vld [tilespmem:s7+$0x7590]  }
0x424: {  	[tilespmem:s7+$0x7550] =	vst v9;
	v9 =	vld [tilespmem:s7+$0x60]  }
0x425: {  	s8 =	simm.s32 $0x0;
	s9 =	simm.s32 $0x9CC0;
	v8 =	vld [tilespmem:s7+$0x7530];
	[tilespmem:s7+$0x7560] =	vst v10;
	v10 =	vadd.f32 v14, v13  }
.LBB2_40:
0x426: {  	v11 =	vld [tilespmem:s9+$0x75A0]  }
0x427: {  	s8 =	sadd.s32 $0x8, s8;
	v12 =	vld [tilespmem:s9+$0x70];
	[tilespmem:s7+$0x7570] =	vst v10;
	v5 =	vadd.f32 v7, v5  }
0x428: {  	p0 =	slt.u32 s8, $0x268;
	v7 =	vld [tilespmem:s9+$0x0]  }
0x429: {  	v10 =	vld [tilespmem:s9+$0x7540];
	[tilespmem:s7+$0x7580] =	vst v5;
	v5 =	vadd.f32 v9, v6  }
0x42a: {  	v6 =	vld [tilespmem:s9+$0x10];
	v13 =	vadd.f32 v4, v8  }
0x42b: {  	v8 =	vld [tilespmem:s9+$0x7550];
	[tilespmem:s7+$0x7590] =	vst v5  }
0x42c: {  	v5 =	vld [tilespmem:s9+$0x20];
	v9 =	vadd.f32 v12, v11;
	[tilespmem:s7+$0x7530] =	vst v13;
	s7 =	smov.u32 s9  }
0x42d: {  	v11 =	vld [tilespmem:s9+$0x7560];
	v4 =	vmov v7  }
0x42e: {  	v12 =	vld [tilespmem:s9+$0x30];
	[tilespmem:s9+$0x75A0] =	vst v9  }
0x42f: {  	v6 =	vadd.f32 v6, v10;
	v10 =	vld [tilespmem:s9+$0x7570]  }
0x430: {  	v13 =	vld [tilespmem:s9+$0x40]  }
.Ltmp20:
0x431: {  	[tilespmem:s9+$0x7540] =	vst v6;
	v6 =	vadd.f32 v5, v8;
	v5 =	vld [tilespmem:s9+$0x7580];
	(pc) =	sbr.rel @p0 .LBB2_40-.Ltmp20, $4  }
0x432: {  	v7 =	vld [tilespmem:s9+$0x50]  }
0x433: {  	[tilespmem:s9+$0x7550] =	vst v6;
	v11 =	vadd.f32 v12, v11;
	v6 =	vld [tilespmem:s9+$0x7590]  }
0x434: {  	v9 =	vld [tilespmem:s9+$0x60]  }
0x435: {  	s9 =	sadd.s32 $0x80, s9;
	v8 =	vld [tilespmem:s7+$0x7530];
	[tilespmem:s7+$0x7560] =	vst v11;
	v10 =	vadd.f32 v13, v10  }
0x436: {  	_ =	sdelay $0x1  }
0x437: {  	v5 =	vadd.f32 v7, v5  }
0x438: {  	[tilespmem:s7+$0x7570] =	vst v10;
	v6 =	vadd.f32 v9, v6  }
0x439: {  	[tilespmem:s7+$0x7580] =	vst v5;
	v4 =	vadd.f32 v4, v8  }
0x43a: {  	[tilespmem:s7+$0x7590] =	vst v6  }
0x43b: {  	[tilespmem:s7+$0x7530] =	vst v4  }
0x43c: {  	v4 =	vld [tilespmem:$0x13870]  }
0x43d: {  	v5 =	vld [tilespmem:$0xC340];
	_ =	sdelay $0x4  }
0x43e: {  	v4 =	vadd.f32 v5, v4;
	_ =	sdelay $0x1  }
0x43f: {  	s7 =	simm.s32 $0x0;
	[tilespmem:$0x13870] =	vst v4  }
0x440: {  	[tilespmem:s1], [sflag:$0x1] =	stream.linear.gather [hbm4b:s15+s7], $0x10, $0x38;
	[tilespmem:$0x17800] =	vst v63  }
0x441: {  	_ =	swait.ge [sflag:s28], $0x10  }
0x442: {  	[sflag:s28] =	ssyncset.done $0x0  }
0x443: {  	[sflag:s28] =	ssyncadd.s32 $0xFFFFFFF0  }
0x444: {  	v6 =	vld [tilespmem:s7+$0x111E0]  }
0x445: {  	v4 =	vld [tilespmem:$0x17780]  }
0x446: {  	v5 =	vld [tilespmem:s7+$0x11170]  }
0x447: {  	v7 =	vld [tilespmem:s7+$0x11180]  }
0x448: {  	v8 =	vld [tilespmem:s7+$0x11190]  }
0x449: {  	v9 =	vld [tilespmem:s7+$0x111A0];
	(erf) = vrcp.f32 v6  }
0x44a: {  	v10 =	vld [tilespmem:s7+$0x111B0]  }
0x44b: {  	v11 =	vld [tilespmem:s7+$0x111C0]  }
0x44c: {  	v12 =	vld [tilespmem:s7+$0x111D0];
	(erf) = vrcp.f32 v5  }
0x44d: {  	v13 =	vld [tilespmem:s7+$0x10];
	(erf) = vrcp.f32 v7  }
0x44e: {  	v15 =	vld [tilespmem:s7+$0x70];
	(erf) = vrcp.f32 v8  }
0x44f: {  	v14 =	vld [tilespmem:s7+$0x20];
	(erf) = vrcp.f32 v9  }
0x450: {  	v16 =	vld [tilespmem:s7+$0x30];
	(erf) = vrcp.f32 v10  }
0x451: {  	v17 =	vld [tilespmem:s7+$0x40];
	(erf) = vrcp.f32 v11  }
0x452: {  	vm4 =	vgt.f32 v5, $0.0e+00;
	vm5 =	vgt.f32 v7, $0.0e+00;
	v7 =	vld [tilespmem:s7+$0x0];
	(erf) = vrcp.f32 v12;
	v5 =	vpop (erf)  }
0x453: {  	v18 =	vld [tilespmem:s7+$0x50];
	vm6 =	vgt.f32 v8, $0.0e+00;
	v8 =	vmul.f32 v5, v15  }
0x454: {  	s8 =	simm.s32 $0x80;
	v19 =	vld [tilespmem:s7+$0x60];
	vm7 =	vgt.f32 v6, $0.0e+00  }
0x455: {  	vm3 =	vgt.f32 v9, $0.0e+00;
	v9 =	vpop (erf);
	v5 =	vld [tilespmem:s8+$0x111E0];
	v8 =	vnsel vm7, $0x0, v8  }
0x456: {  	vm2 =	vgt.f32 v10, $0.0e+00;
	vm0 =	vgt.f32 v11, $0.0e+00;
	v10 =	vld [tilespmem:s8+$0x11170];
	v6 =	vpop (erf)  }
0x457: {  	vm1 =	vgt.f32 v12, $0.0e+00;
	vm4 =	vmmov vm4;
	v12 =	vld [tilespmem:s8+$0x11180];
	v7 =	vmul.f32 v9, v7;
	v11 =	vpop (erf)  }
0x458: {  	v6 =	vmul.f32 v6, v13;
	v11 =	vmul.f32 v11, v14;
	v13 =	vadd.f32 v8, v4;
	v14 =	vld [tilespmem:s8+$0x11190];
	v8 =	vpop (erf)  }
0x459: {  	v7 =	vnsel vm4, $0x0, v7;
	v8 =	vmul.f32 v8, v16;
	v15 =	vpop (erf);
	v16 =	vld [tilespmem:s8+$0x111A0]  }
0x45a: {  	v20 =	vnsel vm6, $0x0, v11;
	v11 =	vmul.f32 v15, v17;
	v9 =	vpop (erf);
	v15 =	vld [tilespmem:s8+$0x111B0];
	(erf) = vrcp.f32 v5  }
0x45b: {  	vm6 =	vgt.f32 v10, $0.0e+00;
	v17 =	vmul.f32 v9, v18;
	v9 =	vpop (erf);
	(erf) = vrcp.f32 v10;
	v10 =	vld [tilespmem:s8+$0x111C0]  }
0x45c: {  	v21 =	vld [tilespmem:s8+$0x111D0];
	v6 =	vnsel vm5, $0x0, v6;
	vm5 =	vgt.f32 v12, $0.0e+00;
	(erf) = vrcp.f32 v12  }
0x45d: {  	v22 =	vld [tilespmem:s8+$0x70];
	v7 =	vadd.f32 v7, v4;
	[tilespmem:s7+$0x70] =	vst v13;
	v13 =	vadd.f32 v6, v4;
	(erf) = vrcp.f32 v14  }
0x45e: {  	v6 =	vld [tilespmem:s8+$0x50];
	v20 =	vadd.f32 v20, v4;
	vm6 =	vmmov vm6;
	(erf) = vrcp.f32 v16  }
0x45f: {  	[tilespmem:s7+$0x0] =	vst v7;
	v7 =	vld [tilespmem:s8+$0x60];
	v18 =	vnsel vm3, $0x0, v8;
	vm4 =	vgt.f32 v14, $0.0e+00;
	(erf) = vrcp.f32 v15  }
0x460: {  	[tilespmem:s7+$0x10] =	vst v13;
	v13 =	vld [tilespmem:s8+$0x0];
	v19 =	vmul.f32 v9, v19;
	v12 =	vnsel vm2, $0x0, v11;
	(erf) = vrcp.f32 v10  }
0x461: {  	v9 =	vld [tilespmem:s8+$0x10];
	vm2 =	vgt.f32 v21, $0.0e+00;
	v14 =	vnsel vm0, $0x0, v17;
	(erf) = vrcp.f32 v21  }
0x462: {  	v8 =	vld [tilespmem:s8+$0x20];
	v17 =	vadd.f32 v18, v4;
	vm3 =	vgt.f32 v16, $0.0e+00;
	v19 =	vnsel vm1, $0x0, v19  }
0x463: {  	v11 =	vld [tilespmem:s8+$0x30];
	v16 =	vadd.f32 v12, v4;
	v12 =	vadd.f32 v14, v4;
	vm0 =	vgt.f32 v15, $0.0e+00;
	v15 =	vpop (erf)  }
0x464: {  	s29 =	simm.s32 $0x8;
	s9 =	simm.s32 $0x100;
	[tilespmem:s7+$0x20] =	vst v20;
	v14 =	vadd.f32 v19, v4;
	vm1 =	vgt.f32 v10, $0.0e+00;
	v10 =	vld [tilespmem:s8+$0x40];
	v18 =	vmul.f32 v15, v22;
	v15 =	vpop (erf)  }
.LBB2_42:
0x465: {  	s29 =	sadd.s32 $0x8, s29;
	vm7 =	vgt.f32 v5, $0.0e+00;
	v5 =	vld [tilespmem:s9+$0x111E0];
	v19 =	vpop (erf);
	[tilespmem:s7+$0x30] =	vst v17  }
0x466: {  	v17 =	vld [tilespmem:s9+$0x11170];
	p0 =	slt.u32 s29, $0x268;
	v9 =	vmul.f32 v19, v9;
	v18 =	vnsel vm7, $0x0, v18;
	v19 =	vpop (erf);
	[tilespmem:s7+$0x40] =	vst v16  }
0x467: {  	v16 =	vld [tilespmem:s9+$0x11180];
	v8 =	vmul.f32 v19, v8;
	v18 =	vadd.f32 v18, v4;
	v19 =	vpop (erf);
	[tilespmem:s7+$0x50] =	vst v12  }
0x468: {  	v12 =	vld [tilespmem:s9+$0x11190];
	v20 =	vnsel vm5, $0x0, v9;
	v19 =	vmul.f32 v19, v11;
	v11 =	vpop (erf);
	[tilespmem:s7+$0x60] =	vst v14;
	s7 =	smov.u32 s8;
	s8 =	smov.u32 s9  }
0x469: {  	v14 =	vld [tilespmem:s9+$0x111A0];
	v13 =	vmul.f32 v15, v13;
	v15 =	vnsel vm4, $0x0, v8;
	v8 =	vmul.f32 v11, v10;
	[tilespmem:s7+$0x70] =	vst v18;
	v10 =	vpop (erf)  }
0x46a: {  	v11 =	vld [tilespmem:s9+$0x111B0];
	(erf) = vrcp.f32 v5;
	v18 =	vnsel vm3, $0x0, v19;
	v6 =	vmul.f32 v10, v6;
	v9 =	vpop (erf)  }
0x46b: {  	vm7 =	vgt.f32 v17, $0.0e+00;
	v10 =	vld [tilespmem:s9+$0x111C0];
	(erf) = vrcp.f32 v17;
	v7 =	vmul.f32 v9, v7  }
0x46c: {  	v13 =	vnsel vm6, $0x0, v13;
	vm5 =	vgt.f32 v16, $0.0e+00;
	v17 =	vld [tilespmem:s9+$0x111D0];
	(erf) = vrcp.f32 v16  }
0x46d: {  	v9 =	vld [tilespmem:s9+$0x10];
	vm4 =	vgt.f32 v12, $0.0e+00;
	(erf) = vrcp.f32 v12;
	v12 =	vnsel vm0, $0x0, v8  }
0x46e: {  	v8 =	vld [tilespmem:s9+$0x20];
	vm3 =	vgt.f32 v14, $0.0e+00;
	(erf) = vrcp.f32 v14;
	v14 =	vnsel vm1, $0x0, v6  }
0x46f: {  	v21 =	vnsel vm2, $0x0, v7;
	vm0 =	vgt.f32 v11, $0.0e+00;
	v19 =	vld [tilespmem:s9+$0x70];
	(erf) = vrcp.f32 v11  }
.Ltmp21:
0x470: {  	v7 =	vadd.f32 v13, v4;
	v11 =	vld [tilespmem:s9+$0x30];
	vm1 =	vgt.f32 v10, $0.0e+00;
	(erf) = vrcp.f32 v10;
	(pc) =	sbr.rel @p0 .LBB2_42-.Ltmp21, $4  }
0x471: {  	v13 =	vadd.f32 v20, v4;
	v10 =	vld [tilespmem:s9+$0x40];
	vm2 =	vgt.f32 v17, $0.0e+00;
	(erf) = vrcp.f32 v17  }
0x472: {  	vm6 =	vmmov vm7;
	v20 =	vadd.f32 v15, v4;
	v17 =	vadd.f32 v18, v4;
	v6 =	vld [tilespmem:s9+$0x50];
	[tilespmem:s7+$0x0] =	vst v7  }
0x473: {  	v16 =	vadd.f32 v12, v4;
	v12 =	vadd.f32 v14, v4;
	v7 =	vld [tilespmem:s9+$0x60];
	v15 =	vpop (erf);
	[tilespmem:s7+$0x10] =	vst v13  }
0x474: {  	v14 =	vadd.f32 v21, v4;
	s9 =	sadd.s32 $0x80, s9;
	v13 =	vld [tilespmem:s8+$0x0];
	v18 =	vmul.f32 v15, v19;
	v15 =	vpop (erf);
	[tilespmem:s7+$0x20] =	vst v20  }
0x475: {  	_ =	sdelay $0x2  }
0x476: {  	vm7 =	vgt.f32 v5, $0.0e+00;
	v5 =	vpop (erf)  }
0x477: {  	v5 =	vmul.f32 v5, v9;
	v9 =	vnsel vm7, $0x0, v18;
	v13 =	vmul.f32 v15, v13  }
0x478: {  	[tilespmem:s7+$0x30] =	vst v17;
	v9 =	vadd.f32 v9, v4  }
0x479: {  	[tilespmem:s7+$0x40] =	vst v16;
	v15 =	vpop (erf)  }
0x47a: {  	[tilespmem:s7+$0x50] =	vst v12;
	v5 =	vnsel vm5, $0x0, v5;
	v8 =	vmul.f32 v15, v8;
	v15 =	vpop (erf)  }
0x47b: {  	[tilespmem:s7+$0x60] =	vst v14;
	v5 =	vadd.f32 v5, v4;
	v12 =	vnsel vm6, $0x0, v13;
	v11 =	vmul.f32 v15, v11;
	v13 =	vpop (erf)  }
0x47c: {  	[tilespmem:s8+$0x70] =	vst v9;
	v12 =	vadd.f32 v12, v4;
	v8 =	vnsel vm4, $0x0, v8;
	v10 =	vmul.f32 v13, v10;
	v9 =	vpop (erf)  }
0x47d: {  	[tilespmem:s8+$0x10] =	vst v5;
	v11 =	vnsel vm3, $0x0, v11;
	v8 =	vadd.f32 v8, v4;
	v6 =	vmul.f32 v9, v6;
	v9 =	vpop (erf)  }
0x47e: {  	[tilespmem:s8+$0x0] =	vst v12;
	v7 =	vmul.f32 v9, v7;
	v9 =	vnsel vm0, $0x0, v10;
	v10 =	vadd.f32 v11, v4  }
0x47f: {  	[tilespmem:s8+$0x20] =	vst v8;
	v5 =	vnsel vm1, $0x0, v6;
	v6 =	vadd.f32 v9, v4  }
0x480: {  	v7 =	vnsel vm2, $0x0, v7;
	v5 =	vadd.f32 v5, v4;
	[tilespmem:s8+$0x30] =	vst v10  }
0x481: {  	v7 =	vadd.f32 v7, v4;
	[tilespmem:s8+$0x40] =	vst v6  }
0x482: {  	[tilespmem:s8+$0x50] =	vst v5  }
0x483: {  	[tilespmem:s8+$0x60] =	vst v7  }
0x484: {  	v5 =	vld [tilespmem:$0x13870];
	_ =	sdelay $0x4  }
0x485: {  	(erf) = vrcp.f32 v5;
	_ =	sdelay $0x4  }
0x486: {  	v6 =	vld [tilespmem:$0x2700];
	_ =	sdelay $0x3  }
0x487: {  	v7 =	vpop (erf)  }
0x488: {  	v6 =	vmul.f32 v7, v6  }
0x489: {  	vm0 =	vgt.f32 v5, $0.0e+00  }
0x48a: {  	v5 =	vnsel vm0, $0x0, v6  }
0x48b: {  	v4 =	vadd.f32 v5, v4;
	_ =	sdelay $0x1  }
0x48c: {  	[tilespmem:$0x2700] =	vst v4  }
0x48d: {  	[tilespmem:s1], [sflag:$0x1] =	stream.linear.gather [hbm4b:s16+s2], $0x10, $0x38;
	[tilespmem:$0x17800] =	vst v63  }
0x48e: {  	_ =	swait.ge [sflag:s28], $0x10  }
0x48f: {  	[sflag:s28] =	ssyncset.done $0x0  }
0x490: {  	s7 =	simm.s32 $0x11170;
	[sflag:s28] =	ssyncadd.s32 $0xFFFFFFF0  }
0x491: {  	v6 =	vld [tilespmem:s7+$0x70]  }
0x492: {  	v4 =	vld [tilespmem:$0x17780]  }
0x493: {  	v5 =	vld [tilespmem:s7+$0x0]  }
0x494: {  	v7 =	vld [tilespmem:s7+$0x10]  }
0x495: {  	v8 =	vld [tilespmem:s7+$0x20]  }
0x496: {  	v9 =	vld [tilespmem:s7+$0x30];
	(erf) = vrcp.f32 v6  }
0x497: {  	v10 =	vld [tilespmem:s7+$0x40]  }
0x498: {  	v11 =	vld [tilespmem:s7+$0x50]  }
0x499: {  	v12 =	vld [tilespmem:s7+$0x60];
	(erf) = vrcp.f32 v5  }
0x49a: {  	v13 =	vld [tilespmem:s7+$0xFFFF15B0];
	(erf) = vrcp.f32 v7  }
0x49b: {  	v15 =	vld [tilespmem:s7+$0xFFFF1610];
	(erf) = vrcp.f32 v8  }
0x49c: {  	v14 =	vld [tilespmem:s7+$0xFFFF15C0];
	(erf) = vrcp.f32 v9  }
0x49d: {  	v16 =	vld [tilespmem:s7+$0xFFFF15D0];
	(erf) = vrcp.f32 v10  }
0x49e: {  	v17 =	vld [tilespmem:s7+$0xFFFF15E0];
	(erf) = vrcp.f32 v11  }
0x49f: {  	vm4 =	vgt.f32 v5, $0.0e+00;
	vm5 =	vgt.f32 v7, $0.0e+00;
	v7 =	vld [tilespmem:s7+$0xFFFF15A0];
	(erf) = vrcp.f32 v12;
	v5 =	vpop (erf)  }
0x4a0: {  	v18 =	vld [tilespmem:s7+$0xFFFF15F0];
	vm6 =	vgt.f32 v8, $0.0e+00;
	v8 =	vmul.f32 v5, v15  }
0x4a1: {  	s8 =	simm.s32 $0x111F0;
	v19 =	vld [tilespmem:s7+$0xFFFF1600];
	vm7 =	vgt.f32 v6, $0.0e+00  }
0x4a2: {  	vm3 =	vgt.f32 v9, $0.0e+00;
	v9 =	vpop (erf);
	v5 =	vld [tilespmem:s8+$0x70];
	v8 =	vnsel vm7, $0x0, v8  }
0x4a3: {  	vm2 =	vgt.f32 v10, $0.0e+00;
	vm0 =	vgt.f32 v11, $0.0e+00;
	v10 =	vld [tilespmem:s8+$0x0];
	v6 =	vpop (erf)  }
0x4a4: {  	vm1 =	vgt.f32 v12, $0.0e+00;
	vm4 =	vmmov vm4;
	v12 =	vld [tilespmem:s8+$0x10];
	v7 =	vmul.f32 v9, v7;
	v11 =	vpop (erf)  }
0x4a5: {  	v6 =	vmul.f32 v6, v13;
	v11 =	vmul.f32 v11, v14;
	v13 =	vadd.f32 v8, v4;
	v14 =	vld [tilespmem:s8+$0x20];
	v8 =	vpop (erf)  }
0x4a6: {  	v7 =	vnsel vm4, $0x0, v7;
	v8 =	vmul.f32 v8, v16;
	v15 =	vpop (erf);
	v16 =	vld [tilespmem:s8+$0x30]  }
0x4a7: {  	v20 =	vnsel vm6, $0x0, v11;
	v11 =	vmul.f32 v15, v17;
	v9 =	vpop (erf);
	v15 =	vld [tilespmem:s8+$0x40];
	(erf) = vrcp.f32 v5  }
0x4a8: {  	vm6 =	vgt.f32 v10, $0.0e+00;
	v17 =	vmul.f32 v9, v18;
	v9 =	vpop (erf);
	(erf) = vrcp.f32 v10;
	v10 =	vld [tilespmem:s8+$0x50]  }
0x4a9: {  	v21 =	vld [tilespmem:s8+$0x60];
	v6 =	vnsel vm5, $0x0, v6;
	vm5 =	vgt.f32 v12, $0.0e+00;
	(erf) = vrcp.f32 v12  }
0x4aa: {  	v22 =	vld [tilespmem:s8+$0xFFFF1610];
	v7 =	vadd.f32 v7, v4;
	[tilespmem:s7+$0xFFFF1610] =	vst v13;
	v13 =	vadd.f32 v6, v4;
	(erf) = vrcp.f32 v14  }
0x4ab: {  	v6 =	vld [tilespmem:s8+$0xFFFF15F0];
	v20 =	vadd.f32 v20, v4;
	vm6 =	vmmov vm6;
	(erf) = vrcp.f32 v16  }
0x4ac: {  	[tilespmem:s7+$0xFFFF15A0] =	vst v7;
	v7 =	vld [tilespmem:s8+$0xFFFF1600];
	v18 =	vnsel vm3, $0x0, v8;
	vm4 =	vgt.f32 v14, $0.0e+00;
	(erf) = vrcp.f32 v15  }
0x4ad: {  	[tilespmem:s7+$0xFFFF15B0] =	vst v13;
	v13 =	vld [tilespmem:s8+$0xFFFF15A0];
	v19 =	vmul.f32 v9, v19;
	v12 =	vnsel vm2, $0x0, v11;
	(erf) = vrcp.f32 v10  }
0x4ae: {  	v9 =	vld [tilespmem:s8+$0xFFFF15B0];
	vm2 =	vgt.f32 v21, $0.0e+00;
	v14 =	vnsel vm0, $0x0, v17;
	(erf) = vrcp.f32 v21  }
0x4af: {  	v8 =	vld [tilespmem:s8+$0xFFFF15C0];
	v17 =	vadd.f32 v18, v4;
	vm3 =	vgt.f32 v16, $0.0e+00;
	v19 =	vnsel vm1, $0x0, v19  }
0x4b0: {  	v11 =	vld [tilespmem:s8+$0xFFFF15D0];
	v16 =	vadd.f32 v12, v4;
	v12 =	vadd.f32 v14, v4;
	vm0 =	vgt.f32 v15, $0.0e+00;
	v15 =	vpop (erf)  }
0x4b1: {  	s29 =	simm.s32 $0x8;
	s9 =	simm.s32 $0x11270;
	[tilespmem:s7+$0xFFFF15C0] =	vst v20;
	v14 =	vadd.f32 v19, v4;
	vm1 =	vgt.f32 v10, $0.0e+00;
	v10 =	vld [tilespmem:s8+$0xFFFF15E0];
	v18 =	vmul.f32 v15, v22;
	v15 =	vpop (erf)  }
.LBB2_44:
0x4b2: {  	s29 =	sadd.s32 $0x8, s29;
	vm7 =	vgt.f32 v5, $0.0e+00;
	v5 =	vld [tilespmem:s9+$0x70];
	v19 =	vpop (erf);
	[tilespmem:s7+$0xFFFF15D0] =	vst v17  }
0x4b3: {  	v17 =	vld [tilespmem:s9+$0x0];
	p0 =	slt.u32 s29, $0x268;
	v9 =	vmul.f32 v19, v9;
	v18 =	vnsel vm7, $0x0, v18;
	v19 =	vpop (erf);
	[tilespmem:s7+$0xFFFF15E0] =	vst v16  }
0x4b4: {  	v16 =	vld [tilespmem:s9+$0x10];
	v8 =	vmul.f32 v19, v8;
	v18 =	vadd.f32 v18, v4;
	v19 =	vpop (erf);
	[tilespmem:s7+$0xFFFF15F0] =	vst v12  }
0x4b5: {  	v12 =	vld [tilespmem:s9+$0x20];
	v20 =	vnsel vm5, $0x0, v9;
	v19 =	vmul.f32 v19, v11;
	v11 =	vpop (erf);
	[tilespmem:s7+$0xFFFF1600] =	vst v14;
	s7 =	smov.u32 s8;
	s8 =	smov.u32 s9  }
0x4b6: {  	v14 =	vld [tilespmem:s9+$0x30];
	v13 =	vmul.f32 v15, v13;
	v15 =	vnsel vm4, $0x0, v8;
	v8 =	vmul.f32 v11, v10;
	[tilespmem:s7+$0xFFFF1610] =	vst v18;
	v10 =	vpop (erf)  }
0x4b7: {  	v11 =	vld [tilespmem:s9+$0x40];
	(erf) = vrcp.f32 v5;
	v18 =	vnsel vm3, $0x0, v19;
	v6 =	vmul.f32 v10, v6;
	v9 =	vpop (erf)  }
0x4b8: {  	vm7 =	vgt.f32 v17, $0.0e+00;
	v10 =	vld [tilespmem:s9+$0x50];
	(erf) = vrcp.f32 v17;
	v7 =	vmul.f32 v9, v7  }
0x4b9: {  	v13 =	vnsel vm6, $0x0, v13;
	vm5 =	vgt.f32 v16, $0.0e+00;
	v17 =	vld [tilespmem:s9+$0x60];
	(erf) = vrcp.f32 v16  }
0x4ba: {  	v9 =	vld [tilespmem:s9+$0xFFFF15B0];
	vm4 =	vgt.f32 v12, $0.0e+00;
	(erf) = vrcp.f32 v12;
	v12 =	vnsel vm0, $0x0, v8  }
0x4bb: {  	v8 =	vld [tilespmem:s9+$0xFFFF15C0];
	vm3 =	vgt.f32 v14, $0.0e+00;
	(erf) = vrcp.f32 v14;
	v14 =	vnsel vm1, $0x0, v6  }
0x4bc: {  	v21 =	vnsel vm2, $0x0, v7;
	vm0 =	vgt.f32 v11, $0.0e+00;
	v19 =	vld [tilespmem:s9+$0xFFFF1610];
	(erf) = vrcp.f32 v11  }
.Ltmp22:
0x4bd: {  	v7 =	vadd.f32 v13, v4;
	v11 =	vld [tilespmem:s9+$0xFFFF15D0];
	vm1 =	vgt.f32 v10, $0.0e+00;
	(erf) = vrcp.f32 v10;
	(pc) =	sbr.rel @p0 .LBB2_44-.Ltmp22, $4  }
0x4be: {  	v13 =	vadd.f32 v20, v4;
	v10 =	vld [tilespmem:s9+$0xFFFF15E0];
	vm2 =	vgt.f32 v17, $0.0e+00;
	(erf) = vrcp.f32 v17  }
0x4bf: {  	vm6 =	vmmov vm7;
	v20 =	vadd.f32 v15, v4;
	v17 =	vadd.f32 v18, v4;
	v6 =	vld [tilespmem:s9+$0xFFFF15F0];
	[tilespmem:s7+$0xFFFF15A0] =	vst v7  }
0x4c0: {  	v16 =	vadd.f32 v12, v4;
	v12 =	vadd.f32 v14, v4;
	v7 =	vld [tilespmem:s9+$0xFFFF1600];
	v15 =	vpop (erf);
	[tilespmem:s7+$0xFFFF15B0] =	vst v13  }
0x4c1: {  	v14 =	vadd.f32 v21, v4;
	s9 =	sadd.s32 $0x80, s9;
	v13 =	vld [tilespmem:s8+$0xFFFF15A0];
	v18 =	vmul.f32 v15, v19;
	v15 =	vpop (erf);
	[tilespmem:s7+$0xFFFF15C0] =	vst v20  }
0x4c2: {  	_ =	sdelay $0x2  }
0x4c3: {  	vm7 =	vgt.f32 v5, $0.0e+00;
	v5 =	vpop (erf)  }
0x4c4: {  	v5 =	vmul.f32 v5, v9;
	v9 =	vnsel vm7, $0x0, v18;
	v13 =	vmul.f32 v15, v13  }
0x4c5: {  	[tilespmem:s7+$0xFFFF15D0] =	vst v17;
	v9 =	vadd.f32 v9, v4  }
0x4c6: {  	[tilespmem:s7+$0xFFFF15E0] =	vst v16;
	v15 =	vpop (erf)  }
0x4c7: {  	[tilespmem:s7+$0xFFFF15F0] =	vst v12;
	v5 =	vnsel vm5, $0x0, v5;
	v8 =	vmul.f32 v15, v8;
	v15 =	vpop (erf)  }
0x4c8: {  	[tilespmem:s7+$0xFFFF1600] =	vst v14;
	v5 =	vadd.f32 v5, v4;
	v12 =	vnsel vm6, $0x0, v13;
	v11 =	vmul.f32 v15, v11;
	v13 =	vpop (erf)  }
0x4c9: {  	[tilespmem:s8+$0xFFFF1610] =	vst v9;
	v12 =	vadd.f32 v12, v4;
	v8 =	vnsel vm4, $0x0, v8;
	v10 =	vmul.f32 v13, v10;
	v9 =	vpop (erf)  }
0x4ca: {  	[tilespmem:s8+$0xFFFF15B0] =	vst v5;
	v11 =	vnsel vm3, $0x0, v11;
	v8 =	vadd.f32 v8, v4;
	v6 =	vmul.f32 v9, v6;
	v9 =	vpop (erf)  }
0x4cb: {  	[tilespmem:s8+$0xFFFF15A0] =	vst v12;
	v7 =	vmul.f32 v9, v7;
	v9 =	vnsel vm0, $0x0, v10;
	v10 =	vadd.f32 v11, v4  }
0x4cc: {  	[tilespmem:s8+$0xFFFF15C0] =	vst v8;
	v5 =	vnsel vm1, $0x0, v6;
	v6 =	vadd.f32 v9, v4  }
0x4cd: {  	v7 =	vnsel vm2, $0x0, v7;
	v5 =	vadd.f32 v5, v4;
	[tilespmem:s8+$0xFFFF15D0] =	vst v10  }
0x4ce: {  	v7 =	vadd.f32 v7, v4;
	[tilespmem:s8+$0xFFFF15E0] =	vst v6  }
0x4cf: {  	[tilespmem:s8+$0xFFFF15F0] =	vst v5  }
0x4d0: {  	[tilespmem:s8+$0xFFFF1600] =	vst v7  }
0x4d1: {  	v5 =	vld [tilespmem:$0x13870];
	_ =	sdelay $0x4  }
0x4d2: {  	(erf) = vrcp.f32 v5;
	_ =	sdelay $0x4  }
0x4d3: {  	v6 =	vld [tilespmem:$0x4E10];
	_ =	sdelay $0x3  }
0x4d4: {  	v7 =	vpop (erf)  }
0x4d5: {  	v6 =	vmul.f32 v7, v6  }
0x4d6: {  	vm0 =	vgt.f32 v5, $0.0e+00  }
0x4d7: {  	v5 =	vnsel vm0, $0x0, v6  }
0x4d8: {  	v4 =	vadd.f32 v5, v4;
	_ =	sdelay $0x1  }
0x4d9: {  	[tilespmem:$0x4E10] =	vst v4  }
0x4da: {  	[tilespmem:s1], [sflag:$0x1] =	stream.linear.gather [hbm4b:s17+s2], $0x10, $0x38;
	[tilespmem:$0x17800] =	vst v63  }
0x4db: {  	_ =	swait.ge [sflag:s28], $0x10  }
0x4dc: {  	[sflag:s28] =	ssyncset.done $0x0  }
0x4dd: {  	s7 =	simm.s32 $0x11170;
	[sflag:s28] =	ssyncadd.s32 $0xFFFFFFF0  }
0x4de: {  	v6 =	vld [tilespmem:s7+$0x70]  }
0x4df: {  	v4 =	vld [tilespmem:$0x17780]  }
0x4e0: {  	v5 =	vld [tilespmem:s7+$0x0]  }
0x4e1: {  	v7 =	vld [tilespmem:s7+$0x10]  }
0x4e2: {  	v8 =	vld [tilespmem:s7+$0x20]  }
0x4e3: {  	v9 =	vld [tilespmem:s7+$0x30];
	(erf) = vrcp.f32 v6  }
0x4e4: {  	v10 =	vld [tilespmem:s7+$0x40]  }
0x4e5: {  	v11 =	vld [tilespmem:s7+$0x50]  }
0x4e6: {  	v12 =	vld [tilespmem:s7+$0x60];
	(erf) = vrcp.f32 v5  }
0x4e7: {  	v13 =	vld [tilespmem:s7+$0xFFFF3CC0];
	(erf) = vrcp.f32 v7  }
0x4e8: {  	v15 =	vld [tilespmem:s7+$0xFFFF3D20];
	(erf) = vrcp.f32 v8  }
0x4e9: {  	v14 =	vld [tilespmem:s7+$0xFFFF3CD0];
	(erf) = vrcp.f32 v9  }
0x4ea: {  	v16 =	vld [tilespmem:s7+$0xFFFF3CE0];
	(erf) = vrcp.f32 v10  }
0x4eb: {  	v17 =	vld [tilespmem:s7+$0xFFFF3CF0];
	(erf) = vrcp.f32 v11  }
0x4ec: {  	vm4 =	vgt.f32 v5, $0.0e+00;
	vm5 =	vgt.f32 v7, $0.0e+00;
	v7 =	vld [tilespmem:s7+$0xFFFF3CB0];
	(erf) = vrcp.f32 v12;
	v5 =	vpop (erf)  }
0x4ed: {  	v18 =	vld [tilespmem:s7+$0xFFFF3D00];
	vm6 =	vgt.f32 v8, $0.0e+00;
	v8 =	vmul.f32 v5, v15  }
0x4ee: {  	s8 =	simm.s32 $0x111F0;
	v19 =	vld [tilespmem:s7+$0xFFFF3D10];
	vm7 =	vgt.f32 v6, $0.0e+00  }
0x4ef: {  	vm3 =	vgt.f32 v9, $0.0e+00;
	v9 =	vpop (erf);
	v5 =	vld [tilespmem:s8+$0x70];
	v8 =	vnsel vm7, $0x0, v8  }
0x4f0: {  	vm2 =	vgt.f32 v10, $0.0e+00;
	vm0 =	vgt.f32 v11, $0.0e+00;
	v10 =	vld [tilespmem:s8+$0x0];
	v6 =	vpop (erf)  }
0x4f1: {  	vm1 =	vgt.f32 v12, $0.0e+00;
	vm4 =	vmmov vm4;
	v12 =	vld [tilespmem:s8+$0x10];
	v7 =	vmul.f32 v9, v7;
	v11 =	vpop (erf)  }
0x4f2: {  	v6 =	vmul.f32 v6, v13;
	v11 =	vmul.f32 v11, v14;
	v13 =	vadd.f32 v8, v4;
	v14 =	vld [tilespmem:s8+$0x20];
	v8 =	vpop (erf)  }
0x4f3: {  	v7 =	vnsel vm4, $0x0, v7;
	v8 =	vmul.f32 v8, v16;
	v15 =	vpop (erf);
	v16 =	vld [tilespmem:s8+$0x30]  }
0x4f4: {  	v20 =	vnsel vm6, $0x0, v11;
	v11 =	vmul.f32 v15, v17;
	v9 =	vpop (erf);
	v15 =	vld [tilespmem:s8+$0x40];
	(erf) = vrcp.f32 v5  }
0x4f5: {  	vm6 =	vgt.f32 v10, $0.0e+00;
	v17 =	vmul.f32 v9, v18;
	v9 =	vpop (erf);
	(erf) = vrcp.f32 v10;
	v10 =	vld [tilespmem:s8+$0x50]  }
0x4f6: {  	v21 =	vld [tilespmem:s8+$0x60];
	v6 =	vnsel vm5, $0x0, v6;
	vm5 =	vgt.f32 v12, $0.0e+00;
	(erf) = vrcp.f32 v12  }
0x4f7: {  	v22 =	vld [tilespmem:s8+$0xFFFF3D20];
	v7 =	vadd.f32 v7, v4;
	[tilespmem:s7+$0xFFFF3D20] =	vst v13;
	v13 =	vadd.f32 v6, v4;
	(erf) = vrcp.f32 v14  }
0x4f8: {  	v6 =	vld [tilespmem:s8+$0xFFFF3D00];
	v20 =	vadd.f32 v20, v4;
	vm6 =	vmmov vm6;
	(erf) = vrcp.f32 v16  }
0x4f9: {  	[tilespmem:s7+$0xFFFF3CB0] =	vst v7;
	v7 =	vld [tilespmem:s8+$0xFFFF3D10];
	v18 =	vnsel vm3, $0x0, v8;
	vm4 =	vgt.f32 v14, $0.0e+00;
	(erf) = vrcp.f32 v15  }
0x4fa: {  	[tilespmem:s7+$0xFFFF3CC0] =	vst v13;
	v13 =	vld [tilespmem:s8+$0xFFFF3CB0];
	v19 =	vmul.f32 v9, v19;
	v12 =	vnsel vm2, $0x0, v11;
	(erf) = vrcp.f32 v10  }
0x4fb: {  	v9 =	vld [tilespmem:s8+$0xFFFF3CC0];
	vm2 =	vgt.f32 v21, $0.0e+00;
	v14 =	vnsel vm0, $0x0, v17;
	(erf) = vrcp.f32 v21  }
0x4fc: {  	v8 =	vld [tilespmem:s8+$0xFFFF3CD0];
	v17 =	vadd.f32 v18, v4;
	vm3 =	vgt.f32 v16, $0.0e+00;
	v19 =	vnsel vm1, $0x0, v19  }
0x4fd: {  	v11 =	vld [tilespmem:s8+$0xFFFF3CE0];
	v16 =	vadd.f32 v12, v4;
	v12 =	vadd.f32 v14, v4;
	vm0 =	vgt.f32 v15, $0.0e+00;
	v15 =	vpop (erf)  }
0x4fe: {  	s29 =	simm.s32 $0x8;
	s9 =	simm.s32 $0x11270;
	[tilespmem:s7+$0xFFFF3CD0] =	vst v20;
	v14 =	vadd.f32 v19, v4;
	vm1 =	vgt.f32 v10, $0.0e+00;
	v10 =	vld [tilespmem:s8+$0xFFFF3CF0];
	v18 =	vmul.f32 v15, v22;
	v15 =	vpop (erf)  }
.LBB2_46:
0x4ff: {  	s29 =	sadd.s32 $0x8, s29;
	vm7 =	vgt.f32 v5, $0.0e+00;
	v5 =	vld [tilespmem:s9+$0x70];
	v19 =	vpop (erf);
	[tilespmem:s7+$0xFFFF3CE0] =	vst v17  }
0x500: {  	v17 =	vld [tilespmem:s9+$0x0];
	p0 =	slt.u32 s29, $0x268;
	v9 =	vmul.f32 v19, v9;
	v18 =	vnsel vm7, $0x0, v18;
	v19 =	vpop (erf);
	[tilespmem:s7+$0xFFFF3CF0] =	vst v16  }
0x501: {  	v16 =	vld [tilespmem:s9+$0x10];
	v8 =	vmul.f32 v19, v8;
	v18 =	vadd.f32 v18, v4;
	v19 =	vpop (erf);
	[tilespmem:s7+$0xFFFF3D00] =	vst v12  }
0x502: {  	v12 =	vld [tilespmem:s9+$0x20];
	v20 =	vnsel vm5, $0x0, v9;
	v19 =	vmul.f32 v19, v11;
	v11 =	vpop (erf);
	[tilespmem:s7+$0xFFFF3D10] =	vst v14;
	s7 =	smov.u32 s8;
	s8 =	smov.u32 s9  }
0x503: {  	v14 =	vld [tilespmem:s9+$0x30];
	v13 =	vmul.f32 v15, v13;
	v15 =	vnsel vm4, $0x0, v8;
	v8 =	vmul.f32 v11, v10;
	[tilespmem:s7+$0xFFFF3D20] =	vst v18;
	v10 =	vpop (erf)  }
0x504: {  	v11 =	vld [tilespmem:s9+$0x40];
	(erf) = vrcp.f32 v5;
	v18 =	vnsel vm3, $0x0, v19;
	v6 =	vmul.f32 v10, v6;
	v9 =	vpop (erf)  }
0x505: {  	vm7 =	vgt.f32 v17, $0.0e+00;
	v10 =	vld [tilespmem:s9+$0x50];
	(erf) = vrcp.f32 v17;
	v7 =	vmul.f32 v9, v7  }
0x506: {  	v13 =	vnsel vm6, $0x0, v13;
	vm5 =	vgt.f32 v16, $0.0e+00;
	v17 =	vld [tilespmem:s9+$0x60];
	(erf) = vrcp.f32 v16  }
0x507: {  	v9 =	vld [tilespmem:s9+$0xFFFF3CC0];
	vm4 =	vgt.f32 v12, $0.0e+00;
	(erf) = vrcp.f32 v12;
	v12 =	vnsel vm0, $0x0, v8  }
0x508: {  	v8 =	vld [tilespmem:s9+$0xFFFF3CD0];
	vm3 =	vgt.f32 v14, $0.0e+00;
	(erf) = vrcp.f32 v14;
	v14 =	vnsel vm1, $0x0, v6  }
0x509: {  	v21 =	vnsel vm2, $0x0, v7;
	vm0 =	vgt.f32 v11, $0.0e+00;
	v19 =	vld [tilespmem:s9+$0xFFFF3D20];
	(erf) = vrcp.f32 v11  }
.Ltmp23:
0x50a: {  	v7 =	vadd.f32 v13, v4;
	v11 =	vld [tilespmem:s9+$0xFFFF3CE0];
	vm1 =	vgt.f32 v10, $0.0e+00;
	(erf) = vrcp.f32 v10;
	(pc) =	sbr.rel @p0 .LBB2_46-.Ltmp23, $4  }
0x50b: {  	v13 =	vadd.f32 v20, v4;
	v10 =	vld [tilespmem:s9+$0xFFFF3CF0];
	vm2 =	vgt.f32 v17, $0.0e+00;
	(erf) = vrcp.f32 v17  }
0x50c: {  	vm6 =	vmmov vm7;
	v20 =	vadd.f32 v15, v4;
	v17 =	vadd.f32 v18, v4;
	v6 =	vld [tilespmem:s9+$0xFFFF3D00];
	[tilespmem:s7+$0xFFFF3CB0] =	vst v7  }
0x50d: {  	v16 =	vadd.f32 v12, v4;
	v12 =	vadd.f32 v14, v4;
	v7 =	vld [tilespmem:s9+$0xFFFF3D10];
	v15 =	vpop (erf);
	[tilespmem:s7+$0xFFFF3CC0] =	vst v13  }
0x50e: {  	v14 =	vadd.f32 v21, v4;
	s9 =	sadd.s32 $0x80, s9;
	v13 =	vld [tilespmem:s8+$0xFFFF3CB0];
	v18 =	vmul.f32 v15, v19;
	v15 =	vpop (erf);
	[tilespmem:s7+$0xFFFF3CD0] =	vst v20  }
0x50f: {  	_ =	sdelay $0x2  }
0x510: {  	vm7 =	vgt.f32 v5, $0.0e+00;
	v5 =	vpop (erf)  }
0x511: {  	v5 =	vmul.f32 v5, v9;
	v9 =	vnsel vm7, $0x0, v18;
	v13 =	vmul.f32 v15, v13  }
0x512: {  	[tilespmem:s7+$0xFFFF3CE0] =	vst v17;
	v9 =	vadd.f32 v9, v4  }
0x513: {  	[tilespmem:s7+$0xFFFF3CF0] =	vst v16;
	v15 =	vpop (erf)  }
0x514: {  	[tilespmem:s7+$0xFFFF3D00] =	vst v12;
	v5 =	vnsel vm5, $0x0, v5;
	v8 =	vmul.f32 v15, v8;
	v15 =	vpop (erf)  }
0x515: {  	[tilespmem:s7+$0xFFFF3D10] =	vst v14;
	v5 =	vadd.f32 v5, v4;
	v12 =	vnsel vm6, $0x0, v13;
	v11 =	vmul.f32 v15, v11;
	v13 =	vpop (erf)  }
0x516: {  	[tilespmem:s8+$0xFFFF3D20] =	vst v9;
	v12 =	vadd.f32 v12, v4;
	v8 =	vnsel vm4, $0x0, v8;
	v10 =	vmul.f32 v13, v10;
	v9 =	vpop (erf)  }
0x517: {  	[tilespmem:s8+$0xFFFF3CC0] =	vst v5;
	v11 =	vnsel vm3, $0x0, v11;
	v8 =	vadd.f32 v8, v4;
	v6 =	vmul.f32 v9, v6;
	v9 =	vpop (erf)  }
0x518: {  	[tilespmem:s8+$0xFFFF3CB0] =	vst v12;
	v7 =	vmul.f32 v9, v7;
	v9 =	vnsel vm0, $0x0, v10;
	v10 =	vadd.f32 v11, v4  }
0x519: {  	[tilespmem:s8+$0xFFFF3CD0] =	vst v8;
	v5 =	vnsel vm1, $0x0, v6;
	v6 =	vadd.f32 v9, v4  }
0x51a: {  	v7 =	vnsel vm2, $0x0, v7;
	v5 =	vadd.f32 v5, v4;
	[tilespmem:s8+$0xFFFF3CE0] =	vst v10  }
0x51b: {  	v7 =	vadd.f32 v7, v4;
	[tilespmem:s8+$0xFFFF3CF0] =	vst v6  }
0x51c: {  	[tilespmem:s8+$0xFFFF3D00] =	vst v5  }
0x51d: {  	[tilespmem:s8+$0xFFFF3D10] =	vst v7  }
0x51e: {  	v5 =	vld [tilespmem:$0x13870];
	_ =	sdelay $0x4  }
0x51f: {  	(erf) = vrcp.f32 v5;
	_ =	sdelay $0x4  }
0x520: {  	v6 =	vld [tilespmem:$0x7520];
	_ =	sdelay $0x3  }
0x521: {  	v7 =	vpop (erf)  }
0x522: {  	v6 =	vmul.f32 v7, v6  }
0x523: {  	vm0 =	vgt.f32 v5, $0.0e+00  }
0x524: {  	v5 =	vnsel vm0, $0x0, v6  }
0x525: {  	v4 =	vadd.f32 v5, v4;
	_ =	sdelay $0x1  }
0x526: {  	[tilespmem:$0x7520] =	vst v4  }
0x527: {  	[tilespmem:s1], [sflag:$0x1] =	stream.linear.gather [hbm4b:s18+s2], $0x10, $0x38;
	[tilespmem:$0x17800] =	vst v63  }
0x528: {  	_ =	swait.ge [sflag:s28], $0x10  }
0x529: {  	[sflag:s28] =	ssyncset.done $0x0  }
0x52a: {  	s7 =	simm.s32 $0x11170;
	[sflag:s28] =	ssyncadd.s32 $0xFFFFFFF0  }
0x52b: {  	v6 =	vld [tilespmem:s7+$0x70]  }
0x52c: {  	v4 =	vld [tilespmem:$0x17780]  }
0x52d: {  	v5 =	vld [tilespmem:s7+$0x0]  }
0x52e: {  	v7 =	vld [tilespmem:s7+$0x10]  }
0x52f: {  	v8 =	vld [tilespmem:s7+$0x20]  }
0x530: {  	v9 =	vld [tilespmem:s7+$0x30];
	(erf) = vrcp.f32 v6  }
0x531: {  	v10 =	vld [tilespmem:s7+$0x40]  }
0x532: {  	v11 =	vld [tilespmem:s7+$0x50]  }
0x533: {  	v12 =	vld [tilespmem:s7+$0x60];
	(erf) = vrcp.f32 v5  }
0x534: {  	v13 =	vld [tilespmem:s7+$0xFFFF63D0];
	(erf) = vrcp.f32 v7  }
0x535: {  	v15 =	vld [tilespmem:s7+$0xFFFF6430];
	(erf) = vrcp.f32 v8  }
0x536: {  	v14 =	vld [tilespmem:s7+$0xFFFF63E0];
	(erf) = vrcp.f32 v9  }
0x537: {  	v16 =	vld [tilespmem:s7+$0xFFFF63F0];
	(erf) = vrcp.f32 v10  }
0x538: {  	v17 =	vld [tilespmem:s7+$0xFFFF6400];
	(erf) = vrcp.f32 v11  }
0x539: {  	vm4 =	vgt.f32 v5, $0.0e+00;
	vm5 =	vgt.f32 v7, $0.0e+00;
	v7 =	vld [tilespmem:s7+$0xFFFF63C0];
	(erf) = vrcp.f32 v12;
	v5 =	vpop (erf)  }
0x53a: {  	v18 =	vld [tilespmem:s7+$0xFFFF6410];
	vm6 =	vgt.f32 v8, $0.0e+00;
	v8 =	vmul.f32 v5, v15  }
0x53b: {  	s8 =	simm.s32 $0x111F0;
	v19 =	vld [tilespmem:s7+$0xFFFF6420];
	vm7 =	vgt.f32 v6, $0.0e+00  }
0x53c: {  	vm3 =	vgt.f32 v9, $0.0e+00;
	v9 =	vpop (erf);
	v5 =	vld [tilespmem:s8+$0x70];
	v8 =	vnsel vm7, $0x0, v8  }
0x53d: {  	vm2 =	vgt.f32 v10, $0.0e+00;
	vm0 =	vgt.f32 v11, $0.0e+00;
	v10 =	vld [tilespmem:s8+$0x0];
	v6 =	vpop (erf)  }
0x53e: {  	vm1 =	vgt.f32 v12, $0.0e+00;
	vm4 =	vmmov vm4;
	v12 =	vld [tilespmem:s8+$0x10];
	v7 =	vmul.f32 v9, v7;
	v11 =	vpop (erf)  }
0x53f: {  	v6 =	vmul.f32 v6, v13;
	v11 =	vmul.f32 v11, v14;
	v13 =	vadd.f32 v8, v4;
	v14 =	vld [tilespmem:s8+$0x20];
	v8 =	vpop (erf)  }
0x540: {  	v7 =	vnsel vm4, $0x0, v7;
	v8 =	vmul.f32 v8, v16;
	v15 =	vpop (erf);
	v16 =	vld [tilespmem:s8+$0x30]  }
0x541: {  	v20 =	vnsel vm6, $0x0, v11;
	v11 =	vmul.f32 v15, v17;
	v9 =	vpop (erf);
	v15 =	vld [tilespmem:s8+$0x40];
	(erf) = vrcp.f32 v5  }
0x542: {  	vm6 =	vgt.f32 v10, $0.0e+00;
	v17 =	vmul.f32 v9, v18;
	v9 =	vpop (erf);
	(erf) = vrcp.f32 v10;
	v10 =	vld [tilespmem:s8+$0x50]  }
0x543: {  	v21 =	vld [tilespmem:s8+$0x60];
	v6 =	vnsel vm5, $0x0, v6;
	vm5 =	vgt.f32 v12, $0.0e+00;
	(erf) = vrcp.f32 v12  }
0x544: {  	v22 =	vld [tilespmem:s8+$0xFFFF6430];
	v7 =	vadd.f32 v7, v4;
	[tilespmem:s7+$0xFFFF6430] =	vst v13;
	v13 =	vadd.f32 v6, v4;
	(erf) = vrcp.f32 v14  }
0x545: {  	v6 =	vld [tilespmem:s8+$0xFFFF6410];
	v20 =	vadd.f32 v20, v4;
	vm6 =	vmmov vm6;
	(erf) = vrcp.f32 v16  }
0x546: {  	[tilespmem:s7+$0xFFFF63C0] =	vst v7;
	v7 =	vld [tilespmem:s8+$0xFFFF6420];
	v18 =	vnsel vm3, $0x0, v8;
	vm4 =	vgt.f32 v14, $0.0e+00;
	(erf) = vrcp.f32 v15  }
0x547: {  	[tilespmem:s7+$0xFFFF63D0] =	vst v13;
	v13 =	vld [tilespmem:s8+$0xFFFF63C0];
	v19 =	vmul.f32 v9, v19;
	v12 =	vnsel vm2, $0x0, v11;
	(erf) = vrcp.f32 v10  }
0x548: {  	v9 =	vld [tilespmem:s8+$0xFFFF63D0];
	vm2 =	vgt.f32 v21, $0.0e+00;
	v14 =	vnsel vm0, $0x0, v17;
	(erf) = vrcp.f32 v21  }
0x549: {  	v8 =	vld [tilespmem:s8+$0xFFFF63E0];
	v17 =	vadd.f32 v18, v4;
	vm3 =	vgt.f32 v16, $0.0e+00;
	v19 =	vnsel vm1, $0x0, v19  }
0x54a: {  	v11 =	vld [tilespmem:s8+$0xFFFF63F0];
	v16 =	vadd.f32 v12, v4;
	v12 =	vadd.f32 v14, v4;
	vm0 =	vgt.f32 v15, $0.0e+00;
	v15 =	vpop (erf)  }
0x54b: {  	s29 =	simm.s32 $0x8;
	s9 =	simm.s32 $0x11270;
	[tilespmem:s7+$0xFFFF63E0] =	vst v20;
	v14 =	vadd.f32 v19, v4;
	vm1 =	vgt.f32 v10, $0.0e+00;
	v10 =	vld [tilespmem:s8+$0xFFFF6400];
	v18 =	vmul.f32 v15, v22;
	v15 =	vpop (erf)  }
.LBB2_48:
0x54c: {  	s29 =	sadd.s32 $0x8, s29;
	vm7 =	vgt.f32 v5, $0.0e+00;
	v5 =	vld [tilespmem:s9+$0x70];
	v19 =	vpop (erf);
	[tilespmem:s7+$0xFFFF63F0] =	vst v17  }
0x54d: {  	v17 =	vld [tilespmem:s9+$0x0];
	p0 =	slt.u32 s29, $0x268;
	v9 =	vmul.f32 v19, v9;
	v18 =	vnsel vm7, $0x0, v18;
	v19 =	vpop (erf);
	[tilespmem:s7+$0xFFFF6400] =	vst v16  }
0x54e: {  	v16 =	vld [tilespmem:s9+$0x10];
	v8 =	vmul.f32 v19, v8;
	v18 =	vadd.f32 v18, v4;
	v19 =	vpop (erf);
	[tilespmem:s7+$0xFFFF6410] =	vst v12  }
0x54f: {  	v12 =	vld [tilespmem:s9+$0x20];
	v20 =	vnsel vm5, $0x0, v9;
	v19 =	vmul.f32 v19, v11;
	v11 =	vpop (erf);
	[tilespmem:s7+$0xFFFF6420] =	vst v14;
	s7 =	smov.u32 s8;
	s8 =	smov.u32 s9  }
0x550: {  	v14 =	vld [tilespmem:s9+$0x30];
	v13 =	vmul.f32 v15, v13;
	v15 =	vnsel vm4, $0x0, v8;
	v8 =	vmul.f32 v11, v10;
	[tilespmem:s7+$0xFFFF6430] =	vst v18;
	v10 =	vpop (erf)  }
0x551: {  	v11 =	vld [tilespmem:s9+$0x40];
	(erf) = vrcp.f32 v5;
	v18 =	vnsel vm3, $0x0, v19;
	v6 =	vmul.f32 v10, v6;
	v9 =	vpop (erf)  }
0x552: {  	vm7 =	vgt.f32 v17, $0.0e+00;
	v10 =	vld [tilespmem:s9+$0x50];
	(erf) = vrcp.f32 v17;
	v7 =	vmul.f32 v9, v7  }
0x553: {  	v13 =	vnsel vm6, $0x0, v13;
	vm5 =	vgt.f32 v16, $0.0e+00;
	v17 =	vld [tilespmem:s9+$0x60];
	(erf) = vrcp.f32 v16  }
0x554: {  	v9 =	vld [tilespmem:s9+$0xFFFF63D0];
	vm4 =	vgt.f32 v12, $0.0e+00;
	(erf) = vrcp.f32 v12;
	v12 =	vnsel vm0, $0x0, v8  }
0x555: {  	v8 =	vld [tilespmem:s9+$0xFFFF63E0];
	vm3 =	vgt.f32 v14, $0.0e+00;
	(erf) = vrcp.f32 v14;
	v14 =	vnsel vm1, $0x0, v6  }
0x556: {  	v21 =	vnsel vm2, $0x0, v7;
	vm0 =	vgt.f32 v11, $0.0e+00;
	v19 =	vld [tilespmem:s9+$0xFFFF6430];
	(erf) = vrcp.f32 v11  }
.Ltmp24:
0x557: {  	v7 =	vadd.f32 v13, v4;
	v11 =	vld [tilespmem:s9+$0xFFFF63F0];
	vm1 =	vgt.f32 v10, $0.0e+00;
	(erf) = vrcp.f32 v10;
	(pc) =	sbr.rel @p0 .LBB2_48-.Ltmp24, $4  }
0x558: {  	v13 =	vadd.f32 v20, v4;
	v10 =	vld [tilespmem:s9+$0xFFFF6400];
	vm2 =	vgt.f32 v17, $0.0e+00;
	(erf) = vrcp.f32 v17  }
0x559: {  	vm6 =	vmmov vm7;
	v20 =	vadd.f32 v15, v4;
	v17 =	vadd.f32 v18, v4;
	v6 =	vld [tilespmem:s9+$0xFFFF6410];
	[tilespmem:s7+$0xFFFF63C0] =	vst v7  }
0x55a: {  	v16 =	vadd.f32 v12, v4;
	v12 =	vadd.f32 v14, v4;
	v7 =	vld [tilespmem:s9+$0xFFFF6420];
	v15 =	vpop (erf);
	[tilespmem:s7+$0xFFFF63D0] =	vst v13  }
0x55b: {  	v14 =	vadd.f32 v21, v4;
	s9 =	sadd.s32 $0x80, s9;
	v13 =	vld [tilespmem:s8+$0xFFFF63C0];
	v18 =	vmul.f32 v15, v19;
	v15 =	vpop (erf);
	[tilespmem:s7+$0xFFFF63E0] =	vst v20  }
0x55c: {  	vm7 =	vgt.f32 v5, $0.0e+00;
	v5 =	vpop (erf)  }
0x55d: {  	[tilespmem:s7+$0xFFFF63F0] =	vst v17;
	v5 =	vmul.f32 v5, v9;
	v54 =	vpop (erf)  }
0x55e: {  	[tilespmem:s7+$0xFFFF6400] =	vst v16;
	v53 =	vnsel vm7, $0x0, v18;
	v8 =	vmul.f32 v54, v8;
	v55 =	vpop (erf)  }
0x55f: {  	[tilespmem:s7+$0xFFFF6410] =	vst v12;
	v9 =	vadd.f32 v53, v4;
	v5 =	vnsel vm5, $0x0, v5;
	v11 =	vmul.f32 v55, v11  }
0x560: {  	[tilespmem:s7+$0xFFFF6420] =	vst v14;
	v57 =	vpop (erf);
	v13 =	vmul.f32 v15, v13;
	v8 =	vnsel vm4, $0x0, v8;
	v5 =	vadd.f32 v5, v4  }
0x561: {  	v10 =	vmul.f32 v57, v10;
	[tilespmem:s8+$0xFFFF6430] =	vst v9;
	v58 =	vpop (erf);
	v11 =	vnsel vm3, $0x0, v11;
	v8 =	vadd.f32 v8, v4  }
0x562: {  	v6 =	vmul.f32 v58, v6;
	v59 =	vpop (erf);
	v56 =	vnsel vm6, $0x0, v13;
	v61 =	vadd.f32 v11, v4;
	[tilespmem:s8+$0xFFFF63D0] =	vst v5  }
0x563: {  	v7 =	vmul.f32 v59, v7;
	v60 =	vnsel vm0, $0x0, v10;
	v12 =	vadd.f32 v56, v4;
	[tilespmem:s8+$0xFFFF63E0] =	vst v8  }
0x564: {  	v5 =	vnsel vm1, $0x0, v6;
	v62 =	vadd.f32 v60, v4;
	[tilespmem:s8+$0xFFFF63F0] =	vst v61  }
0x565: {  	v7 =	vnsel vm2, $0x0, v7;
	v5 =	vadd.f32 v5, v4;
	[tilespmem:s8+$0xFFFF63C0] =	vst v12  }
0x566: {  	v7 =	vadd.f32 v7, v4;
	[tilespmem:s8+$0xFFFF6400] =	vst v62  }
0x567: {  	[tilespmem:s8+$0xFFFF6410] =	vst v5  }
0x568: {  	[tilespmem:s8+$0xFFFF6420] =	vst v7  }
0x569: {  	v5 =	vld [tilespmem:$0x13870];
	_ =	sdelay $0x4  }
0x56a: {  	(erf) = vrcp.f32 v5;
	_ =	sdelay $0x4  }
0x56b: {  	v6 =	vld [tilespmem:$0x9C30];
	_ =	sdelay $0x3  }
0x56c: {  	v63 =	vpop (erf)  }
0x56d: {  	v6 =	vmul.f32 v63, v6  }
0x56e: {  	vm15 =	vgt.f32 v5, $0.0e+00  }
0x56f: {  	v5 =	vnsel vm15, $0x0, v6  }
0x570: {  	s0 =	sadd.s32 $0x1, s0;
	v4 =	vadd.f32 v5, v4  }
0x571: {  	p0 =	sne.s32 s0, s26  }
.Ltmp25:
0x572: {  	[tilespmem:$0x9C30] =	vst v4;
	(pc) =	sbr.rel @p0 .LBB2_1-.Ltmp25, $4  }
0x573: {  	[hbm4b:s22+s2] =	stream.linear.scatter [tilespmem:s2], [sflag:$0x1], $0x9C40, $0x38;
	[tilespmem:$0x17800] =	vst v63  }
0x574: {  	_ =	swait.ge [sflag:s28], $0x9C40  }
0x575: {  	[sflag:s28] =	ssyncset.done $0x0  }
0x576: {  	[sflag:s28] =	ssyncadd.s32 $0xFFFF63C0  }
0x577: {  	_ =	sfence.sel $0x180000  }
0x578: {  	[bflag:$0x0] =	sbarrier.arrive $0xFFFF  }
0x579: {  	_ =	strace $0x90000047  }
0x57a: {  	s0 =	stileid.u32;
	[bflag:$0x2] =	sbarrier.arrive $0xFFFF  }
0x57b: {  	p0 =	sne.s32 s0, $0x0;
	s0 =	rddreg [dreg:$0x2]  }
0x57c: {  	s0 =	sadd.s32 @!p0 $0x100000, s0  }
0x57d: {  	[sflag:s0] =	ssyncadd.tile.s32 @!p0 $0x1;
	_ =	shalt  }
.Lfunc_end2:
_tile_overlayer_lowered:
.L_overlay_start_2:
0x57e: {  	(tag) =	ssettag $0x2  }
0x57f: {  	s0 =	rddreg [dreg:$0x0];
	s2 =	stileid.u32  }
0x580: {  	s1 =	rddreg [dreg:$0x1];
	p0 =	sne.s32 s2, $0x0  }
0x581: {  	s3 =	rddreg [dreg:$0x2];
	[bflag:$0x3] =	sbarrier.arrive $0xFFFF;
	s2 =	simm.s32 @!p0 $0x1C01  }
0x582: {  	[timem:s3], [sflag:s2] =	dma.local @!p0 [hbm:s0], s1  }
0x583: {  	s0 =	simm.s32 @!p0 $0x1  }
0x584: {  	_ =	swait.ge @!p0 [sflag:s0], s1  }
0x585: {  	s1 =	ssub.s32 @!p0 $0x0, s1;
	[sflag:s0] =	ssyncset.done @!p0 $0x0  }
0x586: {  	[sflag:s0] =	ssyncadd.s32 @!p0 s1  }
0x587: {  	[bflag:$0x3] =	sbarrier.arrive $0xFFFF  }
0x588: {  	_ =	shalt  }

</sc_bundles>
